<compile_context>
chip_gen: v7x
topology: tpu7x:2x2x1
jax: 0.10.2.dev20260603
libtpu: 0.0.44.dev20260713+nightly
codegen_flags: <defaults>
</compile_context>

<pallas_src>
import functools

import jax
import jax.numpy as jnp
from jax import lax
from jax.experimental import pallas as pl
from jax.experimental.pallas import tpu as pltpu
from jax.experimental.pallas import tpu_sc as plsc

N_NODES = 10000
N_EDGES = 320000
D_IN = 128
D_EDGE = 16
D_OUT = 128

NC = 2
NS = 16
NW = NC * NS
L = 16
BLK = 64
EPT = 10112
NBLK = EPT // BLK
E_PAD = NW * EPT
NP = 10240
SPAN = NP // NS
DROW = 80
ROW_BLOCK = 1280


def _prep_body(nf_ref, wt_ref, w13_ref, z_ref, st_ref):
    z = jnp.dot(nf_ref[...], wt_ref[...], preferred_element_type=jnp.float32)
    z_ref[...] = z
    st_ref[...] = jnp.dot(z, w13_ref[...], preferred_element_type=jnp.float32)


def _ef_body(efeat_ref, w2_ref, ef_ref):
    ef_ref[...] = jnp.dot(efeat_ref[...], w2_ref[...],
                          preferred_element_type=jnp.float32)


def _densum_body(dp_ref, o_ref):
    o_ref[...] = jnp.sum(dp_ref[...], axis=0)


def _comb_body(a_ref, d_ref, o_ref):
    d = d_ref[...]
    r = jnp.where(d > 0.0, 1.0 / d, 1.0)
    o_ref[...] = (a_ref[0] + a_ref[1]) * r


_sc_mesh = plsc.VectorSubcoreMesh(core_axis_name="c", subcore_axis_name="s",
                                  num_cores=NC)


@functools.partial(
    pl.kernel,
    out_type=[
        jax.ShapeDtypeStruct((NC, NP, D_OUT), jnp.float32),
        jax.ShapeDtypeStruct((NW, DROW, 128), jnp.float32),
    ],
    mesh=_sc_mesh,
    scratch_types=[
        pltpu.VMEM((2 * BLK,), jnp.int32),
        pltpu.VMEM((2 * BLK,), jnp.int32),
        pltpu.VMEM((BLK,), jnp.int32),
        pltpu.VMEM((BLK,), jnp.int32),
        pltpu.VMEM((BLK,), jnp.int32),
        pltpu.VMEM((BLK,), jnp.int32),
        pltpu.VMEM((N_NODES,), jnp.float32),
        pltpu.VMEM((N_NODES,), jnp.float32),
        pltpu.VMEM((BLK, D_OUT), jnp.float32),
        pltpu.VMEM((BLK, D_OUT), jnp.float32),
        pltpu.VMEM((BLK,), jnp.float32),
        pltpu.VMEM((DROW, 128), jnp.float32),
        pltpu.VMEM_SHARED((NP, D_OUT), jnp.float32),
        pltpu.SemaphoreType.DMA,
        pltpu.SemaphoreType.DMA,
    ],
    compiler_params=pltpu.CompilerParams(needs_layout_passes=False),
)
def _sc_gat(eb_hbm, s_hbm, t_hbm, z_hbm, hacc_hbm, den_hbm,
            eb0, eb1, sidx0, sidx1, dstb0, dstb1,
            s_v, t_v, rows0, rows1, ex_v, den_v, h_sh,
            sem0, sem1):
    sid = lax.axis_index("s")
    cid = lax.axis_index("c")
    wid = cid * NS + sid
    eb = (eb0, eb1)
    sidx = (sidx0, sidx1)
    dstb = (dstb0, dstb1)
    rows = (rows0, rows1)
    sem = (sem0, sem1)
    rbase = wid * NBLK * 2 * BLK

    def _zero_rows(i, carry):
        for c in range(D_OUT // L):
            rows0[i, pl.ds(c * L, L)] = jnp.zeros((L,), jnp.float32)
        return carry

    def _zero_den(i, carry):
        for c in range(128 // L):
            den_v[i, pl.ds(c * L, L)] = jnp.zeros((L,), jnp.float32)
        return carry

    lax.fori_loop(0, BLK, _zero_rows, 0)
    lax.fori_loop(0, DROW, _zero_den, 0)
    for c in range(BLK // L):
        ex_v[pl.ds(c * L, L)] = jnp.zeros((L,), jnp.float32)

    for k in range(SPAN // BLK):
        pltpu.sync_copy(rows0,
                        h_sh.at[pl.ds(sid * SPAN + k * BLK, BLK)])
    plsc.subcore_barrier()

    pltpu.sync_copy(s_hbm, s_v)
    pltpu.sync_copy(t_hbm, t_v)

    def _unpack_src(b):
        for g in range(BLK // L):
            sl = pl.ds(g * L, L)
            sidx[b][sl] = jnp.bitwise_and(eb[b][sl], 0xFFFF)

    for b in range(2):
        pltpu.sync_copy(eb_hbm.at[pl.ds(rbase + b * 2 * BLK, 2 * BLK)], eb[b])
        _unpack_src(b)
        pltpu.async_copy(z_hbm.at[sidx[b]], rows[b], sem[b])

    def _pair(gi, carry):
        for b in range(2):
            j = gi * 2 + b
            pltpu.make_async_copy(z_hbm.at[sidx[b]], rows[b],
                                  sem[b]).wait()

            for g in range(BLK // L):
                sl = pl.ds(g * L, L)
                pk = eb[b][sl]
                dstg = lax.shift_right_logical(pk, 16)
                dstb[b][sl] = dstg
                sv = plsc.load_gather(s_v, [sidx[b][sl]])
                tv = plsc.load_gather(t_v, [dstg])
                efg = plsc.bitcast(eb[b][pl.ds(BLK + g * L, L)], jnp.float32)
                e = sv + tv + efg
                e = jnp.where(e >= 0.0, e, e * jnp.float32(0.01))
                ex = jnp.exp(e)
                gid = wid * EPT + j * BLK + g * L + lax.iota(jnp.int32, L)
                ex = jnp.where(gid < N_EDGES, ex, jnp.float32(0.0))
                ex_v[sl] = ex
                plsc.addupdate_scatter(
                    den_v,
                    [lax.shift_right_logical(dstg, 7),
                     jnp.bitwise_and(dstg, 127)],
                    ex)

            def _scale(i4, carry2, _b=b):
                i = i4 * 4
                for r in range(4):
                    exb = plsc.load_gather(
                        ex_v, [jnp.zeros((L,), jnp.int32) + (i + r)])
                    for c in range(D_OUT // L):
                        cs = pl.ds(c * L, L)
                        rows[_b][i + r, cs] = rows[_b][i + r, cs] * exb
                return carry2

            lax.fori_loop(0, BLK // 4, _scale, 0)

            pltpu.sync_copy(rows[b], h_sh.at[dstb[b]], add=True)

            @pl.when(j + 2 < NBLK)
            def _prefetch(_b=b, _j=j):
                off = rbase + (_j + 2) * 2 * BLK
                pltpu.sync_copy(eb_hbm.at[pl.ds(off, 2 * BLK)], eb[_b])
                _unpack_src(_b)
                pltpu.async_copy(z_hbm.at[sidx[_b]], rows[_b], sem[_b])
        return carry

    lax.fori_loop(0, NBLK // 2, _pair, 0)
    plsc.subcore_barrier()

    pltpu.sync_copy(h_sh.at[pl.ds(sid * SPAN, SPAN)],
                    hacc_hbm.at[cid, pl.ds(sid * SPAN, SPAN)])
    pltpu.sync_copy(den_v, den_hbm.at[wid])


def kernel(nfeats, edge_index, edge_feats, W_fc, W_attn):
    w1 = W_attn[0, :D_OUT]
    w2 = W_attn[0, D_OUT:D_OUT + D_EDGE]
    w3 = W_attn[0, D_OUT + D_EDGE:]
    W13 = jnp.zeros((D_OUT, 128), jnp.float32).at[:, 0].set(w1).at[:, 1].set(w3)
    W2m = jnp.zeros((D_EDGE, 8), jnp.float32).at[:, 0].set(w2)

    z, st = pl.pallas_call(
        _prep_body,
        grid=(10,),
        in_specs=[
            pl.BlockSpec((1000, D_IN), lambda i: (i, 0)),
            pl.BlockSpec((D_IN, D_OUT), lambda i: (0, 0)),
            pl.BlockSpec((D_OUT, 128), lambda i: (0, 0)),
        ],
        out_specs=[
            pl.BlockSpec((1000, D_OUT), lambda i: (i, 0)),
            pl.BlockSpec((1000, 128), lambda i: (i, 0)),
        ],
        out_shape=[
            jax.ShapeDtypeStruct((N_NODES, D_OUT), jnp.float32),
            jax.ShapeDtypeStruct((N_NODES, 128), jnp.float32),
        ],
    )(nfeats, W_fc.T, W13)
    s = st[:, 0]
    t = st[:, 1]

    efp = pl.pallas_call(
        _ef_body,
        grid=(40,),
        in_specs=[
            pl.BlockSpec((8000, D_EDGE), lambda i: (i, 0)),
            pl.BlockSpec((D_EDGE, 8), lambda i: (0, 0)),
        ],
        out_specs=pl.BlockSpec((8000, 8), lambda i: (i, 0)),
        out_shape=jax.ShapeDtypeStruct((N_EDGES, 8), jnp.float32),
    )(edge_feats, W2m)
    ef = efp[:, 0]

    src = edge_index[0].astype(jnp.int32)
    dst = edge_index[1].astype(jnp.int32)
    pad = E_PAD - N_EDGES
    pk = jnp.pad(src | (dst << 16), (0, pad)).reshape(-1, BLK)
    efi = jnp.pad(lax.bitcast_convert_type(ef, jnp.int32), (0, pad))
    ebf = jnp.stack([pk, efi.reshape(-1, BLK)], axis=1).reshape(-1)

    hacc, denp = _sc_gat(ebf, s, t, z)

    densum = pl.pallas_call(
        _densum_body,
        grid=(1,),
        in_specs=[pl.BlockSpec((NW, DROW, 128), lambda i: (0, 0, 0))],
        out_specs=pl.BlockSpec((DROW, 128), lambda i: (0, 0)),
        out_shape=jax.ShapeDtypeStruct((DROW, 128), jnp.float32),
    )(denp)
    d = densum.reshape(DROW * 128).reshape(NP, 1)

    h = pl.pallas_call(
        _comb_body,
        grid=(NP // ROW_BLOCK,),
        in_specs=[
            pl.BlockSpec((NC, ROW_BLOCK, D_OUT), lambda i: (0, i, 0)),
            pl.BlockSpec((ROW_BLOCK, 1), lambda i: (i, 0)),
        ],
        out_specs=pl.BlockSpec((ROW_BLOCK, D_OUT), lambda i: (i, 0)),
        out_shape=jax.ShapeDtypeStruct((NP, D_OUT), jnp.float32),
    )(hacc, d)
    return h[:N_NODES]

# --- scband reference (transcript-rebuilt; emitter-appended) ---
"""Pipeline reference for scband-gatlayer-39616778338734 (READ-ONLY COPY).

The authoritative reference and input builder live on the scoring server;
editing this copy changes nothing except your own understanding.
"""

import jax, jax.numpy as jnp
import numpy as np

N_NODES = 10000
N_EDGES = 320000
D_IN = 128
D_EDGE = 16
D_OUT = 128


def setup_inputs(seed: int = 0) -> dict:
    key = jax.random.key(seed)
    k0, k1, k2, k3, k4 = jax.random.split(key, 5)
    nfeats = jax.random.normal(k0, (N_NODES, D_IN), dtype=jnp.float32)
    edge_index = jax.random.randint(k1, (2, N_EDGES), 0, N_NODES)
    edge_feats = jax.random.normal(k2, (N_EDGES, D_EDGE), dtype=jnp.float32)
    # learned params (xavier-normal-ish scaling, gain for relu ~ sqrt(2))
    gain = float(np.sqrt(2.0))
    std_fc = gain * float(np.sqrt(2.0 / (D_IN + D_OUT)))
    W_fc = jax.random.normal(k3, (D_OUT, D_IN), dtype=jnp.float32) * std_fc
    attn_in = 2 * D_OUT + D_EDGE
    std_attn = gain * float(np.sqrt(2.0 / (attn_in + 1)))
    W_attn = jax.random.normal(k4, (1, attn_in), dtype=jnp.float32) * std_attn
    return {"nfeats": nfeats, "edge_index": edge_index, "edge_feats": edge_feats,
            "W_fc": W_fc, "W_attn": W_attn}


def reference(nfeats, edge_index, edge_feats, W_fc, W_attn):
    N = nfeats.shape[0]
    src = edge_index[0]
    dst = edge_index[1]
    # z = fc(nfeats)  (no bias)
    z = nfeats @ W_fc.T                                   # [N, D_OUT]
    # edge attention: a = attn_fc(cat([z_src, e_feat, z_dst])); e = leaky_relu(a)
    stacked = jnp.concatenate([z[src], edge_feats, z[dst]], axis=1)  # [E, 2*D_OUT+D_EDGE]
    a = stacked @ W_attn.T                                # [E, 1]
    e = jax.nn.leaky_relu(a[:, 0], negative_slope=0.01)   # [E]
    # softmax over incoming edges per destination node (DGL mailbox softmax)
    m = jax.ops.segment_max(e, dst, num_segments=N)       # [N]
    m = jnp.where(jnp.isfinite(m), m, 0.0)
    m = jax.lax.stop_gradient(m)
    ex = jnp.exp(e - m[dst])                              # [E]
    denom = jax.ops.segment_sum(ex, dst, num_segments=N)  # [N]
    denom_safe = jnp.where(denom > 0, denom, 1.0)
    alpha = ex / denom_safe[dst]                          # [E]
    # h = sum_over_incoming(alpha * z_src)
    h = jax.ops.segment_sum(alpha[:, None] * z[src], dst, num_segments=N)  # [N, D_OUT]
    return h

if __name__ == "__main__":
    import jax
    _d = setup_inputs()
    print(jax.jit(kernel)(*tuple(_d.values())))

</pallas_src>

<mosaic_0001>
#map = affine_map<(d0, d1) -> (0)>
#map1 = affine_map<(d0, d1) -> (0, 0)>
#map2 = affine_map<(d0, d1) -> (0, 0, 0)>
module attributes {stable_mosaic.version = 14 : i64} {
  func.func @_sc_gat(%arg0: i32, %arg1: i32, %arg2: memref<647168xi32, #tpu.memory_space<hbm>>, %arg3: memref<10000xf32, #tpu.memory_space<hbm>>, %arg4: memref<10000xf32, #tpu.memory_space<hbm>>, %arg5: memref<10000x128xf32, #tpu.memory_space<hbm>>, %arg6: memref<2x10240x128xf32, #tpu.memory_space<hbm>>, %arg7: memref<32x80x128xf32, #tpu.memory_space<hbm>>, %arg8: memref<128xi32, #tpu.memory_space<vmem>>, %arg9: memref<128xi32, #tpu.memory_space<vmem>>, %arg10: memref<64xi32, #tpu.memory_space<vmem>>, %arg11: memref<64xi32, #tpu.memory_space<vmem>>, %arg12: memref<64xi32, #tpu.memory_space<vmem>>, %arg13: memref<64xi32, #tpu.memory_space<vmem>>, %arg14: memref<10000xf32, #tpu.memory_space<vmem>>, %arg15: memref<10000xf32, #tpu.memory_space<vmem>>, %arg16: memref<64x128xf32, #tpu.memory_space<vmem>>, %arg17: memref<64x128xf32, #tpu.memory_space<vmem>>, %arg18: memref<64xf32, #tpu.memory_space<vmem>>, %arg19: memref<80x128xf32, #tpu.memory_space<vmem>>, %arg20: memref<10240x128xf32, #tpu.memory_space<vmem_shared>>, %arg21: memref<!tpu.dma_semaphore, #tpu.memory_space<semaphore_mem>>, %arg22: memref<!tpu.dma_semaphore, #tpu.memory_space<semaphore_mem>>) attributes {dimension_semantics = [#tpu.dimension_semantics<core_parallel>, #tpu.dimension_semantics<subcore_parallel>], iteration_bounds = array<i64: 2, 16>, scalar_prefetch = 0 : i64, scratch_operands = 15 : i64, tpu.core_type = #tpu.core_type<sc_vector_subcore>, window_params = [{transform_indices = #map}, {transform_indices = #map}, {transform_indices = #map}, {transform_indices = #map1}, {transform_indices = #map2}, {transform_indices = #map2}]} {
    %mul3A = arith.constant 16 : i32
    %mul3A_0 = arith.muli %arg0, %mul3A : i32
    %add3A = arith.addi %mul3A_0, %arg1 : i32
    %mul3A_1 = arith.constant 158 : i32
    %mul3A_2 = arith.muli %add3A, %mul3A_1 : i32
    %mul3A_3 = arith.constant 2 : i32
    %mul3A_4 = arith.muli %mul3A_2, %mul3A_3 : i32
    %mul3A_5 = arith.constant 64 : i32
    %mul3A_6 = arith.muli %mul3A_4, %mul3A_5 : i32
    %scan3A = arith.constant 0 : i32
    %scan3A_7 = arith.constant 0 : i32
    %scan3A_8 = arith.constant 64 : i32
    %scan3A_9 = arith.addi %scan3A_7, %scan3A_8 : i32
    %scan3A_10 = arith.constant 1 : i32
    scf.for %scan3A_146 = %scan3A_7 to %scan3A_9 step %scan3A_10  : i32 {
      %broadcast_in_dim3A_147 = arith.constant 0.000000e+00 : f32
      %broadcast_in_dim3A_148 = vector.broadcast %broadcast_in_dim3A_147 : f32 to vector<16xf32>
      %swap3A_149 = arith.index_cast %scan3A_146 : i32 to index
      %swap3A_150 = arith.constant 0 : index
      %swap3A_151 = tpu.vector_load %arg16[%swap3A_149, %swap3A_150] {strides = array<i32>} : memref<64x128xf32, #tpu.memory_space<vmem>>, vector<16xf32>,
      tpu.vector_store %arg16[%swap3A_149, %swap3A_150], %broadcast_in_dim3A_148 {strides = array<i32>} : memref<64x128xf32, #tpu.memory_space<vmem>>, vector<16xf32>,
      %broadcast_in_dim3A_152 = arith.constant 0.000000e+00 : f32
      %broadcast_in_dim3A_153 = vector.broadcast %broadcast_in_dim3A_152 : f32 to vector<16xf32>
      %swap3A_154 = arith.index_cast %scan3A_146 : i32 to index
      %swap3A_155 = arith.constant 16 : index
      %swap3A_156 = tpu.vector_load %arg16[%swap3A_154, %swap3A_155] {strides = array<i32>} : memref<64x128xf32, #tpu.memory_space<vmem>>, vector<16xf32>,
      tpu.vector_store %arg16[%swap3A_154, %swap3A_155], %broadcast_in_dim3A_153 {strides = array<i32>} : memref<64x128xf32, #tpu.memory_space<vmem>>, vector<16xf32>,
      %broadcast_in_dim3A_157 = arith.constant 0.000000e+00 : f32
      %broadcast_in_dim3A_158 = vector.broadcast %broadcast_in_dim3A_157 : f32 to vector<16xf32>
      %swap3A_159 = arith.index_cast %scan3A_146 : i32 to index
      %swap3A_160 = arith.constant 32 : index
      %swap3A_161 = tpu.vector_load %arg16[%swap3A_159, %swap3A_160] {strides = array<i32>} : memref<64x128xf32, #tpu.memory_space<vmem>>, vector<16xf32>,
      tpu.vector_store %arg16[%swap3A_159, %swap3A_160], %broadcast_in_dim3A_158 {strides = array<i32>} : memref<64x128xf32, #tpu.memory_space<vmem>>, vector<16xf32>,
      %broadcast_in_dim3A_162 = arith.constant 0.000000e+00 : f32
      %broadcast_in_dim3A_163 = vector.broadcast %broadcast_in_dim3A_162 : f32 to vector<16xf32>
      %swap3A_164 = arith.index_cast %scan3A_146 : i32 to index
      %swap3A_165 = arith.constant 48 : index
      %swap3A_166 = tpu.vector_load %arg16[%swap3A_164, %swap3A_165] {strides = array<i32>} : memref<64x128xf32, #tpu.memory_space<vmem>>, vector<16xf32>,
      tpu.vector_store %arg16[%swap3A_164, %swap3A_165], %broadcast_in_dim3A_163 {strides = array<i32>} : memref<64x128xf32, #tpu.memory_space<vmem>>, vector<16xf32>,
      %broadcast_in_dim3A_167 = arith.constant 0.000000e+00 : f32
      %broadcast_in_dim3A_168 = vector.broadcast %broadcast_in_dim3A_167 : f32 to vector<16xf32>
      %swap3A_169 = arith.index_cast %scan3A_146 : i32 to index
      %swap3A_170 = arith.constant 64 : index
      %swap3A_171 = tpu.vector_load %arg16[%swap3A_169, %swap3A_170] {strides = array<i32>} : memref<64x128xf32, #tpu.memory_space<vmem>>, vector<16xf32>,
      tpu.vector_store %arg16[%swap3A_169, %swap3A_170], %broadcast_in_dim3A_168 {strides = array<i32>} : memref<64x128xf32, #tpu.memory_space<vmem>>, vector<16xf32>,
      %broadcast_in_dim3A_172 = arith.constant 0.000000e+00 : f32
      %broadcast_in_dim3A_173 = vector.broadcast %broadcast_in_dim3A_172 : f32 to vector<16xf32>
      %swap3A_174 = arith.index_cast %scan3A_146 : i32 to index
      %swap3A_175 = arith.constant 80 : index
      %swap3A_176 = tpu.vector_load %arg16[%swap3A_174, %swap3A_175] {strides = array<i32>} : memref<64x128xf32, #tpu.memory_space<vmem>>, vector<16xf32>,
      tpu.vector_store %arg16[%swap3A_174, %swap3A_175], %broadcast_in_dim3A_173 {strides = array<i32>} : memref<64x128xf32, #tpu.memory_space<vmem>>, vector<16xf32>,
      %broadcast_in_dim3A_177 = arith.constant 0.000000e+00 : f32
      %broadcast_in_dim3A_178 = vector.broadcast %broadcast_in_dim3A_177 : f32 to vector<16xf32>
      %swap3A_179 = arith.index_cast %scan3A_146 : i32 to index
      %swap3A_180 = arith.constant 96 : index
      %swap3A_181 = tpu.vector_load %arg16[%swap3A_179, %swap3A_180] {strides = array<i32>} : memref<64x128xf32, #tpu.memory_space<vmem>>, vector<16xf32>,
      tpu.vector_store %arg16[%swap3A_179, %swap3A_180], %broadcast_in_dim3A_178 {strides = array<i32>} : memref<64x128xf32, #tpu.memory_space<vmem>>, vector<16xf32>,
      %broadcast_in_dim3A_182 = arith.constant 0.000000e+00 : f32
      %broadcast_in_dim3A_183 = vector.broadcast %broadcast_in_dim3A_182 : f32 to vector<16xf32>
      %swap3A_184 = arith.index_cast %scan3A_146 : i32 to index
      %swap3A_185 = arith.constant 112 : index
      %swap3A_186 = tpu.vector_load %arg16[%swap3A_184, %swap3A_185] {strides = array<i32>} : memref<64x128xf32, #tpu.memory_space<vmem>>, vector<16xf32>,
      tpu.vector_store %arg16[%swap3A_184, %swap3A_185], %broadcast_in_dim3A_183 {strides = array<i32>} : memref<64x128xf32, #tpu.memory_space<vmem>>, vector<16xf32>,
    }
    %scan3A_11 = arith.constant 64 : i32
    %scan3A_12 = arith.constant 0 : i32
    %scan3A_13 = arith.constant 0 : i32
    %scan3A_14 = arith.constant 80 : i32
    %scan3A_15 = arith.addi %scan3A_13, %scan3A_14 : i32
    %scan3A_16 = arith.constant 1 : i32
    scf.for %scan3A_146 = %scan3A_13 to %scan3A_15 step %scan3A_16  : i32 {
      %broadcast_in_dim3A_147 = arith.constant 0.000000e+00 : f32
      %broadcast_in_dim3A_148 = vector.broadcast %broadcast_in_dim3A_147 : f32 to vector<16xf32>
      %swap3A_149 = arith.index_cast %scan3A_146 : i32 to index
      %swap3A_150 = arith.constant 0 : index
      %swap3A_151 = tpu.vector_load %arg19[%swap3A_149, %swap3A_150] {strides = array<i32>} : memref<80x128xf32, #tpu.memory_space<vmem>>, vector<16xf32>,
      tpu.vector_store %arg19[%swap3A_149, %swap3A_150], %broadcast_in_dim3A_148 {strides = array<i32>} : memref<80x128xf32, #tpu.memory_space<vmem>>, vector<16xf32>,
      %broadcast_in_dim3A_152 = arith.constant 0.000000e+00 : f32
      %broadcast_in_dim3A_153 = vector.broadcast %broadcast_in_dim3A_152 : f32 to vector<16xf32>
      %swap3A_154 = arith.index_cast %scan3A_146 : i32 to index
      %swap3A_155 = arith.constant 16 : index
      %swap3A_156 = tpu.vector_load %arg19[%swap3A_154, %swap3A_155] {strides = array<i32>} : memref<80x128xf32, #tpu.memory_space<vmem>>, vector<16xf32>,
      tpu.vector_store %arg19[%swap3A_154, %swap3A_155], %broadcast_in_dim3A_153 {strides = array<i32>} : memref<80x128xf32, #tpu.memory_space<vmem>>, vector<16xf32>,
      %broadcast_in_dim3A_157 = arith.constant 0.000000e+00 : f32
      %broadcast_in_dim3A_158 = vector.broadcast %broadcast_in_dim3A_157 : f32 to vector<16xf32>
      %swap3A_159 = arith.index_cast %scan3A_146 : i32 to index
      %swap3A_160 = arith.constant 32 : index
      %swap3A_161 = tpu.vector_load %arg19[%swap3A_159, %swap3A_160] {strides = array<i32>} : memref<80x128xf32, #tpu.memory_space<vmem>>, vector<16xf32>,
      tpu.vector_store %arg19[%swap3A_159, %swap3A_160], %broadcast_in_dim3A_158 {strides = array<i32>} : memref<80x128xf32, #tpu.memory_space<vmem>>, vector<16xf32>,
      %broadcast_in_dim3A_162 = arith.constant 0.000000e+00 : f32
      %broadcast_in_dim3A_163 = vector.broadcast %broadcast_in_dim3A_162 : f32 to vector<16xf32>
      %swap3A_164 = arith.index_cast %scan3A_146 : i32 to index
      %swap3A_165 = arith.constant 48 : index
      %swap3A_166 = tpu.vector_load %arg19[%swap3A_164, %swap3A_165] {strides = array<i32>} : memref<80x128xf32, #tpu.memory_space<vmem>>, vector<16xf32>,
      tpu.vector_store %arg19[%swap3A_164, %swap3A_165], %broadcast_in_dim3A_163 {strides = array<i32>} : memref<80x128xf32, #tpu.memory_space<vmem>>, vector<16xf32>,
      %broadcast_in_dim3A_167 = arith.constant 0.000000e+00 : f32
      %broadcast_in_dim3A_168 = vector.broadcast %broadcast_in_dim3A_167 : f32 to vector<16xf32>
      %swap3A_169 = arith.index_cast %scan3A_146 : i32 to index
      %swap3A_170 = arith.constant 64 : index
      %swap3A_171 = tpu.vector_load %arg19[%swap3A_169, %swap3A_170] {strides = array<i32>} : memref<80x128xf32, #tpu.memory_space<vmem>>, vector<16xf32>,
      tpu.vector_store %arg19[%swap3A_169, %swap3A_170], %broadcast_in_dim3A_168 {strides = array<i32>} : memref<80x128xf32, #tpu.memory_space<vmem>>, vector<16xf32>,
      %broadcast_in_dim3A_172 = arith.constant 0.000000e+00 : f32
      %broadcast_in_dim3A_173 = vector.broadcast %broadcast_in_dim3A_172 : f32 to vector<16xf32>
      %swap3A_174 = arith.index_cast %scan3A_146 : i32 to index
      %swap3A_175 = arith.constant 80 : index
      %swap3A_176 = tpu.vector_load %arg19[%swap3A_174, %swap3A_175] {strides = array<i32>} : memref<80x128xf32, #tpu.memory_space<vmem>>, vector<16xf32>,
      tpu.vector_store %arg19[%swap3A_174, %swap3A_175], %broadcast_in_dim3A_173 {strides = array<i32>} : memref<80x128xf32, #tpu.memory_space<vmem>>, vector<16xf32>,
      %broadcast_in_dim3A_177 = arith.constant 0.000000e+00 : f32
      %broadcast_in_dim3A_178 = vector.broadcast %broadcast_in_dim3A_177 : f32 to vector<16xf32>
      %swap3A_179 = arith.index_cast %scan3A_146 : i32 to index
      %swap3A_180 = arith.constant 96 : index
      %swap3A_181 = tpu.vector_load %arg19[%swap3A_179, %swap3A_180] {strides = array<i32>} : memref<80x128xf32, #tpu.memory_space<vmem>>, vector<16xf32>,
      tpu.vector_store %arg19[%swap3A_179, %swap3A_180], %broadcast_in_dim3A_178 {strides = array<i32>} : memref<80x128xf32, #tpu.memory_space<vmem>>, vector<16xf32>,
      %broadcast_in_dim3A_182 = arith.constant 0.000000e+00 : f32
      %broadcast_in_dim3A_183 = vector.broadcast %broadcast_in_dim3A_182 : f32 to vector<16xf32>
      %swap3A_184 = arith.index_cast %scan3A_146 : i32 to index
      %swap3A_185 = arith.constant 112 : index
      %swap3A_186 = tpu.vector_load %arg19[%swap3A_184, %swap3A_185] {strides = array<i32>} : memref<80x128xf32, #tpu.memory_space<vmem>>, vector<16xf32>,
      tpu.vector_store %arg19[%swap3A_184, %swap3A_185], %broadcast_in_dim3A_183 {strides = array<i32>} : memref<80x128xf32, #tpu.memory_space<vmem>>, vector<16xf32>,
    }
    %scan3A_17 = arith.constant 80 : i32
    %broadcast_in_dim3A = arith.constant 0.000000e+00 : f32
    %broadcast_in_dim3A_18 = vector.broadcast %broadcast_in_dim3A : f32 to vector<16xf32>
    %swap3A = arith.constant 0 : index
    %swap3A_19 = tpu.vector_load %arg18[%swap3A] {strides = array<i32>} : memref<64xf32, #tpu.memory_space<vmem>>, vector<16xf32>,
    tpu.vector_store %arg18[%swap3A], %broadcast_in_dim3A_18 {strides = array<i32>} : memref<64xf32, #tpu.memory_space<vmem>>, vector<16xf32>,
    %broadcast_in_dim3A_20 = arith.constant 0.000000e+00 : f32
    %broadcast_in_dim3A_21 = vector.broadcast %broadcast_in_dim3A_20 : f32 to vector<16xf32>
    %swap3A_22 = arith.constant 16 : index
    %swap3A_23 = tpu.vector_load %arg18[%swap3A_22] {strides = array<i32>} : memref<64xf32, #tpu.memory_space<vmem>>, vector<16xf32>,
    tpu.vector_store %arg18[%swap3A_22], %broadcast_in_dim3A_21 {strides = array<i32>} : memref<64xf32, #tpu.memory_space<vmem>>, vector<16xf32>,
    %broadcast_in_dim3A_24 = arith.constant 0.000000e+00 : f32
    %broadcast_in_dim3A_25 = vector.broadcast %broadcast_in_dim3A_24 : f32 to vector<16xf32>
    %swap3A_26 = arith.constant 32 : index
    %swap3A_27 = tpu.vector_load %arg18[%swap3A_26] {strides = array<i32>} : memref<64xf32, #tpu.memory_space<vmem>>, vector<16xf32>,
    tpu.vector_store %arg18[%swap3A_26], %broadcast_in_dim3A_25 {strides = array<i32>} : memref<64xf32, #tpu.memory_space<vmem>>, vector<16xf32>,
    %broadcast_in_dim3A_28 = arith.constant 0.000000e+00 : f32
    %broadcast_in_dim3A_29 = vector.broadcast %broadcast_in_dim3A_28 : f32 to vector<16xf32>
    %swap3A_30 = arith.constant 48 : index
    %swap3A_31 = tpu.vector_load %arg18[%swap3A_30] {strides = array<i32>} : memref<64xf32, #tpu.memory_space<vmem>>, vector<16xf32>,
    tpu.vector_store %arg18[%swap3A_30], %broadcast_in_dim3A_29 {strides = array<i32>} : memref<64xf32, #tpu.memory_space<vmem>>, vector<16xf32>,
    %mul3A_32 = arith.constant 640 : i32
    %mul3A_33 = arith.muli %arg1, %mul3A_32 : i32
    %add3A_34 = arith.constant 0 : i32
    %add3A_35 = arith.addi %mul3A_33, %add3A_34 : i32
    "tpu.region"() ({
      %run_scoped3A = tpu.sem_alloc : memref<!tpu.dma_semaphore, #tpu.memory_space<semaphore_mem>>
      %dma_start3A_146 = arith.constant 0 : i32
      %dma_start3A_147 = tpu.memref_slice %arg20[%add3A_35, %dma_start3A_146] : memref<10240x128xf32, #tpu.memory_space<vmem_shared>> -> memref<64x128xf32, #tpu.memory_space<vmem_shared>>
      %dma_start3A_148 = arith.constant 0 : i32
      %dma_start3A_149 = tpu.memref_slice %arg20[%add3A_35, %dma_start3A_148] : memref<10240x128xf32, #tpu.memory_space<vmem_shared>> -> memref<64x128xf32, #tpu.memory_space<vmem_shared>>
      tpu.enqueue_dma source(%arg16 : memref<64x128xf32, #tpu.memory_space<vmem>>) target(%dma_start3A_149 : memref<64x128xf32, #tpu.memory_space<vmem_shared>>) target_semaphore(%run_scoped3A : memref<!tpu.dma_semaphore, #tpu.memory_space<semaphore_mem>>)
      %dma_wait3A = arith.constant 0 : i32
      %dma_wait3A_150 = tpu.memref_slice %arg20[%add3A_35, %dma_wait3A] : memref<10240x128xf32, #tpu.memory_space<vmem_shared>> -> memref<64x128xf32, #tpu.memory_space<vmem_shared>>
      %dma_wait3A_151 = arith.constant 0 : i32
      %dma_wait3A_152 = tpu.memref_slice %arg20[%add3A_35, %dma_wait3A_151] : memref<10240x128xf32, #tpu.memory_space<vmem_shared>> -> memref<64x128xf32, #tpu.memory_space<vmem_shared>>
      tpu.wait_dma2 semaphore(%run_scoped3A : memref<!tpu.dma_semaphore, #tpu.memory_space<semaphore_mem>>) src(%arg16 : memref<64x128xf32, #tpu.memory_space<vmem>>) dst(%dma_wait3A_152 : memref<64x128xf32, #tpu.memory_space<vmem_shared>>)
      tpu.yield
    }) : () -> ()
    %mul3A_36 = arith.constant 640 : i32
    %mul3A_37 = arith.muli %arg1, %mul3A_36 : i32
    %add3A_38 = arith.constant 64 : i32
    %add3A_39 = arith.addi %mul3A_37, %add3A_38 : i32
    "tpu.region"() ({
      %run_scoped3A = tpu.sem_alloc : memref<!tpu.dma_semaphore, #tpu.memory_space<semaphore_mem>>
      %dma_start3A_146 = arith.constant 0 : i32
      %dma_start3A_147 = tpu.memref_slice %arg20[%add3A_39, %dma_start3A_146] : memref<10240x128xf32, #tpu.memory_space<vmem_shared>> -> memref<64x128xf32, #tpu.memory_space<vmem_shared>>
      %dma_start3A_148 = arith.constant 0 : i32
      %dma_start3A_149 = tpu.memref_slice %arg20[%add3A_39, %dma_start3A_148] : memref<10240x128xf32, #tpu.memory_space<vmem_shared>> -> memref<64x128xf32, #tpu.memory_space<vmem_shared>>
      tpu.enqueue_dma source(%arg16 : memref<64x128xf32, #tpu.memory_space<vmem>>) target(%dma_start3A_149 : memref<64x128xf32, #tpu.memory_space<vmem_shared>>) target_semaphore(%run_scoped3A : memref<!tpu.dma_semaphore, #tpu.memory_space<semaphore_mem>>)
      %dma_wait3A = arith.constant 0 : i32
      %dma_wait3A_150 = tpu.memref_slice %arg20[%add3A_39, %dma_wait3A] : memref<10240x128xf32, #tpu.memory_space<vmem_shared>> -> memref<64x128xf32, #tpu.memory_space<vmem_shared>>
      %dma_wait3A_151 = arith.constant 0 : i32
      %dma_wait3A_152 = tpu.memref_slice %arg20[%add3A_39, %dma_wait3A_151] : memref<10240x128xf32, #tpu.memory_space<vmem_shared>> -> memref<64x128xf32, #tpu.memory_space<vmem_shared>>
      tpu.wait_dma2 semaphore(%run_scoped3A : memref<!tpu.dma_semaphore, #tpu.memory_space<semaphore_mem>>) src(%arg16 : memref<64x128xf32, #tpu.memory_space<vmem>>) dst(%dma_wait3A_152 : memref<64x128xf32, #tpu.memory_space<vmem_shared>>)
      tpu.yield
    }) : () -> ()
    %mul3A_40 = arith.constant 640 : i32
    %mul3A_41 = arith.muli %arg1, %mul3A_40 : i32
    %add3A_42 = arith.constant 128 : i32
    %add3A_43 = arith.addi %mul3A_41, %add3A_42 : i32
    "tpu.region"() ({
      %run_scoped3A = tpu.sem_alloc : memref<!tpu.dma_semaphore, #tpu.memory_space<semaphore_mem>>
      %dma_start3A_146 = arith.constant 0 : i32
      %dma_start3A_147 = tpu.memref_slice %arg20[%add3A_43, %dma_start3A_146] : memref<10240x128xf32, #tpu.memory_space<vmem_shared>> -> memref<64x128xf32, #tpu.memory_space<vmem_shared>>
      %dma_start3A_148 = arith.constant 0 : i32
      %dma_start3A_149 = tpu.memref_slice %arg20[%add3A_43, %dma_start3A_148] : memref<10240x128xf32, #tpu.memory_space<vmem_shared>> -> memref<64x128xf32, #tpu.memory_space<vmem_shared>>
      tpu.enqueue_dma source(%arg16 : memref<64x128xf32, #tpu.memory_space<vmem>>) target(%dma_start3A_149 : memref<64x128xf32, #tpu.memory_space<vmem_shared>>) target_semaphore(%run_scoped3A : memref<!tpu.dma_semaphore, #tpu.memory_space<semaphore_mem>>)
      %dma_wait3A = arith.constant 0 : i32
      %dma_wait3A_150 = tpu.memref_slice %arg20[%add3A_43, %dma_wait3A] : memref<10240x128xf32, #tpu.memory_space<vmem_shared>> -> memref<64x128xf32, #tpu.memory_space<vmem_shared>>
      %dma_wait3A_151 = arith.constant 0 : i32
      %dma_wait3A_152 = tpu.memref_slice %arg20[%add3A_43, %dma_wait3A_151] : memref<10240x128xf32, #tpu.memory_space<vmem_shared>> -> memref<64x128xf32, #tpu.memory_space<vmem_shared>>
      tpu.wait_dma2 semaphore(%run_scoped3A : memref<!tpu.dma_semaphore, #tpu.memory_space<semaphore_mem>>) src(%arg16 : memref<64x128xf32, #tpu.memory_space<vmem>>) dst(%dma_wait3A_152 : memref<64x128xf32, #tpu.memory_space<vmem_shared>>)
      tpu.yield
    }) : () -> ()
    %mul3A_44 = arith.constant 640 : i32
    %mul3A_45 = arith.muli %arg1, %mul3A_44 : i32
    %add3A_46 = arith.constant 192 : i32
    %add3A_47 = arith.addi %mul3A_45, %add3A_46 : i32
    "tpu.region"() ({
      %run_scoped3A = tpu.sem_alloc : memref<!tpu.dma_semaphore, #tpu.memory_space<semaphore_mem>>
      %dma_start3A_146 = arith.constant 0 : i32
      %dma_start3A_147 = tpu.memref_slice %arg20[%add3A_47, %dma_start3A_146] : memref<10240x128xf32, #tpu.memory_space<vmem_shared>> -> memref<64x128xf32, #tpu.memory_space<vmem_shared>>
      %dma_start3A_148 = arith.constant 0 : i32
      %dma_start3A_149 = tpu.memref_slice %arg20[%add3A_47, %dma_start3A_148] : memref<10240x128xf32, #tpu.memory_space<vmem_shared>> -> memref<64x128xf32, #tpu.memory_space<vmem_shared>>
      tpu.enqueue_dma source(%arg16 : memref<64x128xf32, #tpu.memory_space<vmem>>) target(%dma_start3A_149 : memref<64x128xf32, #tpu.memory_space<vmem_shared>>) target_semaphore(%run_scoped3A : memref<!tpu.dma_semaphore, #tpu.memory_space<semaphore_mem>>)
      %dma_wait3A = arith.constant 0 : i32
      %dma_wait3A_150 = tpu.memref_slice %arg20[%add3A_47, %dma_wait3A] : memref<10240x128xf32, #tpu.memory_space<vmem_shared>> -> memref<64x128xf32, #tpu.memory_space<vmem_shared>>
      %dma_wait3A_151 = arith.constant 0 : i32
      %dma_wait3A_152 = tpu.memref_slice %arg20[%add3A_47, %dma_wait3A_151] : memref<10240x128xf32, #tpu.memory_space<vmem_shared>> -> memref<64x128xf32, #tpu.memory_space<vmem_shared>>
      tpu.wait_dma2 semaphore(%run_scoped3A : memref<!tpu.dma_semaphore, #tpu.memory_space<semaphore_mem>>) src(%arg16 : memref<64x128xf32, #tpu.memory_space<vmem>>) dst(%dma_wait3A_152 : memref<64x128xf32, #tpu.memory_space<vmem_shared>>)
      tpu.yield
    }) : () -> ()
    %mul3A_48 = arith.constant 640 : i32
    %mul3A_49 = arith.muli %arg1, %mul3A_48 : i32
    %add3A_50 = arith.constant 256 : i32
    %add3A_51 = arith.addi %mul3A_49, %add3A_50 : i32
    "tpu.region"() ({
      %run_scoped3A = tpu.sem_alloc : memref<!tpu.dma_semaphore, #tpu.memory_space<semaphore_mem>>
      %dma_start3A_146 = arith.constant 0 : i32
      %dma_start3A_147 = tpu.memref_slice %arg20[%add3A_51, %dma_start3A_146] : memref<10240x128xf32, #tpu.memory_space<vmem_shared>> -> memref<64x128xf32, #tpu.memory_space<vmem_shared>>
      %dma_start3A_148 = arith.constant 0 : i32
      %dma_start3A_149 = tpu.memref_slice %arg20[%add3A_51, %dma_start3A_148] : memref<10240x128xf32, #tpu.memory_space<vmem_shared>> -> memref<64x128xf32, #tpu.memory_space<vmem_shared>>
      tpu.enqueue_dma source(%arg16 : memref<64x128xf32, #tpu.memory_space<vmem>>) target(%dma_start3A_149 : memref<64x128xf32, #tpu.memory_space<vmem_shared>>) target_semaphore(%run_scoped3A : memref<!tpu.dma_semaphore, #tpu.memory_space<semaphore_mem>>)
      %dma_wait3A = arith.constant 0 : i32
      %dma_wait3A_150 = tpu.memref_slice %arg20[%add3A_51, %dma_wait3A] : memref<10240x128xf32, #tpu.memory_space<vmem_shared>> -> memref<64x128xf32, #tpu.memory_space<vmem_shared>>
      %dma_wait3A_151 = arith.constant 0 : i32
      %dma_wait3A_152 = tpu.memref_slice %arg20[%add3A_51, %dma_wait3A_151] : memref<10240x128xf32, #tpu.memory_space<vmem_shared>> -> memref<64x128xf32, #tpu.memory_space<vmem_shared>>
      tpu.wait_dma2 semaphore(%run_scoped3A : memref<!tpu.dma_semaphore, #tpu.memory_space<semaphore_mem>>) src(%arg16 : memref<64x128xf32, #tpu.memory_space<vmem>>) dst(%dma_wait3A_152 : memref<64x128xf32, #tpu.memory_space<vmem_shared>>)
      tpu.yield
    }) : () -> ()
    %mul3A_52 = arith.constant 640 : i32
    %mul3A_53 = arith.muli %arg1, %mul3A_52 : i32
    %add3A_54 = arith.constant 320 : i32
    %add3A_55 = arith.addi %mul3A_53, %add3A_54 : i32
    "tpu.region"() ({
      %run_scoped3A = tpu.sem_alloc : memref<!tpu.dma_semaphore, #tpu.memory_space<semaphore_mem>>
      %dma_start3A_146 = arith.constant 0 : i32
      %dma_start3A_147 = tpu.memref_slice %arg20[%add3A_55, %dma_start3A_146] : memref<10240x128xf32, #tpu.memory_space<vmem_shared>> -> memref<64x128xf32, #tpu.memory_space<vmem_shared>>
      %dma_start3A_148 = arith.constant 0 : i32
      %dma_start3A_149 = tpu.memref_slice %arg20[%add3A_55, %dma_start3A_148] : memref<10240x128xf32, #tpu.memory_space<vmem_shared>> -> memref<64x128xf32, #tpu.memory_space<vmem_shared>>
      tpu.enqueue_dma source(%arg16 : memref<64x128xf32, #tpu.memory_space<vmem>>) target(%dma_start3A_149 : memref<64x128xf32, #tpu.memory_space<vmem_shared>>) target_semaphore(%run_scoped3A : memref<!tpu.dma_semaphore, #tpu.memory_space<semaphore_mem>>)
      %dma_wait3A = arith.constant 0 : i32
      %dma_wait3A_150 = tpu.memref_slice %arg20[%add3A_55, %dma_wait3A] : memref<10240x128xf32, #tpu.memory_space<vmem_shared>> -> memref<64x128xf32, #tpu.memory_space<vmem_shared>>
      %dma_wait3A_151 = arith.constant 0 : i32
      %dma_wait3A_152 = tpu.memref_slice %arg20[%add3A_55, %dma_wait3A_151] : memref<10240x128xf32, #tpu.memory_space<vmem_shared>> -> memref<64x128xf32, #tpu.memory_space<vmem_shared>>
      tpu.wait_dma2 semaphore(%run_scoped3A : memref<!tpu.dma_semaphore, #tpu.memory_space<semaphore_mem>>) src(%arg16 : memref<64x128xf32, #tpu.memory_space<vmem>>) dst(%dma_wait3A_152 : memref<64x128xf32, #tpu.memory_space<vmem_shared>>)
      tpu.yield
    }) : () -> ()
    %mul3A_56 = arith.constant 640 : i32
    %mul3A_57 = arith.muli %arg1, %mul3A_56 : i32
    %add3A_58 = arith.constant 384 : i32
    %add3A_59 = arith.addi %mul3A_57, %add3A_58 : i32
    "tpu.region"() ({
      %run_scoped3A = tpu.sem_alloc : memref<!tpu.dma_semaphore, #tpu.memory_space<semaphore_mem>>
      %dma_start3A_146 = arith.constant 0 : i32
      %dma_start3A_147 = tpu.memref_slice %arg20[%add3A_59, %dma_start3A_146] : memref<10240x128xf32, #tpu.memory_space<vmem_shared>> -> memref<64x128xf32, #tpu.memory_space<vmem_shared>>
      %dma_start3A_148 = arith.constant 0 : i32
      %dma_start3A_149 = tpu.memref_slice %arg20[%add3A_59, %dma_start3A_148] : memref<10240x128xf32, #tpu.memory_space<vmem_shared>> -> memref<64x128xf32, #tpu.memory_space<vmem_shared>>
      tpu.enqueue_dma source(%arg16 : memref<64x128xf32, #tpu.memory_space<vmem>>) target(%dma_start3A_149 : memref<64x128xf32, #tpu.memory_space<vmem_shared>>) target_semaphore(%run_scoped3A : memref<!tpu.dma_semaphore, #tpu.memory_space<semaphore_mem>>)
      %dma_wait3A = arith.constant 0 : i32
      %dma_wait3A_150 = tpu.memref_slice %arg20[%add3A_59, %dma_wait3A] : memref<10240x128xf32, #tpu.memory_space<vmem_shared>> -> memref<64x128xf32, #tpu.memory_space<vmem_shared>>
      %dma_wait3A_151 = arith.constant 0 : i32
      %dma_wait3A_152 = tpu.memref_slice %arg20[%add3A_59, %dma_wait3A_151] : memref<10240x128xf32, #tpu.memory_space<vmem_shared>> -> memref<64x128xf32, #tpu.memory_space<vmem_shared>>
      tpu.wait_dma2 semaphore(%run_scoped3A : memref<!tpu.dma_semaphore, #tpu.memory_space<semaphore_mem>>) src(%arg16 : memref<64x128xf32, #tpu.memory_space<vmem>>) dst(%dma_wait3A_152 : memref<64x128xf32, #tpu.memory_space<vmem_shared>>)
      tpu.yield
    }) : () -> ()
    %mul3A_60 = arith.constant 640 : i32
    %mul3A_61 = arith.muli %arg1, %mul3A_60 : i32
    %add3A_62 = arith.constant 448 : i32
    %add3A_63 = arith.addi %mul3A_61, %add3A_62 : i32
    "tpu.region"() ({
      %run_scoped3A = tpu.sem_alloc : memref<!tpu.dma_semaphore, #tpu.memory_space<semaphore_mem>>
      %dma_start3A_146 = arith.constant 0 : i32
      %dma_start3A_147 = tpu.memref_slice %arg20[%add3A_63, %dma_start3A_146] : memref<10240x128xf32, #tpu.memory_space<vmem_shared>> -> memref<64x128xf32, #tpu.memory_space<vmem_shared>>
      %dma_start3A_148 = arith.constant 0 : i32
      %dma_start3A_149 = tpu.memref_slice %arg20[%add3A_63, %dma_start3A_148] : memref<10240x128xf32, #tpu.memory_space<vmem_shared>> -> memref<64x128xf32, #tpu.memory_space<vmem_shared>>
      tpu.enqueue_dma source(%arg16 : memref<64x128xf32, #tpu.memory_space<vmem>>) target(%dma_start3A_149 : memref<64x128xf32, #tpu.memory_space<vmem_shared>>) target_semaphore(%run_scoped3A : memref<!tpu.dma_semaphore, #tpu.memory_space<semaphore_mem>>)
      %dma_wait3A = arith.constant 0 : i32
      %dma_wait3A_150 = tpu.memref_slice %arg20[%add3A_63, %dma_wait3A] : memref<10240x128xf32, #tpu.memory_space<vmem_shared>> -> memref<64x128xf32, #tpu.memory_space<vmem_shared>>
      %dma_wait3A_151 = arith.constant 0 : i32
      %dma_wait3A_152 = tpu.memref_slice %arg20[%add3A_63, %dma_wait3A_151] : memref<10240x128xf32, #tpu.memory_space<vmem_shared>> -> memref<64x128xf32, #tpu.memory_space<vmem_shared>>
      tpu.wait_dma2 semaphore(%run_scoped3A : memref<!tpu.dma_semaphore, #tpu.memory_space<semaphore_mem>>) src(%arg16 : memref<64x128xf32, #tpu.memory_space<vmem>>) dst(%dma_wait3A_152 : memref<64x128xf32, #tpu.memory_space<vmem_shared>>)
      tpu.yield
    }) : () -> ()
    %mul3A_64 = arith.constant 640 : i32
    %mul3A_65 = arith.muli %arg1, %mul3A_64 : i32
    %add3A_66 = arith.constant 512 : i32
    %add3A_67 = arith.addi %mul3A_65, %add3A_66 : i32
    "tpu.region"() ({
      %run_scoped3A = tpu.sem_alloc : memref<!tpu.dma_semaphore, #tpu.memory_space<semaphore_mem>>
      %dma_start3A_146 = arith.constant 0 : i32
      %dma_start3A_147 = tpu.memref_slice %arg20[%add3A_67, %dma_start3A_146] : memref<10240x128xf32, #tpu.memory_space<vmem_shared>> -> memref<64x128xf32, #tpu.memory_space<vmem_shared>>
      %dma_start3A_148 = arith.constant 0 : i32
      %dma_start3A_149 = tpu.memref_slice %arg20[%add3A_67, %dma_start3A_148] : memref<10240x128xf32, #tpu.memory_space<vmem_shared>> -> memref<64x128xf32, #tpu.memory_space<vmem_shared>>
      tpu.enqueue_dma source(%arg16 : memref<64x128xf32, #tpu.memory_space<vmem>>) target(%dma_start3A_149 : memref<64x128xf32, #tpu.memory_space<vmem_shared>>) target_semaphore(%run_scoped3A : memref<!tpu.dma_semaphore, #tpu.memory_space<semaphore_mem>>)
      %dma_wait3A = arith.constant 0 : i32
      %dma_wait3A_150 = tpu.memref_slice %arg20[%add3A_67, %dma_wait3A] : memref<10240x128xf32, #tpu.memory_space<vmem_shared>> -> memref<64x128xf32, #tpu.memory_space<vmem_shared>>
      %dma_wait3A_151 = arith.constant 0 : i32
      %dma_wait3A_152 = tpu.memref_slice %arg20[%add3A_67, %dma_wait3A_151] : memref<10240x128xf32, #tpu.memory_space<vmem_shared>> -> memref<64x128xf32, #tpu.memory_space<vmem_shared>>
      tpu.wait_dma2 semaphore(%run_scoped3A : memref<!tpu.dma_semaphore, #tpu.memory_space<semaphore_mem>>) src(%arg16 : memref<64x128xf32, #tpu.memory_space<vmem>>) dst(%dma_wait3A_152 : memref<64x128xf32, #tpu.memory_space<vmem_shared>>)
      tpu.yield
    }) : () -> ()
    %mul3A_68 = arith.constant 640 : i32
    %mul3A_69 = arith.muli %arg1, %mul3A_68 : i32
    %add3A_70 = arith.constant 576 : i32
    %add3A_71 = arith.addi %mul3A_69, %add3A_70 : i32
    "tpu.region"() ({
      %run_scoped3A = tpu.sem_alloc : memref<!tpu.dma_semaphore, #tpu.memory_space<semaphore_mem>>
      %dma_start3A_146 = arith.constant 0 : i32
      %dma_start3A_147 = tpu.memref_slice %arg20[%add3A_71, %dma_start3A_146] : memref<10240x128xf32, #tpu.memory_space<vmem_shared>> -> memref<64x128xf32, #tpu.memory_space<vmem_shared>>
      %dma_start3A_148 = arith.constant 0 : i32
      %dma_start3A_149 = tpu.memref_slice %arg20[%add3A_71, %dma_start3A_148] : memref<10240x128xf32, #tpu.memory_space<vmem_shared>> -> memref<64x128xf32, #tpu.memory_space<vmem_shared>>
      tpu.enqueue_dma source(%arg16 : memref<64x128xf32, #tpu.memory_space<vmem>>) target(%dma_start3A_149 : memref<64x128xf32, #tpu.memory_space<vmem_shared>>) target_semaphore(%run_scoped3A : memref<!tpu.dma_semaphore, #tpu.memory_space<semaphore_mem>>)
      %dma_wait3A = arith.constant 0 : i32
      %dma_wait3A_150 = tpu.memref_slice %arg20[%add3A_71, %dma_wait3A] : memref<10240x128xf32, #tpu.memory_space<vmem_shared>> -> memref<64x128xf32, #tpu.memory_space<vmem_shared>>
      %dma_wait3A_151 = arith.constant 0 : i32
      %dma_wait3A_152 = tpu.memref_slice %arg20[%add3A_71, %dma_wait3A_151] : memref<10240x128xf32, #tpu.memory_space<vmem_shared>> -> memref<64x128xf32, #tpu.memory_space<vmem_shared>>
      tpu.wait_dma2 semaphore(%run_scoped3A : memref<!tpu.dma_semaphore, #tpu.memory_space<semaphore_mem>>) src(%arg16 : memref<64x128xf32, #tpu.memory_space<vmem>>) dst(%dma_wait3A_152 : memref<64x128xf32, #tpu.memory_space<vmem_shared>>)
      tpu.yield
    }) : () -> ()
    %barrier3A = arith.constant 0 : index
    tpu.barrier barrier_id(%barrier3A)
    "tpu.region"() ({
      %run_scoped3A = tpu.sem_alloc : memref<!tpu.dma_semaphore, #tpu.memory_space<semaphore_mem>>
      tpu.enqueue_dma source(%arg3 : memref<10000xf32, #tpu.memory_space<hbm>>) target(%arg14 : memref<10000xf32, #tpu.memory_space<vmem>>) target_semaphore(%run_scoped3A : memref<!tpu.dma_semaphore, #tpu.memory_space<semaphore_mem>>)
      tpu.wait_dma2 semaphore(%run_scoped3A : memref<!tpu.dma_semaphore, #tpu.memory_space<semaphore_mem>>) src(%arg3 : memref<10000xf32, #tpu.memory_space<hbm>>) dst(%arg14 : memref<10000xf32, #tpu.memory_space<vmem>>)
      tpu.yield
    }) : () -> ()
    "tpu.region"() ({
      %run_scoped3A = tpu.sem_alloc : memref<!tpu.dma_semaphore, #tpu.memory_space<semaphore_mem>>
      tpu.enqueue_dma source(%arg4 : memref<10000xf32, #tpu.memory_space<hbm>>) target(%arg15 : memref<10000xf32, #tpu.memory_space<vmem>>) target_semaphore(%run_scoped3A : memref<!tpu.dma_semaphore, #tpu.memory_space<semaphore_mem>>)
      tpu.wait_dma2 semaphore(%run_scoped3A : memref<!tpu.dma_semaphore, #tpu.memory_space<semaphore_mem>>) src(%arg4 : memref<10000xf32, #tpu.memory_space<hbm>>) dst(%arg15 : memref<10000xf32, #tpu.memory_space<vmem>>)
      tpu.yield
    }) : () -> ()
    %add3A_72 = arith.constant 0 : i32
    %add3A_73 = arith.addi %mul3A_6, %add3A_72 : i32
    "tpu.region"() ({
      %run_scoped3A = tpu.sem_alloc : memref<!tpu.dma_semaphore, #tpu.memory_space<semaphore_mem>>
      %dma_start3A_146 = tpu.memref_slice %arg2[%add3A_73] : memref<647168xi32, #tpu.memory_space<hbm>> -> memref<128xi32, #tpu.memory_space<hbm>>
      %dma_start3A_147 = tpu.memref_slice %arg2[%add3A_73] : memref<647168xi32, #tpu.memory_space<hbm>> -> memref<128xi32, #tpu.memory_space<hbm>>
      tpu.enqueue_dma source(%dma_start3A_147 : memref<128xi32, #tpu.memory_space<hbm>>) target(%arg8 : memref<128xi32, #tpu.memory_space<vmem>>) target_semaphore(%run_scoped3A : memref<!tpu.dma_semaphore, #tpu.memory_space<semaphore_mem>>)
      %dma_wait3A = tpu.memref_slice %arg2[%add3A_73] : memref<647168xi32, #tpu.memory_space<hbm>> -> memref<128xi32, #tpu.memory_space<hbm>>
      %dma_wait3A_148 = tpu.memref_slice %arg2[%add3A_73] : memref<647168xi32, #tpu.memory_space<hbm>> -> memref<128xi32, #tpu.memory_space<hbm>>
      tpu.wait_dma2 semaphore(%run_scoped3A : memref<!tpu.dma_semaphore, #tpu.memory_space<semaphore_mem>>) src(%dma_wait3A_148 : memref<128xi32, #tpu.memory_space<hbm>>) dst(%arg8 : memref<128xi32, #tpu.memory_space<vmem>>)
      tpu.yield
    }) : () -> ()
    %get3A = arith.constant 0 : index
    %get3A_74 = tpu.vector_load %arg8[%get3A] {strides = array<i32>} : memref<128xi32, #tpu.memory_space<vmem>>, vector<16xi32>,
    %and3A = arith.constant 65535 : i32
    %and3A_75 = vector.broadcast %and3A : i32 to vector<16xi32>
    %and3A_76 = arith.andi %get3A_74, %and3A_75 : vector<16xi32>
    %swap3A_77 = arith.constant 0 : index
    %swap3A_78 = tpu.vector_load %arg10[%swap3A_77] {strides = array<i32>} : memref<64xi32, #tpu.memory_space<vmem>>, vector<16xi32>,
    tpu.vector_store %arg10[%swap3A_77], %and3A_76 {strides = array<i32>} : memref<64xi32, #tpu.memory_space<vmem>>, vector<16xi32>,
    %get3A_79 = arith.constant 16 : index
    %get3A_80 = tpu.vector_load %arg8[%get3A_79] {strides = array<i32>} : memref<128xi32, #tpu.memory_space<vmem>>, vector<16xi32>,
    %and3A_81 = arith.constant 65535 : i32
    %and3A_82 = vector.broadcast %and3A_81 : i32 to vector<16xi32>
    %and3A_83 = arith.andi %get3A_80, %and3A_82 : vector<16xi32>
    %swap3A_84 = arith.constant 16 : index
    %swap3A_85 = tpu.vector_load %arg10[%swap3A_84] {strides = array<i32>} : memref<64xi32, #tpu.memory_space<vmem>>, vector<16xi32>,
    tpu.vector_store %arg10[%swap3A_84], %and3A_83 {strides = array<i32>} : memref<64xi32, #tpu.memory_space<vmem>>, vector<16xi32>,
    %get3A_86 = arith.constant 32 : index
    %get3A_87 = tpu.vector_load %arg8[%get3A_86] {strides = array<i32>} : memref<128xi32, #tpu.memory_space<vmem>>, vector<16xi32>,
    %and3A_88 = arith.constant 65535 : i32
    %and3A_89 = vector.broadcast %and3A_88 : i32 to vector<16xi32>
    %and3A_90 = arith.andi %get3A_87, %and3A_89 : vector<16xi32>
    %swap3A_91 = arith.constant 32 : index
    %swap3A_92 = tpu.vector_load %arg10[%swap3A_91] {strides = array<i32>} : memref<64xi32, #tpu.memory_space<vmem>>, vector<16xi32>,
    tpu.vector_store %arg10[%swap3A_91], %and3A_90 {strides = array<i32>} : memref<64xi32, #tpu.memory_space<vmem>>, vector<16xi32>,
    %get3A_93 = arith.constant 48 : index
    %get3A_94 = tpu.vector_load %arg8[%get3A_93] {strides = array<i32>} : memref<128xi32, #tpu.memory_space<vmem>>, vector<16xi32>,
    %and3A_95 = arith.constant 65535 : i32
    %and3A_96 = vector.broadcast %and3A_95 : i32 to vector<16xi32>
    %and3A_97 = arith.andi %get3A_94, %and3A_96 : vector<16xi32>
    %swap3A_98 = arith.constant 48 : index
    %swap3A_99 = tpu.vector_load %arg10[%swap3A_98] {strides = array<i32>} : memref<64xi32, #tpu.memory_space<vmem>>, vector<16xi32>,
    tpu.vector_store %arg10[%swap3A_98], %and3A_97 {strides = array<i32>} : memref<64xi32, #tpu.memory_space<vmem>>, vector<16xi32>,
    %dma_start3A = arith.constant 0 : i32
    %dma_start3A_100 = arith.constant 0 : i32
    %dma_start3A_101 = tpu.memref_slice %arg5[%dma_start3A, %dma_start3A_100] : memref<10000x128xf32, #tpu.memory_space<hbm>> -> memref<10000x128xf32, #tpu.memory_space<hbm>>
    tpu.enqueue_indirect_dma source(%dma_start3A_101 : memref<10000x128xf32, #tpu.memory_space<hbm>>) target(%arg16 : memref<64x128xf32, #tpu.memory_space<vmem>>) offsets(%arg10 : memref<64xi32, #tpu.memory_space<vmem>>) semaphore(%arg21 : memref<!tpu.dma_semaphore, #tpu.memory_space<semaphore_mem>>)
    %add3A_102 = arith.constant 128 : i32
    %add3A_103 = arith.addi %mul3A_6, %add3A_102 : i32
    "tpu.region"() ({
      %run_scoped3A = tpu.sem_alloc : memref<!tpu.dma_semaphore, #tpu.memory_space<semaphore_mem>>
      %dma_start3A_146 = tpu.memref_slice %arg2[%add3A_103] : memref<647168xi32, #tpu.memory_space<hbm>> -> memref<128xi32, #tpu.memory_space<hbm>>
      %dma_start3A_147 = tpu.memref_slice %arg2[%add3A_103] : memref<647168xi32, #tpu.memory_space<hbm>> -> memref<128xi32, #tpu.memory_space<hbm>>
      tpu.enqueue_dma source(%dma_start3A_147 : memref<128xi32, #tpu.memory_space<hbm>>) target(%arg9 : memref<128xi32, #tpu.memory_space<vmem>>) target_semaphore(%run_scoped3A : memref<!tpu.dma_semaphore, #tpu.memory_space<semaphore_mem>>)
      %dma_wait3A = tpu.memref_slice %arg2[%add3A_103] : memref<647168xi32, #tpu.memory_space<hbm>> -> memref<128xi32, #tpu.memory_space<hbm>>
      %dma_wait3A_148 = tpu.memref_slice %arg2[%add3A_103] : memref<647168xi32, #tpu.memory_space<hbm>> -> memref<128xi32, #tpu.memory_space<hbm>>
      tpu.wait_dma2 semaphore(%run_scoped3A : memref<!tpu.dma_semaphore, #tpu.memory_space<semaphore_mem>>) src(%dma_wait3A_148 : memref<128xi32, #tpu.memory_space<hbm>>) dst(%arg9 : memref<128xi32, #tpu.memory_space<vmem>>)
      tpu.yield
    }) : () -> ()
    %get3A_104 = arith.constant 0 : index
    %get3A_105 = tpu.vector_load %arg9[%get3A_104] {strides = array<i32>} : memref<128xi32, #tpu.memory_space<vmem>>, vector<16xi32>,
    %and3A_106 = arith.constant 65535 : i32
    %and3A_107 = vector.broadcast %and3A_106 : i32 to vector<16xi32>
    %and3A_108 = arith.andi %get3A_105, %and3A_107 : vector<16xi32>
    %swap3A_109 = arith.constant 0 : index
    %swap3A_110 = tpu.vector_load %arg11[%swap3A_109] {strides = array<i32>} : memref<64xi32, #tpu.memory_space<vmem>>, vector<16xi32>,
    tpu.vector_store %arg11[%swap3A_109], %and3A_108 {strides = array<i32>} : memref<64xi32, #tpu.memory_space<vmem>>, vector<16xi32>,
    %get3A_111 = arith.constant 16 : index
    %get3A_112 = tpu.vector_load %arg9[%get3A_111] {strides = array<i32>} : memref<128xi32, #tpu.memory_space<vmem>>, vector<16xi32>,
    %and3A_113 = arith.constant 65535 : i32
    %and3A_114 = vector.broadcast %and3A_113 : i32 to vector<16xi32>
    %and3A_115 = arith.andi %get3A_112, %and3A_114 : vector<16xi32>
    %swap3A_116 = arith.constant 16 : index
    %swap3A_117 = tpu.vector_load %arg11[%swap3A_116] {strides = array<i32>} : memref<64xi32, #tpu.memory_space<vmem>>, vector<16xi32>,
    tpu.vector_store %arg11[%swap3A_116], %and3A_115 {strides = array<i32>} : memref<64xi32, #tpu.memory_space<vmem>>, vector<16xi32>,
    %get3A_118 = arith.constant 32 : index
    %get3A_119 = tpu.vector_load %arg9[%get3A_118] {strides = array<i32>} : memref<128xi32, #tpu.memory_space<vmem>>, vector<16xi32>,
    %and3A_120 = arith.constant 65535 : i32
    %and3A_121 = vector.broadcast %and3A_120 : i32 to vector<16xi32>
    %and3A_122 = arith.andi %get3A_119, %and3A_121 : vector<16xi32>
    %swap3A_123 = arith.constant 32 : index
    %swap3A_124 = tpu.vector_load %arg11[%swap3A_123] {strides = array<i32>} : memref<64xi32, #tpu.memory_space<vmem>>, vector<16xi32>,
    tpu.vector_store %arg11[%swap3A_123], %and3A_122 {strides = array<i32>} : memref<64xi32, #tpu.memory_space<vmem>>, vector<16xi32>,
    %get3A_125 = arith.constant 48 : index
    %get3A_126 = tpu.vector_load %arg9[%get3A_125] {strides = array<i32>} : memref<128xi32, #tpu.memory_space<vmem>>, vector<16xi32>,
    %and3A_127 = arith.constant 65535 : i32
    %and3A_128 = vector.broadcast %and3A_127 : i32 to vector<16xi32>
    %and3A_129 = arith.andi %get3A_126, %and3A_128 : vector<16xi32>
    %swap3A_130 = arith.constant 48 : index
    %swap3A_131 = tpu.vector_load %arg11[%swap3A_130] {strides = array<i32>} : memref<64xi32, #tpu.memory_space<vmem>>, vector<16xi32>,
    tpu.vector_store %arg11[%swap3A_130], %and3A_129 {strides = array<i32>} : memref<64xi32, #tpu.memory_space<vmem>>, vector<16xi32>,
    %dma_start3A_132 = arith.constant 0 : i32
    %dma_start3A_133 = arith.constant 0 : i32
    %dma_start3A_134 = tpu.memref_slice %arg5[%dma_start3A_132, %dma_start3A_133] : memref<10000x128xf32, #tpu.memory_space<hbm>> -> memref<10000x128xf32, #tpu.memory_space<hbm>>
    tpu.enqueue_indirect_dma source(%dma_start3A_134 : memref<10000x128xf32, #tpu.memory_space<hbm>>) target(%arg17 : memref<64x128xf32, #tpu.memory_space<vmem>>) offsets(%arg11 : memref<64xi32, #tpu.memory_space<vmem>>) semaphore(%arg22 : memref<!tpu.dma_semaphore, #tpu.memory_space<semaphore_mem>>)
    %scan3A_135 = arith.constant 0 : i32
    %scan3A_136 = arith.constant 0 : i32
    %scan3A_137 = arith.constant 79 : i32
    %scan3A_138 = arith.addi %scan3A_136, %scan3A_137 : i32
    %scan3A_139 = arith.constant 1 : i32
    scf.for %scan3A_146 = %scan3A_136 to %scan3A_138 step %scan3A_139  : i32 {
      %mul3A_147 = arith.constant 2 : i32
      %mul3A_148 = arith.muli %scan3A_146, %mul3A_147 : i32
      %add3A_149 = arith.constant 0 : i32
      %add3A_150 = arith.addi %mul3A_148, %add3A_149 : i32
      %dma_wait3A = arith.constant 0 : i32
      %dma_wait3A_151 = arith.constant 0 : i32
      %dma_wait3A_152 = tpu.memref_slice %arg5[%dma_wait3A, %dma_wait3A_151] : memref<10000x128xf32, #tpu.memory_space<hbm>> -> memref<10000x128xf32, #tpu.memory_space<hbm>>
      tpu.wait_indirect_dma semaphore(%arg21 : memref<!tpu.dma_semaphore, #tpu.memory_space<semaphore_mem>>) src(%dma_wait3A_152 : memref<10000x128xf32, #tpu.memory_space<hbm>>) dst(%arg16 : memref<64x128xf32, #tpu.memory_space<vmem>>)
      %get3A_153 = arith.constant 0 : index
      %get3A_154 = tpu.vector_load %arg8[%get3A_153] {strides = array<i32>} : memref<128xi32, #tpu.memory_space<vmem>>, vector<16xi32>,
      %shift_right_logical3A = arith.constant 16 : i32
      %shift_right_logical3A_155 = vector.broadcast %shift_right_logical3A : i32 to vector<16xi32>
      %shift_right_logical3A_156 = arith.shrui %get3A_154, %shift_right_logical3A_155 : vector<16xi32>
      %swap3A_157 = arith.constant 0 : index
      %swap3A_158 = tpu.vector_load %arg12[%swap3A_157] {strides = array<i32>} : memref<64xi32, #tpu.memory_space<vmem>>, vector<16xi32>,
      tpu.vector_store %arg12[%swap3A_157], %shift_right_logical3A_156 {strides = array<i32>} : memref<64xi32, #tpu.memory_space<vmem>>, vector<16xi32>,
      %get3A_159 = arith.constant 0 : index
      %get3A_160 = tpu.vector_load %arg10[%get3A_159] {strides = array<i32>} : memref<64xi32, #tpu.memory_space<vmem>>, vector<16xi32>,
      %gather3A = tpu.vector_load_idx %arg14[%get3A_160] : memref<10000xf32, #tpu.memory_space<vmem>>[vector<16xi32>], vector<16xf32>,
      %gather3A_161 = tpu.vector_load_idx %arg15[%shift_right_logical3A_156] : memref<10000xf32, #tpu.memory_space<vmem>>[vector<16xi32>], vector<16xf32>,
      %get3A_162 = arith.constant 64 : index
      %get3A_163 = tpu.vector_load %arg8[%get3A_162] {strides = array<i32>} : memref<128xi32, #tpu.memory_space<vmem>>, vector<16xi32>,
      %bitcast3A = vector.bitcast %get3A_163 : vector<16xi32> to vector<16xf32>
      %add3A_164 = arith.addf %gather3A, %gather3A_161 : vector<16xf32>
      %add3A_165 = arith.addf %add3A_164, %bitcast3A : vector<16xf32>
      %ge3A = arith.constant 0.000000e+00 : f32
      %ge3A_166 = vector.broadcast %ge3A : f32 to vector<16xf32>
      %ge3A_167 = arith.cmpf oge, %add3A_165, %ge3A_166 : vector<16xf32>
      %mul3A_168 = arith.constant 0.00999999977 : f32
      %mul3A_169 = vector.broadcast %mul3A_168 : f32 to vector<16xf32>
      %mul3A_170 = arith.mulf %add3A_165, %mul3A_169 : vector<16xf32>
      %select_n3A = arith.select %ge3A_167, %add3A_165, %mul3A_170 : vector<16xi1>, vector<16xf32>
      %exp3A = math.exp %select_n3A : vector<16xf32>
      %mul3A_171 = arith.constant 10112 : i32
      %mul3A_172 = arith.muli %add3A, %mul3A_171 : i32
      %mul3A_173 = arith.constant 64 : i32
      %mul3A_174 = arith.muli %add3A_150, %mul3A_173 : i32
      %add3A_175 = arith.addi %mul3A_172, %mul3A_174 : i32
      %add3A_176 = arith.constant 0 : i32
      %add3A_177 = arith.addi %add3A_175, %add3A_176 : i32
      %iota3A = tpu.iota {dimensions = array<i32: 0>} : vector<16xi32>
      %add3A_178 = vector.broadcast %add3A_177 : i32 to vector<16xi32>
      %add3A_179 = arith.addi %add3A_178, %iota3A : vector<16xi32>
      %lt3A = arith.constant 320000 : i32
      %lt3A_180 = vector.broadcast %lt3A : i32 to vector<16xi32>
      %lt3A_181 = arith.cmpi slt, %add3A_179, %lt3A_180 : vector<16xi32>
      %jit3A = arith.constant 0.000000e+00 : f32
      %broadcast_in_dim3A_182 = vector.broadcast %jit3A : f32 to vector<16xf32>
      %select_n3A_183 = arith.select %lt3A_181, %exp3A, %broadcast_in_dim3A_182 : vector<16xi1>, vector<16xf32>
      %swap3A_184 = arith.constant 0 : index
      %swap3A_185 = tpu.vector_load %arg18[%swap3A_184] {strides = array<i32>} : memref<64xf32, #tpu.memory_space<vmem>>, vector<16xf32>,
      tpu.vector_store %arg18[%swap3A_184], %select_n3A_183 {strides = array<i32>} : memref<64xf32, #tpu.memory_space<vmem>>, vector<16xf32>,
      %shift_right_logical3A_186 = arith.constant 7 : i32
      %shift_right_logical3A_187 = vector.broadcast %shift_right_logical3A_186 : i32 to vector<16xi32>
      %shift_right_logical3A_188 = arith.shrui %shift_right_logical3A_156, %shift_right_logical3A_187 : vector<16xi32>
      %and3A_189 = arith.constant 127 : i32
      %and3A_190 = vector.broadcast %and3A_189 : i32 to vector<16xi32>
      %and3A_191 = arith.andi %shift_right_logical3A_156, %and3A_190 : vector<16xi32>
      tpu.vector_store_idx %arg19[%shift_right_logical3A_188, %and3A_191], %select_n3A_183 {add = true} : memref<80x128xf32, #tpu.memory_space<vmem>>[vector<16xi32>, vector<16xi32>], vector<16xf32>,
      %get3A_192 = arith.constant 16 : index
      %get3A_193 = tpu.vector_load %arg8[%get3A_192] {strides = array<i32>} : memref<128xi32, #tpu.memory_space<vmem>>, vector<16xi32>,
      %shift_right_logical3A_194 = arith.constant 16 : i32
      %shift_right_logical3A_195 = vector.broadcast %shift_right_logical3A_194 : i32 to vector<16xi32>
      %shift_right_logical3A_196 = arith.shrui %get3A_193, %shift_right_logical3A_195 : vector<16xi32>
      %swap3A_197 = arith.constant 16 : index
      %swap3A_198 = tpu.vector_load %arg12[%swap3A_197] {strides = array<i32>} : memref<64xi32, #tpu.memory_space<vmem>>, vector<16xi32>,
      tpu.vector_store %arg12[%swap3A_197], %shift_right_logical3A_196 {strides = array<i32>} : memref<64xi32, #tpu.memory_space<vmem>>, vector<16xi32>,
      %get3A_199 = arith.constant 16 : index
      %get3A_200 = tpu.vector_load %arg10[%get3A_199] {strides = array<i32>} : memref<64xi32, #tpu.memory_space<vmem>>, vector<16xi32>,
      %gather3A_201 = tpu.vector_load_idx %arg14[%get3A_200] : memref<10000xf32, #tpu.memory_space<vmem>>[vector<16xi32>], vector<16xf32>,
      %gather3A_202 = tpu.vector_load_idx %arg15[%shift_right_logical3A_196] : memref<10000xf32, #tpu.memory_space<vmem>>[vector<16xi32>], vector<16xf32>,
      %get3A_203 = arith.constant 80 : index
      %get3A_204 = tpu.vector_load %arg8[%get3A_203] {strides = array<i32>} : memref<128xi32, #tpu.memory_space<vmem>>, vector<16xi32>,
      %bitcast3A_205 = vector.bitcast %get3A_204 : vector<16xi32> to vector<16xf32>
      %add3A_206 = arith.addf %gather3A_201, %gather3A_202 : vector<16xf32>
      %add3A_207 = arith.addf %add3A_206, %bitcast3A_205 : vector<16xf32>
      %ge3A_208 = arith.constant 0.000000e+00 : f32
      %ge3A_209 = vector.broadcast %ge3A_208 : f32 to vector<16xf32>
      %ge3A_210 = arith.cmpf oge, %add3A_207, %ge3A_209 : vector<16xf32>
      %mul3A_211 = arith.constant 0.00999999977 : f32
      %mul3A_212 = vector.broadcast %mul3A_211 : f32 to vector<16xf32>
      %mul3A_213 = arith.mulf %add3A_207, %mul3A_212 : vector<16xf32>
      %select_n3A_214 = arith.select %ge3A_210, %add3A_207, %mul3A_213 : vector<16xi1>, vector<16xf32>
      %exp3A_215 = math.exp %select_n3A_214 : vector<16xf32>
      %mul3A_216 = arith.constant 10112 : i32
      %mul3A_217 = arith.muli %add3A, %mul3A_216 : i32
      %mul3A_218 = arith.constant 64 : i32
      %mul3A_219 = arith.muli %add3A_150, %mul3A_218 : i32
      %add3A_220 = arith.addi %mul3A_217, %mul3A_219 : i32
      %add3A_221 = arith.constant 16 : i32
      %add3A_222 = arith.addi %add3A_220, %add3A_221 : i32
      %iota3A_223 = tpu.iota {dimensions = array<i32: 0>} : vector<16xi32>
      %add3A_224 = vector.broadcast %add3A_222 : i32 to vector<16xi32>
      %add3A_225 = arith.addi %add3A_224, %iota3A_223 : vector<16xi32>
      %lt3A_226 = arith.constant 320000 : i32
      %lt3A_227 = vector.broadcast %lt3A_226 : i32 to vector<16xi32>
      %lt3A_228 = arith.cmpi slt, %add3A_225, %lt3A_227 : vector<16xi32>
      %jit3A_229 = arith.constant 0.000000e+00 : f32
      %broadcast_in_dim3A_230 = vector.broadcast %jit3A_229 : f32 to vector<16xf32>
      %select_n3A_231 = arith.select %lt3A_228, %exp3A_215, %broadcast_in_dim3A_230 : vector<16xi1>, vector<16xf32>
      %swap3A_232 = arith.constant 16 : index
      %swap3A_233 = tpu.vector_load %arg18[%swap3A_232] {strides = array<i32>} : memref<64xf32, #tpu.memory_space<vmem>>, vector<16xf32>,
      tpu.vector_store %arg18[%swap3A_232], %select_n3A_231 {strides = array<i32>} : memref<64xf32, #tpu.memory_space<vmem>>, vector<16xf32>,
      %shift_right_logical3A_234 = arith.constant 7 : i32
      %shift_right_logical3A_235 = vector.broadcast %shift_right_logical3A_234 : i32 to vector<16xi32>
      %shift_right_logical3A_236 = arith.shrui %shift_right_logical3A_196, %shift_right_logical3A_235 : vector<16xi32>
      %and3A_237 = arith.constant 127 : i32
      %and3A_238 = vector.broadcast %and3A_237 : i32 to vector<16xi32>
      %and3A_239 = arith.andi %shift_right_logical3A_196, %and3A_238 : vector<16xi32>
      tpu.vector_store_idx %arg19[%shift_right_logical3A_236, %and3A_239], %select_n3A_231 {add = true} : memref<80x128xf32, #tpu.memory_space<vmem>>[vector<16xi32>, vector<16xi32>], vector<16xf32>,
      %get3A_240 = arith.constant 32 : index
      %get3A_241 = tpu.vector_load %arg8[%get3A_240] {strides = array<i32>} : memref<128xi32, #tpu.memory_space<vmem>>, vector<16xi32>,
      %shift_right_logical3A_242 = arith.constant 16 : i32
      %shift_right_logical3A_243 = vector.broadcast %shift_right_logical3A_242 : i32 to vector<16xi32>
      %shift_right_logical3A_244 = arith.shrui %get3A_241, %shift_right_logical3A_243 : vector<16xi32>
      %swap3A_245 = arith.constant 32 : index
      %swap3A_246 = tpu.vector_load %arg12[%swap3A_245] {strides = array<i32>} : memref<64xi32, #tpu.memory_space<vmem>>, vector<16xi32>,
      tpu.vector_store %arg12[%swap3A_245], %shift_right_logical3A_244 {strides = array<i32>} : memref<64xi32, #tpu.memory_space<vmem>>, vector<16xi32>,
      %get3A_247 = arith.constant 32 : index
      %get3A_248 = tpu.vector_load %arg10[%get3A_247] {strides = array<i32>} : memref<64xi32, #tpu.memory_space<vmem>>, vector<16xi32>,
      %gather3A_249 = tpu.vector_load_idx %arg14[%get3A_248] : memref<10000xf32, #tpu.memory_space<vmem>>[vector<16xi32>], vector<16xf32>,
      %gather3A_250 = tpu.vector_load_idx %arg15[%shift_right_logical3A_244] : memref<10000xf32, #tpu.memory_space<vmem>>[vector<16xi32>], vector<16xf32>,
      %get3A_251 = arith.constant 96 : index
      %get3A_252 = tpu.vector_load %arg8[%get3A_251] {strides = array<i32>} : memref<128xi32, #tpu.memory_space<vmem>>, vector<16xi32>,
      %bitcast3A_253 = vector.bitcast %get3A_252 : vector<16xi32> to vector<16xf32>
      %add3A_254 = arith.addf %gather3A_249, %gather3A_250 : vector<16xf32>
      %add3A_255 = arith.addf %add3A_254, %bitcast3A_253 : vector<16xf32>
      %ge3A_256 = arith.constant 0.000000e+00 : f32
      %ge3A_257 = vector.broadcast %ge3A_256 : f32 to vector<16xf32>
      %ge3A_258 = arith.cmpf oge, %add3A_255, %ge3A_257 : vector<16xf32>
      %mul3A_259 = arith.constant 0.00999999977 : f32
      %mul3A_260 = vector.broadcast %mul3A_259 : f32 to vector<16xf32>
      %mul3A_261 = arith.mulf %add3A_255, %mul3A_260 : vector<16xf32>
      %select_n3A_262 = arith.select %ge3A_258, %add3A_255, %mul3A_261 : vector<16xi1>, vector<16xf32>
      %exp3A_263 = math.exp %select_n3A_262 : vector<16xf32>
      %mul3A_264 = arith.constant 10112 : i32
      %mul3A_265 = arith.muli %add3A, %mul3A_264 : i32
      %mul3A_266 = arith.constant 64 : i32
      %mul3A_267 = arith.muli %add3A_150, %mul3A_266 : i32
      %add3A_268 = arith.addi %mul3A_265, %mul3A_267 : i32
      %add3A_269 = arith.constant 32 : i32
      %add3A_270 = arith.addi %add3A_268, %add3A_269 : i32
      %iota3A_271 = tpu.iota {dimensions = array<i32: 0>} : vector<16xi32>
      %add3A_272 = vector.broadcast %add3A_270 : i32 to vector<16xi32>
      %add3A_273 = arith.addi %add3A_272, %iota3A_271 : vector<16xi32>
      %lt3A_274 = arith.constant 320000 : i32
      %lt3A_275 = vector.broadcast %lt3A_274 : i32 to vector<16xi32>
      %lt3A_276 = arith.cmpi slt, %add3A_273, %lt3A_275 : vector<16xi32>
      %jit3A_277 = arith.constant 0.000000e+00 : f32
      %broadcast_in_dim3A_278 = vector.broadcast %jit3A_277 : f32 to vector<16xf32>
      %select_n3A_279 = arith.select %lt3A_276, %exp3A_263, %broadcast_in_dim3A_278 : vector<16xi1>, vector<16xf32>
      %swap3A_280 = arith.constant 32 : index
      %swap3A_281 = tpu.vector_load %arg18[%swap3A_280] {strides = array<i32>} : memref<64xf32, #tpu.memory_space<vmem>>, vector<16xf32>,
      tpu.vector_store %arg18[%swap3A_280], %select_n3A_279 {strides = array<i32>} : memref<64xf32, #tpu.memory_space<vmem>>, vector<16xf32>,
      %shift_right_logical3A_282 = arith.constant 7 : i32
      %shift_right_logical3A_283 = vector.broadcast %shift_right_logical3A_282 : i32 to vector<16xi32>
      %shift_right_logical3A_284 = arith.shrui %shift_right_logical3A_244, %shift_right_logical3A_283 : vector<16xi32>
      %and3A_285 = arith.constant 127 : i32
      %and3A_286 = vector.broadcast %and3A_285 : i32 to vector<16xi32>
      %and3A_287 = arith.andi %shift_right_logical3A_244, %and3A_286 : vector<16xi32>
      tpu.vector_store_idx %arg19[%shift_right_logical3A_284, %and3A_287], %select_n3A_279 {add = true} : memref<80x128xf32, #tpu.memory_space<vmem>>[vector<16xi32>, vector<16xi32>], vector<16xf32>,
      %get3A_288 = arith.constant 48 : index
      %get3A_289 = tpu.vector_load %arg8[%get3A_288] {strides = array<i32>} : memref<128xi32, #tpu.memory_space<vmem>>, vector<16xi32>,
      %shift_right_logical3A_290 = arith.constant 16 : i32
      %shift_right_logical3A_291 = vector.broadcast %shift_right_logical3A_290 : i32 to vector<16xi32>
      %shift_right_logical3A_292 = arith.shrui %get3A_289, %shift_right_logical3A_291 : vector<16xi32>
      %swap3A_293 = arith.constant 48 : index
      %swap3A_294 = tpu.vector_load %arg12[%swap3A_293] {strides = array<i32>} : memref<64xi32, #tpu.memory_space<vmem>>, vector<16xi32>,
      tpu.vector_store %arg12[%swap3A_293], %shift_right_logical3A_292 {strides = array<i32>} : memref<64xi32, #tpu.memory_space<vmem>>, vector<16xi32>,
      %get3A_295 = arith.constant 48 : index
      %get3A_296 = tpu.vector_load %arg10[%get3A_295] {strides = array<i32>} : memref<64xi32, #tpu.memory_space<vmem>>, vector<16xi32>,
      %gather3A_297 = tpu.vector_load_idx %arg14[%get3A_296] : memref<10000xf32, #tpu.memory_space<vmem>>[vector<16xi32>], vector<16xf32>,
      %gather3A_298 = tpu.vector_load_idx %arg15[%shift_right_logical3A_292] : memref<10000xf32, #tpu.memory_space<vmem>>[vector<16xi32>], vector<16xf32>,
      %get3A_299 = arith.constant 112 : index
      %get3A_300 = tpu.vector_load %arg8[%get3A_299] {strides = array<i32>} : memref<128xi32, #tpu.memory_space<vmem>>, vector<16xi32>,
      %bitcast3A_301 = vector.bitcast %get3A_300 : vector<16xi32> to vector<16xf32>
      %add3A_302 = arith.addf %gather3A_297, %gather3A_298 : vector<16xf32>
      %add3A_303 = arith.addf %add3A_302, %bitcast3A_301 : vector<16xf32>
      %ge3A_304 = arith.constant 0.000000e+00 : f32
      %ge3A_305 = vector.broadcast %ge3A_304 : f32 to vector<16xf32>
      %ge3A_306 = arith.cmpf oge, %add3A_303, %ge3A_305 : vector<16xf32>
      %mul3A_307 = arith.constant 0.00999999977 : f32
      %mul3A_308 = vector.broadcast %mul3A_307 : f32 to vector<16xf32>
      %mul3A_309 = arith.mulf %add3A_303, %mul3A_308 : vector<16xf32>
      %select_n3A_310 = arith.select %ge3A_306, %add3A_303, %mul3A_309 : vector<16xi1>, vector<16xf32>
      %exp3A_311 = math.exp %select_n3A_310 : vector<16xf32>
      %mul3A_312 = arith.constant 10112 : i32
      %mul3A_313 = arith.muli %add3A, %mul3A_312 : i32
      %mul3A_314 = arith.constant 64 : i32
      %mul3A_315 = arith.muli %add3A_150, %mul3A_314 : i32
      %add3A_316 = arith.addi %mul3A_313, %mul3A_315 : i32
      %add3A_317 = arith.constant 48 : i32
      %add3A_318 = arith.addi %add3A_316, %add3A_317 : i32
      %iota3A_319 = tpu.iota {dimensions = array<i32: 0>} : vector<16xi32>
      %add3A_320 = vector.broadcast %add3A_318 : i32 to vector<16xi32>
      %add3A_321 = arith.addi %add3A_320, %iota3A_319 : vector<16xi32>
      %lt3A_322 = arith.constant 320000 : i32
      %lt3A_323 = vector.broadcast %lt3A_322 : i32 to vector<16xi32>
      %lt3A_324 = arith.cmpi slt, %add3A_321, %lt3A_323 : vector<16xi32>
      %jit3A_325 = arith.constant 0.000000e+00 : f32
      %broadcast_in_dim3A_326 = vector.broadcast %jit3A_325 : f32 to vector<16xf32>
      %select_n3A_327 = arith.select %lt3A_324, %exp3A_311, %broadcast_in_dim3A_326 : vector<16xi1>, vector<16xf32>
      %swap3A_328 = arith.constant 48 : index
      %swap3A_329 = tpu.vector_load %arg18[%swap3A_328] {strides = array<i32>} : memref<64xf32, #tpu.memory_space<vmem>>, vector<16xf32>,
      tpu.vector_store %arg18[%swap3A_328], %select_n3A_327 {strides = array<i32>} : memref<64xf32, #tpu.memory_space<vmem>>, vector<16xf32>,
      %shift_right_logical3A_330 = arith.constant 7 : i32
      %shift_right_logical3A_331 = vector.broadcast %shift_right_logical3A_330 : i32 to vector<16xi32>
      %shift_right_logical3A_332 = arith.shrui %shift_right_logical3A_292, %shift_right_logical3A_331 : vector<16xi32>
      %and3A_333 = arith.constant 127 : i32
      %and3A_334 = vector.broadcast %and3A_333 : i32 to vector<16xi32>
      %and3A_335 = arith.andi %shift_right_logical3A_292, %and3A_334 : vector<16xi32>
      tpu.vector_store_idx %arg19[%shift_right_logical3A_332, %and3A_335], %select_n3A_327 {add = true} : memref<80x128xf32, #tpu.memory_space<vmem>>[vector<16xi32>, vector<16xi32>], vector<16xf32>,
      %scan3A_336 = arith.constant 0 : i32
      %scan3A_337 = arith.constant 0 : i32
      %scan3A_338 = arith.constant 16 : i32
      %scan3A_339 = arith.addi %scan3A_337, %scan3A_338 : i32
      %scan3A_340 = arith.constant 1 : i32
      scf.for %scan3A_559 = %scan3A_337 to %scan3A_339 step %scan3A_340  : i32 {
        %mul3A_560 = arith.constant 4 : i32
        %mul3A_561 = arith.muli %scan3A_559, %mul3A_560 : i32
        %broadcast_in_dim3A_562 = arith.constant 0 : i32
        %broadcast_in_dim3A_563 = vector.broadcast %broadcast_in_dim3A_562 : i32 to vector<16xi32>
        %add3A_564 = arith.constant 0 : i32
        %add3A_565 = arith.addi %mul3A_561, %add3A_564 : i32
        %add3A_566 = vector.broadcast %add3A_565 : i32 to vector<16xi32>
        %add3A_567 = arith.addi %broadcast_in_dim3A_563, %add3A_566 : vector<16xi32>
        %gather3A_568 = tpu.vector_load_idx %arg18[%add3A_567] : memref<64xf32, #tpu.memory_space<vmem>>[vector<16xi32>], vector<16xf32>,
        %add3A_569 = arith.constant 0 : i32
        %add3A_570 = arith.addi %mul3A_561, %add3A_569 : i32
        %get3A_571 = arith.index_cast %add3A_570 : i32 to index
        %get3A_572 = arith.constant 0 : index
        %get3A_573 = tpu.vector_load %arg16[%get3A_571, %get3A_572] {strides = array<i32>} : memref<64x128xf32, #tpu.memory_space<vmem>>, vector<16xf32>,
        %mul3A_574 = arith.mulf %get3A_573, %gather3A_568 : vector<16xf32>
        %add3A_575 = arith.constant 0 : i32
        %add3A_576 = arith.addi %mul3A_561, %add3A_575 : i32
        %swap3A_577 = arith.index_cast %add3A_576 : i32 to index
        %swap3A_578 = arith.constant 0 : index
        %swap3A_579 = tpu.vector_load %arg16[%swap3A_577, %swap3A_578] {strides = array<i32>} : memref<64x128xf32, #tpu.memory_space<vmem>>, vector<16xf32>,
        tpu.vector_store %arg16[%swap3A_577, %swap3A_578], %mul3A_574 {strides = array<i32>} : memref<64x128xf32, #tpu.memory_space<vmem>>, vector<16xf32>,
        %add3A_580 = arith.constant 0 : i32
        %add3A_581 = arith.addi %mul3A_561, %add3A_580 : i32
        %get3A_582 = arith.index_cast %add3A_581 : i32 to index
        %get3A_583 = arith.constant 16 : index
        %get3A_584 = tpu.vector_load %arg16[%get3A_582, %get3A_583] {strides = array<i32>} : memref<64x128xf32, #tpu.memory_space<vmem>>, vector<16xf32>,
        %mul3A_585 = arith.mulf %get3A_584, %gather3A_568 : vector<16xf32>
        %add3A_586 = arith.constant 0 : i32
        %add3A_587 = arith.addi %mul3A_561, %add3A_586 : i32
        %swap3A_588 = arith.index_cast %add3A_587 : i32 to index
        %swap3A_589 = arith.constant 16 : index
        %swap3A_590 = tpu.vector_load %arg16[%swap3A_588, %swap3A_589] {strides = array<i32>} : memref<64x128xf32, #tpu.memory_space<vmem>>, vector<16xf32>,
        tpu.vector_store %arg16[%swap3A_588, %swap3A_589], %mul3A_585 {strides = array<i32>} : memref<64x128xf32, #tpu.memory_space<vmem>>, vector<16xf32>,
        %add3A_591 = arith.constant 0 : i32
        %add3A_592 = arith.addi %mul3A_561, %add3A_591 : i32
        %get3A_593 = arith.index_cast %add3A_592 : i32 to index
        %get3A_594 = arith.constant 32 : index
        %get3A_595 = tpu.vector_load %arg16[%get3A_593, %get3A_594] {strides = array<i32>} : memref<64x128xf32, #tpu.memory_space<vmem>>, vector<16xf32>,
        %mul3A_596 = arith.mulf %get3A_595, %gather3A_568 : vector<16xf32>
        %add3A_597 = arith.constant 0 : i32
        %add3A_598 = arith.addi %mul3A_561, %add3A_597 : i32
        %swap3A_599 = arith.index_cast %add3A_598 : i32 to index
        %swap3A_600 = arith.constant 32 : index
        %swap3A_601 = tpu.vector_load %arg16[%swap3A_599, %swap3A_600] {strides = array<i32>} : memref<64x128xf32, #tpu.memory_space<vmem>>, vector<16xf32>,
        tpu.vector_store %arg16[%swap3A_599, %swap3A_600], %mul3A_596 {strides = array<i32>} : memref<64x128xf32, #tpu.memory_space<vmem>>, vector<16xf32>,
        %add3A_602 = arith.constant 0 : i32
        %add3A_603 = arith.addi %mul3A_561, %add3A_602 : i32
        %get3A_604 = arith.index_cast %add3A_603 : i32 to index
        %get3A_605 = arith.constant 48 : index
        %get3A_606 = tpu.vector_load %arg16[%get3A_604, %get3A_605] {strides = array<i32>} : memref<64x128xf32, #tpu.memory_space<vmem>>, vector<16xf32>,
        %mul3A_607 = arith.mulf %get3A_606, %gather3A_568 : vector<16xf32>
        %add3A_608 = arith.constant 0 : i32
        %add3A_609 = arith.addi %mul3A_561, %add3A_608 : i32
        %swap3A_610 = arith.index_cast %add3A_609 : i32 to index
        %swap3A_611 = arith.constant 48 : index
        %swap3A_612 = tpu.vector_load %arg16[%swap3A_610, %swap3A_611] {strides = array<i32>} : memref<64x128xf32, #tpu.memory_space<vmem>>, vector<16xf32>,
        tpu.vector_store %arg16[%swap3A_610, %swap3A_611], %mul3A_607 {strides = array<i32>} : memref<64x128xf32, #tpu.memory_space<vmem>>, vector<16xf32>,
        %add3A_613 = arith.constant 0 : i32
        %add3A_614 = arith.addi %mul3A_561, %add3A_613 : i32
        %get3A_615 = arith.index_cast %add3A_614 : i32 to index
        %get3A_616 = arith.constant 64 : index
        %get3A_617 = tpu.vector_load %arg16[%get3A_615, %get3A_616] {strides = array<i32>} : memref<64x128xf32, #tpu.memory_space<vmem>>, vector<16xf32>,
        %mul3A_618 = arith.mulf %get3A_617, %gather3A_568 : vector<16xf32>
        %add3A_619 = arith.constant 0 : i32
        %add3A_620 = arith.addi %mul3A_561, %add3A_619 : i32
        %swap3A_621 = arith.index_cast %add3A_620 : i32 to index
        %swap3A_622 = arith.constant 64 : index
        %swap3A_623 = tpu.vector_load %arg16[%swap3A_621, %swap3A_622] {strides = array<i32>} : memref<64x128xf32, #tpu.memory_space<vmem>>, vector<16xf32>,
        tpu.vector_store %arg16[%swap3A_621, %swap3A_622], %mul3A_618 {strides = array<i32>} : memref<64x128xf32, #tpu.memory_space<vmem>>, vector<16xf32>,
        %add3A_624 = arith.constant 0 : i32
        %add3A_625 = arith.addi %mul3A_561, %add3A_624 : i32
        %get3A_626 = arith.index_cast %add3A_625 : i32 to index
        %get3A_627 = arith.constant 80 : index
        %get3A_628 = tpu.vector_load %arg16[%get3A_626, %get3A_627] {strides = array<i32>} : memref<64x128xf32, #tpu.memory_space<vmem>>, vector<16xf32>,
        %mul3A_629 = arith.mulf %get3A_628, %gather3A_568 : vector<16xf32>
        %add3A_630 = arith.constant 0 : i32
        %add3A_631 = arith.addi %mul3A_561, %add3A_630 : i32
        %swap3A_632 = arith.index_cast %add3A_631 : i32 to index
        %swap3A_633 = arith.constant 80 : index
        %swap3A_634 = tpu.vector_load %arg16[%swap3A_632, %swap3A_633] {strides = array<i32>} : memref<64x128xf32, #tpu.memory_space<vmem>>, vector<16xf32>,
        tpu.vector_store %arg16[%swap3A_632, %swap3A_633], %mul3A_629 {strides = array<i32>} : memref<64x128xf32, #tpu.memory_space<vmem>>, vector<16xf32>,
        %add3A_635 = arith.constant 0 : i32
        %add3A_636 = arith.addi %mul3A_561, %add3A_635 : i32
        %get3A_637 = arith.index_cast %add3A_636 : i32 to index
        %get3A_638 = arith.constant 96 : index
        %get3A_639 = tpu.vector_load %arg16[%get3A_637, %get3A_638] {strides = array<i32>} : memref<64x128xf32, #tpu.memory_space<vmem>>, vector<16xf32>,
        %mul3A_640 = arith.mulf %get3A_639, %gather3A_568 : vector<16xf32>
        %add3A_641 = arith.constant 0 : i32
        %add3A_642 = arith.addi %mul3A_561, %add3A_641 : i32
        %swap3A_643 = arith.index_cast %add3A_642 : i32 to index
        %swap3A_644 = arith.constant 96 : index
        %swap3A_645 = tpu.vector_load %arg16[%swap3A_643, %swap3A_644] {strides = array<i32>} : memref<64x128xf32, #tpu.memory_space<vmem>>, vector<16xf32>,
        tpu.vector_store %arg16[%swap3A_643, %swap3A_644], %mul3A_640 {strides = array<i32>} : memref<64x128xf32, #tpu.memory_space<vmem>>, vector<16xf32>,
        %add3A_646 = arith.constant 0 : i32
        %add3A_647 = arith.addi %mul3A_561, %add3A_646 : i32
        %get3A_648 = arith.index_cast %add3A_647 : i32 to index
        %get3A_649 = arith.constant 112 : index
        %get3A_650 = tpu.vector_load %arg16[%get3A_648, %get3A_649] {strides = array<i32>} : memref<64x128xf32, #tpu.memory_space<vmem>>, vector<16xf32>,
        %mul3A_651 = arith.mulf %get3A_650, %gather3A_568 : vector<16xf32>
        %add3A_652 = arith.constant 0 : i32
        %add3A_653 = arith.addi %mul3A_561, %add3A_652 : i32
        %swap3A_654 = arith.index_cast %add3A_653 : i32 to index
        %swap3A_655 = arith.constant 112 : index
        %swap3A_656 = tpu.vector_load %arg16[%swap3A_654, %swap3A_655] {strides = array<i32>} : memref<64x128xf32, #tpu.memory_space<vmem>>, vector<16xf32>,
        tpu.vector_store %arg16[%swap3A_654, %swap3A_655], %mul3A_651 {strides = array<i32>} : memref<64x128xf32, #tpu.memory_space<vmem>>, vector<16xf32>,
        %broadcast_in_dim3A_657 = arith.constant 0 : i32
        %broadcast_in_dim3A_658 = vector.broadcast %broadcast_in_dim3A_657 : i32 to vector<16xi32>
        %add3A_659 = arith.constant 1 : i32
        %add3A_660 = arith.addi %mul3A_561, %add3A_659 : i32
        %add3A_661 = vector.broadcast %add3A_660 : i32 to vector<16xi32>
        %add3A_662 = arith.addi %broadcast_in_dim3A_658, %add3A_661 : vector<16xi32>
        %gather3A_663 = tpu.vector_load_idx %arg18[%add3A_662] : memref<64xf32, #tpu.memory_space<vmem>>[vector<16xi32>], vector<16xf32>,
        %add3A_664 = arith.constant 1 : i32
        %add3A_665 = arith.addi %mul3A_561, %add3A_664 : i32
        %get3A_666 = arith.index_cast %add3A_665 : i32 to index
        %get3A_667 = arith.constant 0 : index
        %get3A_668 = tpu.vector_load %arg16[%get3A_666, %get3A_667] {strides = array<i32>} : memref<64x128xf32, #tpu.memory_space<vmem>>, vector<16xf32>,
        %mul3A_669 = arith.mulf %get3A_668, %gather3A_663 : vector<16xf32>
        %add3A_670 = arith.constant 1 : i32
        %add3A_671 = arith.addi %mul3A_561, %add3A_670 : i32
        %swap3A_672 = arith.index_cast %add3A_671 : i32 to index
        %swap3A_673 = arith.constant 0 : index
        %swap3A_674 = tpu.vector_load %arg16[%swap3A_672, %swap3A_673] {strides = array<i32>} : memref<64x128xf32, #tpu.memory_space<vmem>>, vector<16xf32>,
        tpu.vector_store %arg16[%swap3A_672, %swap3A_673], %mul3A_669 {strides = array<i32>} : memref<64x128xf32, #tpu.memory_space<vmem>>, vector<16xf32>,
        %add3A_675 = arith.constant 1 : i32
        %add3A_676 = arith.addi %mul3A_561, %add3A_675 : i32
        %get3A_677 = arith.index_cast %add3A_676 : i32 to index
        %get3A_678 = arith.constant 16 : index
        %get3A_679 = tpu.vector_load %arg16[%get3A_677, %get3A_678] {strides = array<i32>} : memref<64x128xf32, #tpu.memory_space<vmem>>, vector<16xf32>,
        %mul3A_680 = arith.mulf %get3A_679, %gather3A_663 : vector<16xf32>
        %add3A_681 = arith.constant 1 : i32
        %add3A_682 = arith.addi %mul3A_561, %add3A_681 : i32
        %swap3A_683 = arith.index_cast %add3A_682 : i32 to index
        %swap3A_684 = arith.constant 16 : index
        %swap3A_685 = tpu.vector_load %arg16[%swap3A_683, %swap3A_684] {strides = array<i32>} : memref<64x128xf32, #tpu.memory_space<vmem>>, vector<16xf32>,
        tpu.vector_store %arg16[%swap3A_683, %swap3A_684], %mul3A_680 {strides = array<i32>} : memref<64x128xf32, #tpu.memory_space<vmem>>, vector<16xf32>,
        %add3A_686 = arith.constant 1 : i32
        %add3A_687 = arith.addi %mul3A_561, %add3A_686 : i32
        %get3A_688 = arith.index_cast %add3A_687 : i32 to index
        %get3A_689 = arith.constant 32 : index
        %get3A_690 = tpu.vector_load %arg16[%get3A_688, %get3A_689] {strides = array<i32>} : memref<64x128xf32, #tpu.memory_space<vmem>>, vector<16xf32>,
        %mul3A_691 = arith.mulf %get3A_690, %gather3A_663 : vector<16xf32>
        %add3A_692 = arith.constant 1 : i32
        %add3A_693 = arith.addi %mul3A_561, %add3A_692 : i32
        %swap3A_694 = arith.index_cast %add3A_693 : i32 to index
        %swap3A_695 = arith.constant 32 : index
        %swap3A_696 = tpu.vector_load %arg16[%swap3A_694, %swap3A_695] {strides = array<i32>} : memref<64x128xf32, #tpu.memory_space<vmem>>, vector<16xf32>,
        tpu.vector_store %arg16[%swap3A_694, %swap3A_695], %mul3A_691 {strides = array<i32>} : memref<64x128xf32, #tpu.memory_space<vmem>>, vector<16xf32>,
        %add3A_697 = arith.constant 1 : i32
        %add3A_698 = arith.addi %mul3A_561, %add3A_697 : i32
        %get3A_699 = arith.index_cast %add3A_698 : i32 to index
        %get3A_700 = arith.constant 48 : index
        %get3A_701 = tpu.vector_load %arg16[%get3A_699, %get3A_700] {strides = array<i32>} : memref<64x128xf32, #tpu.memory_space<vmem>>, vector<16xf32>,
        %mul3A_702 = arith.mulf %get3A_701, %gather3A_663 : vector<16xf32>
        %add3A_703 = arith.constant 1 : i32
        %add3A_704 = arith.addi %mul3A_561, %add3A_703 : i32
        %swap3A_705 = arith.index_cast %add3A_704 : i32 to index
        %swap3A_706 = arith.constant 48 : index
        %swap3A_707 = tpu.vector_load %arg16[%swap3A_705, %swap3A_706] {strides = array<i32>} : memref<64x128xf32, #tpu.memory_space<vmem>>, vector<16xf32>,
        tpu.vector_store %arg16[%swap3A_705, %swap3A_706], %mul3A_702 {strides = array<i32>} : memref<64x128xf32, #tpu.memory_space<vmem>>, vector<16xf32>,
        %add3A_708 = arith.constant 1 : i32
        %add3A_709 = arith.addi %mul3A_561, %add3A_708 : i32
        %get3A_710 = arith.index_cast %add3A_709 : i32 to index
        %get3A_711 = arith.constant 64 : index
        %get3A_712 = tpu.vector_load %arg16[%get3A_710, %get3A_711] {strides = array<i32>} : memref<64x128xf32, #tpu.memory_space<vmem>>, vector<16xf32>,
        %mul3A_713 = arith.mulf %get3A_712, %gather3A_663 : vector<16xf32>
        %add3A_714 = arith.constant 1 : i32
        %add3A_715 = arith.addi %mul3A_561, %add3A_714 : i32
        %swap3A_716 = arith.index_cast %add3A_715 : i32 to index
        %swap3A_717 = arith.constant 64 : index
        %swap3A_718 = tpu.vector_load %arg16[%swap3A_716, %swap3A_717] {strides = array<i32>} : memref<64x128xf32, #tpu.memory_space<vmem>>, vector<16xf32>,
        tpu.vector_store %arg16[%swap3A_716, %swap3A_717], %mul3A_713 {strides = array<i32>} : memref<64x128xf32, #tpu.memory_space<vmem>>, vector<16xf32>,
        %add3A_719 = arith.constant 1 : i32
        %add3A_720 = arith.addi %mul3A_561, %add3A_719 : i32
        %get3A_721 = arith.index_cast %add3A_720 : i32 to index
        %get3A_722 = arith.constant 80 : index
        %get3A_723 = tpu.vector_load %arg16[%get3A_721, %get3A_722] {strides = array<i32>} : memref<64x128xf32, #tpu.memory_space<vmem>>, vector<16xf32>,
        %mul3A_724 = arith.mulf %get3A_723, %gather3A_663 : vector<16xf32>
        %add3A_725 = arith.constant 1 : i32
        %add3A_726 = arith.addi %mul3A_561, %add3A_725 : i32
        %swap3A_727 = arith.index_cast %add3A_726 : i32 to index
        %swap3A_728 = arith.constant 80 : index
        %swap3A_729 = tpu.vector_load %arg16[%swap3A_727, %swap3A_728] {strides = array<i32>} : memref<64x128xf32, #tpu.memory_space<vmem>>, vector<16xf32>,
        tpu.vector_store %arg16[%swap3A_727, %swap3A_728], %mul3A_724 {strides = array<i32>} : memref<64x128xf32, #tpu.memory_space<vmem>>, vector<16xf32>,
        %add3A_730 = arith.constant 1 : i32
        %add3A_731 = arith.addi %mul3A_561, %add3A_730 : i32
        %get3A_732 = arith.index_cast %add3A_731 : i32 to index
        %get3A_733 = arith.constant 96 : index
        %get3A_734 = tpu.vector_load %arg16[%get3A_732, %get3A_733] {strides = array<i32>} : memref<64x128xf32, #tpu.memory_space<vmem>>, vector<16xf32>,
        %mul3A_735 = arith.mulf %get3A_734, %gather3A_663 : vector<16xf32>
        %add3A_736 = arith.constant 1 : i32
        %add3A_737 = arith.addi %mul3A_561, %add3A_736 : i32
        %swap3A_738 = arith.index_cast %add3A_737 : i32 to index
        %swap3A_739 = arith.constant 96 : index
        %swap3A_740 = tpu.vector_load %arg16[%swap3A_738, %swap3A_739] {strides = array<i32>} : memref<64x128xf32, #tpu.memory_space<vmem>>, vector<16xf32>,
        tpu.vector_store %arg16[%swap3A_738, %swap3A_739], %mul3A_735 {strides = array<i32>} : memref<64x128xf32, #tpu.memory_space<vmem>>, vector<16xf32>,
        %add3A_741 = arith.constant 1 : i32
        %add3A_742 = arith.addi %mul3A_561, %add3A_741 : i32
        %get3A_743 = arith.index_cast %add3A_742 : i32 to index
        %get3A_744 = arith.constant 112 : index
        %get3A_745 = tpu.vector_load %arg16[%get3A_743, %get3A_744] {strides = array<i32>} : memref<64x128xf32, #tpu.memory_space<vmem>>, vector<16xf32>,
        %mul3A_746 = arith.mulf %get3A_745, %gather3A_663 : vector<16xf32>
        %add3A_747 = arith.constant 1 : i32
        %add3A_748 = arith.addi %mul3A_561, %add3A_747 : i32
        %swap3A_749 = arith.index_cast %add3A_748 : i32 to index
        %swap3A_750 = arith.constant 112 : index
        %swap3A_751 = tpu.vector_load %arg16[%swap3A_749, %swap3A_750] {strides = array<i32>} : memref<64x128xf32, #tpu.memory_space<vmem>>, vector<16xf32>,
        tpu.vector_store %arg16[%swap3A_749, %swap3A_750], %mul3A_746 {strides = array<i32>} : memref<64x128xf32, #tpu.memory_space<vmem>>, vector<16xf32>,
        %broadcast_in_dim3A_752 = arith.constant 0 : i32
        %broadcast_in_dim3A_753 = vector.broadcast %broadcast_in_dim3A_752 : i32 to vector<16xi32>
        %add3A_754 = arith.constant 2 : i32
        %add3A_755 = arith.addi %mul3A_561, %add3A_754 : i32
        %add3A_756 = vector.broadcast %add3A_755 : i32 to vector<16xi32>
        %add3A_757 = arith.addi %broadcast_in_dim3A_753, %add3A_756 : vector<16xi32>
        %gather3A_758 = tpu.vector_load_idx %arg18[%add3A_757] : memref<64xf32, #tpu.memory_space<vmem>>[vector<16xi32>], vector<16xf32>,
        %add3A_759 = arith.constant 2 : i32
        %add3A_760 = arith.addi %mul3A_561, %add3A_759 : i32
        %get3A_761 = arith.index_cast %add3A_760 : i32 to index
        %get3A_762 = arith.constant 0 : index
        %get3A_763 = tpu.vector_load %arg16[%get3A_761, %get3A_762] {strides = array<i32>} : memref<64x128xf32, #tpu.memory_space<vmem>>, vector<16xf32>,
        %mul3A_764 = arith.mulf %get3A_763, %gather3A_758 : vector<16xf32>
        %add3A_765 = arith.constant 2 : i32
        %add3A_766 = arith.addi %mul3A_561, %add3A_765 : i32
        %swap3A_767 = arith.index_cast %add3A_766 : i32 to index
        %swap3A_768 = arith.constant 0 : index
        %swap3A_769 = tpu.vector_load %arg16[%swap3A_767, %swap3A_768] {strides = array<i32>} : memref<64x128xf32, #tpu.memory_space<vmem>>, vector<16xf32>,
        tpu.vector_store %arg16[%swap3A_767, %swap3A_768], %mul3A_764 {strides = array<i32>} : memref<64x128xf32, #tpu.memory_space<vmem>>, vector<16xf32>,
        %add3A_770 = arith.constant 2 : i32
        %add3A_771 = arith.addi %mul3A_561, %add3A_770 : i32
        %get3A_772 = arith.index_cast %add3A_771 : i32 to index
        %get3A_773 = arith.constant 16 : index
        %get3A_774 = tpu.vector_load %arg16[%get3A_772, %get3A_773] {strides = array<i32>} : memref<64x128xf32, #tpu.memory_space<vmem>>, vector<16xf32>,
        %mul3A_775 = arith.mulf %get3A_774, %gather3A_758 : vector<16xf32>
        %add3A_776 = arith.constant 2 : i32
        %add3A_777 = arith.addi %mul3A_561, %add3A_776 : i32
        %swap3A_778 = arith.index_cast %add3A_777 : i32 to index
        %swap3A_779 = arith.constant 16 : index
        %swap3A_780 = tpu.vector_load %arg16[%swap3A_778, %swap3A_779] {strides = array<i32>} : memref<64x128xf32, #tpu.memory_space<vmem>>, vector<16xf32>,
        tpu.vector_store %arg16[%swap3A_778, %swap3A_779], %mul3A_775 {strides = array<i32>} : memref<64x128xf32, #tpu.memory_space<vmem>>, vector<16xf32>,
        %add3A_781 = arith.constant 2 : i32
        %add3A_782 = arith.addi %mul3A_561, %add3A_781 : i32
        %get3A_783 = arith.index_cast %add3A_782 : i32 to index
        %get3A_784 = arith.constant 32 : index
        %get3A_785 = tpu.vector_load %arg16[%get3A_783, %get3A_784] {strides = array<i32>} : memref<64x128xf32, #tpu.memory_space<vmem>>, vector<16xf32>,
        %mul3A_786 = arith.mulf %get3A_785, %gather3A_758 : vector<16xf32>
        %add3A_787 = arith.constant 2 : i32
        %add3A_788 = arith.addi %mul3A_561, %add3A_787 : i32
        %swap3A_789 = arith.index_cast %add3A_788 : i32 to index
        %swap3A_790 = arith.constant 32 : index
        %swap3A_791 = tpu.vector_load %arg16[%swap3A_789, %swap3A_790] {strides = array<i32>} : memref<64x128xf32, #tpu.memory_space<vmem>>, vector<16xf32>,
        tpu.vector_store %arg16[%swap3A_789, %swap3A_790], %mul3A_786 {strides = array<i32>} : memref<64x128xf32, #tpu.memory_space<vmem>>, vector<16xf32>,
        %add3A_792 = arith.constant 2 : i32
        %add3A_793 = arith.addi %mul3A_561, %add3A_792 : i32
        %get3A_794 = arith.index_cast %add3A_793 : i32 to index
        %get3A_795 = arith.constant 48 : index
        %get3A_796 = tpu.vector_load %arg16[%get3A_794, %get3A_795] {strides = array<i32>} : memref<64x128xf32, #tpu.memory_space<vmem>>, vector<16xf32>,
        %mul3A_797 = arith.mulf %get3A_796, %gather3A_758 : vector<16xf32>
        %add3A_798 = arith.constant 2 : i32
        %add3A_799 = arith.addi %mul3A_561, %add3A_798 : i32
        %swap3A_800 = arith.index_cast %add3A_799 : i32 to index
        %swap3A_801 = arith.constant 48 : index
        %swap3A_802 = tpu.vector_load %arg16[%swap3A_800, %swap3A_801] {strides = array<i32>} : memref<64x128xf32, #tpu.memory_space<vmem>>, vector<16xf32>,
        tpu.vector_store %arg16[%swap3A_800, %swap3A_801], %mul3A_797 {strides = array<i32>} : memref<64x128xf32, #tpu.memory_space<vmem>>, vector<16xf32>,
        %add3A_803 = arith.constant 2 : i32
        %add3A_804 = arith.addi %mul3A_561, %add3A_803 : i32
        %get3A_805 = arith.index_cast %add3A_804 : i32 to index
        %get3A_806 = arith.constant 64 : index
        %get3A_807 = tpu.vector_load %arg16[%get3A_805, %get3A_806] {strides = array<i32>} : memref<64x128xf32, #tpu.memory_space<vmem>>, vector<16xf32>,
        %mul3A_808 = arith.mulf %get3A_807, %gather3A_758 : vector<16xf32>
        %add3A_809 = arith.constant 2 : i32
        %add3A_810 = arith.addi %mul3A_561, %add3A_809 : i32
        %swap3A_811 = arith.index_cast %add3A_810 : i32 to index
        %swap3A_812 = arith.constant 64 : index
        %swap3A_813 = tpu.vector_load %arg16[%swap3A_811, %swap3A_812] {strides = array<i32>} : memref<64x128xf32, #tpu.memory_space<vmem>>, vector<16xf32>,
        tpu.vector_store %arg16[%swap3A_811, %swap3A_812], %mul3A_808 {strides = array<i32>} : memref<64x128xf32, #tpu.memory_space<vmem>>, vector<16xf32>,
        %add3A_814 = arith.constant 2 : i32
        %add3A_815 = arith.addi %mul3A_561, %add3A_814 : i32
        %get3A_816 = arith.index_cast %add3A_815 : i32 to index
        %get3A_817 = arith.constant 80 : index
        %get3A_818 = tpu.vector_load %arg16[%get3A_816, %get3A_817] {strides = array<i32>} : memref<64x128xf32, #tpu.memory_space<vmem>>, vector<16xf32>,
        %mul3A_819 = arith.mulf %get3A_818, %gather3A_758 : vector<16xf32>
        %add3A_820 = arith.constant 2 : i32
        %add3A_821 = arith.addi %mul3A_561, %add3A_820 : i32
        %swap3A_822 = arith.index_cast %add3A_821 : i32 to index
        %swap3A_823 = arith.constant 80 : index
        %swap3A_824 = tpu.vector_load %arg16[%swap3A_822, %swap3A_823] {strides = array<i32>} : memref<64x128xf32, #tpu.memory_space<vmem>>, vector<16xf32>,
        tpu.vector_store %arg16[%swap3A_822, %swap3A_823], %mul3A_819 {strides = array<i32>} : memref<64x128xf32, #tpu.memory_space<vmem>>, vector<16xf32>,
        %add3A_825 = arith.constant 2 : i32
        %add3A_826 = arith.addi %mul3A_561, %add3A_825 : i32
        %get3A_827 = arith.index_cast %add3A_826 : i32 to index
        %get3A_828 = arith.constant 96 : index
        %get3A_829 = tpu.vector_load %arg16[%get3A_827, %get3A_828] {strides = array<i32>} : memref<64x128xf32, #tpu.memory_space<vmem>>, vector<16xf32>,
        %mul3A_830 = arith.mulf %get3A_829, %gather3A_758 : vector<16xf32>
        %add3A_831 = arith.constant 2 : i32
        %add3A_832 = arith.addi %mul3A_561, %add3A_831 : i32
        %swap3A_833 = arith.index_cast %add3A_832 : i32 to index
        %swap3A_834 = arith.constant 96 : index
        %swap3A_835 = tpu.vector_load %arg16[%swap3A_833, %swap3A_834] {strides = array<i32>} : memref<64x128xf32, #tpu.memory_space<vmem>>, vector<16xf32>,
        tpu.vector_store %arg16[%swap3A_833, %swap3A_834], %mul3A_830 {strides = array<i32>} : memref<64x128xf32, #tpu.memory_space<vmem>>, vector<16xf32>,
        %add3A_836 = arith.constant 2 : i32
        %add3A_837 = arith.addi %mul3A_561, %add3A_836 : i32
        %get3A_838 = arith.index_cast %add3A_837 : i32 to index
        %get3A_839 = arith.constant 112 : index
        %get3A_840 = tpu.vector_load %arg16[%get3A_838, %get3A_839] {strides = array<i32>} : memref<64x128xf32, #tpu.memory_space<vmem>>, vector<16xf32>,
        %mul3A_841 = arith.mulf %get3A_840, %gather3A_758 : vector<16xf32>
        %add3A_842 = arith.constant 2 : i32
        %add3A_843 = arith.addi %mul3A_561, %add3A_842 : i32
        %swap3A_844 = arith.index_cast %add3A_843 : i32 to index
        %swap3A_845 = arith.constant 112 : index
        %swap3A_846 = tpu.vector_load %arg16[%swap3A_844, %swap3A_845] {strides = array<i32>} : memref<64x128xf32, #tpu.memory_space<vmem>>, vector<16xf32>,
        tpu.vector_store %arg16[%swap3A_844, %swap3A_845], %mul3A_841 {strides = array<i32>} : memref<64x128xf32, #tpu.memory_space<vmem>>, vector<16xf32>,
        %broadcast_in_dim3A_847 = arith.constant 0 : i32
        %broadcast_in_dim3A_848 = vector.broadcast %broadcast_in_dim3A_847 : i32 to vector<16xi32>
        %add3A_849 = arith.constant 3 : i32
        %add3A_850 = arith.addi %mul3A_561, %add3A_849 : i32
        %add3A_851 = vector.broadcast %add3A_850 : i32 to vector<16xi32>
        %add3A_852 = arith.addi %broadcast_in_dim3A_848, %add3A_851 : vector<16xi32>
        %gather3A_853 = tpu.vector_load_idx %arg18[%add3A_852] : memref<64xf32, #tpu.memory_space<vmem>>[vector<16xi32>], vector<16xf32>,
        %add3A_854 = arith.constant 3 : i32
        %add3A_855 = arith.addi %mul3A_561, %add3A_854 : i32
        %get3A_856 = arith.index_cast %add3A_855 : i32 to index
        %get3A_857 = arith.constant 0 : index
        %get3A_858 = tpu.vector_load %arg16[%get3A_856, %get3A_857] {strides = array<i32>} : memref<64x128xf32, #tpu.memory_space<vmem>>, vector<16xf32>,
        %mul3A_859 = arith.mulf %get3A_858, %gather3A_853 : vector<16xf32>
        %add3A_860 = arith.constant 3 : i32
        %add3A_861 = arith.addi %mul3A_561, %add3A_860 : i32
        %swap3A_862 = arith.index_cast %add3A_861 : i32 to index
        %swap3A_863 = arith.constant 0 : index
        %swap3A_864 = tpu.vector_load %arg16[%swap3A_862, %swap3A_863] {strides = array<i32>} : memref<64x128xf32, #tpu.memory_space<vmem>>, vector<16xf32>,
        tpu.vector_store %arg16[%swap3A_862, %swap3A_863], %mul3A_859 {strides = array<i32>} : memref<64x128xf32, #tpu.memory_space<vmem>>, vector<16xf32>,
        %add3A_865 = arith.constant 3 : i32
        %add3A_866 = arith.addi %mul3A_561, %add3A_865 : i32
        %get3A_867 = arith.index_cast %add3A_866 : i32 to index
        %get3A_868 = arith.constant 16 : index
        %get3A_869 = tpu.vector_load %arg16[%get3A_867, %get3A_868] {strides = array<i32>} : memref<64x128xf32, #tpu.memory_space<vmem>>, vector<16xf32>,
        %mul3A_870 = arith.mulf %get3A_869, %gather3A_853 : vector<16xf32>
        %add3A_871 = arith.constant 3 : i32
        %add3A_872 = arith.addi %mul3A_561, %add3A_871 : i32
        %swap3A_873 = arith.index_cast %add3A_872 : i32 to index
        %swap3A_874 = arith.constant 16 : index
        %swap3A_875 = tpu.vector_load %arg16[%swap3A_873, %swap3A_874] {strides = array<i32>} : memref<64x128xf32, #tpu.memory_space<vmem>>, vector<16xf32>,
        tpu.vector_store %arg16[%swap3A_873, %swap3A_874], %mul3A_870 {strides = array<i32>} : memref<64x128xf32, #tpu.memory_space<vmem>>, vector<16xf32>,
        %add3A_876 = arith.constant 3 : i32
        %add3A_877 = arith.addi %mul3A_561, %add3A_876 : i32
        %get3A_878 = arith.index_cast %add3A_877 : i32 to index
        %get3A_879 = arith.constant 32 : index
        %get3A_880 = tpu.vector_load %arg16[%get3A_878, %get3A_879] {strides = array<i32>} : memref<64x128xf32, #tpu.memory_space<vmem>>, vector<16xf32>,
        %mul3A_881 = arith.mulf %get3A_880, %gather3A_853 : vector<16xf32>
        %add3A_882 = arith.constant 3 : i32
        %add3A_883 = arith.addi %mul3A_561, %add3A_882 : i32
        %swap3A_884 = arith.index_cast %add3A_883 : i32 to index
        %swap3A_885 = arith.constant 32 : index
        %swap3A_886 = tpu.vector_load %arg16[%swap3A_884, %swap3A_885] {strides = array<i32>} : memref<64x128xf32, #tpu.memory_space<vmem>>, vector<16xf32>,
        tpu.vector_store %arg16[%swap3A_884, %swap3A_885], %mul3A_881 {strides = array<i32>} : memref<64x128xf32, #tpu.memory_space<vmem>>, vector<16xf32>,
        %add3A_887 = arith.constant 3 : i32
        %add3A_888 = arith.addi %mul3A_561, %add3A_887 : i32
        %get3A_889 = arith.index_cast %add3A_888 : i32 to index
        %get3A_890 = arith.constant 48 : index
        %get3A_891 = tpu.vector_load %arg16[%get3A_889, %get3A_890] {strides = array<i32>} : memref<64x128xf32, #tpu.memory_space<vmem>>, vector<16xf32>,
        %mul3A_892 = arith.mulf %get3A_891, %gather3A_853 : vector<16xf32>
        %add3A_893 = arith.constant 3 : i32
        %add3A_894 = arith.addi %mul3A_561, %add3A_893 : i32
        %swap3A_895 = arith.index_cast %add3A_894 : i32 to index
        %swap3A_896 = arith.constant 48 : index
        %swap3A_897 = tpu.vector_load %arg16[%swap3A_895, %swap3A_896] {strides = array<i32>} : memref<64x128xf32, #tpu.memory_space<vmem>>, vector<16xf32>,
        tpu.vector_store %arg16[%swap3A_895, %swap3A_896], %mul3A_892 {strides = array<i32>} : memref<64x128xf32, #tpu.memory_space<vmem>>, vector<16xf32>,
        %add3A_898 = arith.constant 3 : i32
        %add3A_899 = arith.addi %mul3A_561, %add3A_898 : i32
        %get3A_900 = arith.index_cast %add3A_899 : i32 to index
        %get3A_901 = arith.constant 64 : index
        %get3A_902 = tpu.vector_load %arg16[%get3A_900, %get3A_901] {strides = array<i32>} : memref<64x128xf32, #tpu.memory_space<vmem>>, vector<16xf32>,
        %mul3A_903 = arith.mulf %get3A_902, %gather3A_853 : vector<16xf32>
        %add3A_904 = arith.constant 3 : i32
        %add3A_905 = arith.addi %mul3A_561, %add3A_904 : i32
        %swap3A_906 = arith.index_cast %add3A_905 : i32 to index
        %swap3A_907 = arith.constant 64 : index
        %swap3A_908 = tpu.vector_load %arg16[%swap3A_906, %swap3A_907] {strides = array<i32>} : memref<64x128xf32, #tpu.memory_space<vmem>>, vector<16xf32>,
        tpu.vector_store %arg16[%swap3A_906, %swap3A_907], %mul3A_903 {strides = array<i32>} : memref<64x128xf32, #tpu.memory_space<vmem>>, vector<16xf32>,
        %add3A_909 = arith.constant 3 : i32
        %add3A_910 = arith.addi %mul3A_561, %add3A_909 : i32
        %get3A_911 = arith.index_cast %add3A_910 : i32 to index
        %get3A_912 = arith.constant 80 : index
        %get3A_913 = tpu.vector_load %arg16[%get3A_911, %get3A_912] {strides = array<i32>} : memref<64x128xf32, #tpu.memory_space<vmem>>, vector<16xf32>,
        %mul3A_914 = arith.mulf %get3A_913, %gather3A_853 : vector<16xf32>
        %add3A_915 = arith.constant 3 : i32
        %add3A_916 = arith.addi %mul3A_561, %add3A_915 : i32
        %swap3A_917 = arith.index_cast %add3A_916 : i32 to index
        %swap3A_918 = arith.constant 80 : index
        %swap3A_919 = tpu.vector_load %arg16[%swap3A_917, %swap3A_918] {strides = array<i32>} : memref<64x128xf32, #tpu.memory_space<vmem>>, vector<16xf32>,
        tpu.vector_store %arg16[%swap3A_917, %swap3A_918], %mul3A_914 {strides = array<i32>} : memref<64x128xf32, #tpu.memory_space<vmem>>, vector<16xf32>,
        %add3A_920 = arith.constant 3 : i32
        %add3A_921 = arith.addi %mul3A_561, %add3A_920 : i32
        %get3A_922 = arith.index_cast %add3A_921 : i32 to index
        %get3A_923 = arith.constant 96 : index
        %get3A_924 = tpu.vector_load %arg16[%get3A_922, %get3A_923] {strides = array<i32>} : memref<64x128xf32, #tpu.memory_space<vmem>>, vector<16xf32>,
        %mul3A_925 = arith.mulf %get3A_924, %gather3A_853 : vector<16xf32>
        %add3A_926 = arith.constant 3 : i32
        %add3A_927 = arith.addi %mul3A_561, %add3A_926 : i32
        %swap3A_928 = arith.index_cast %add3A_927 : i32 to index
        %swap3A_929 = arith.constant 96 : index
        %swap3A_930 = tpu.vector_load %arg16[%swap3A_928, %swap3A_929] {strides = array<i32>} : memref<64x128xf32, #tpu.memory_space<vmem>>, vector<16xf32>,
        tpu.vector_store %arg16[%swap3A_928, %swap3A_929], %mul3A_925 {strides = array<i32>} : memref<64x128xf32, #tpu.memory_space<vmem>>, vector<16xf32>,
        %add3A_931 = arith.constant 3 : i32
        %add3A_932 = arith.addi %mul3A_561, %add3A_931 : i32
        %get3A_933 = arith.index_cast %add3A_932 : i32 to index
        %get3A_934 = arith.constant 112 : index
        %get3A_935 = tpu.vector_load %arg16[%get3A_933, %get3A_934] {strides = array<i32>} : memref<64x128xf32, #tpu.memory_space<vmem>>, vector<16xf32>,
        %mul3A_936 = arith.mulf %get3A_935, %gather3A_853 : vector<16xf32>
        %add3A_937 = arith.constant 3 : i32
        %add3A_938 = arith.addi %mul3A_561, %add3A_937 : i32
        %swap3A_939 = arith.index_cast %add3A_938 : i32 to index
        %swap3A_940 = arith.constant 112 : index
        %swap3A_941 = tpu.vector_load %arg16[%swap3A_939, %swap3A_940] {strides = array<i32>} : memref<64x128xf32, #tpu.memory_space<vmem>>, vector<16xf32>,
        tpu.vector_store %arg16[%swap3A_939, %swap3A_940], %mul3A_936 {strides = array<i32>} : memref<64x128xf32, #tpu.memory_space<vmem>>, vector<16xf32>,
      }
      %scan3A_341 = arith.constant 16 : i32
      "tpu.region"() ({
        %run_scoped3A = tpu.sem_alloc : memref<!tpu.dma_semaphore, #tpu.memory_space<semaphore_mem>>
        %dma_start3A_559 = arith.constant 0 : i32
        %dma_start3A_560 = arith.constant 0 : i32
        %dma_start3A_561 = tpu.memref_slice %arg20[%dma_start3A_559, %dma_start3A_560] : memref<10240x128xf32, #tpu.memory_space<vmem_shared>> -> memref<10240x128xf32, #tpu.memory_space<vmem_shared>>
        tpu.enqueue_indirect_dma source(%arg16 : memref<64x128xf32, #tpu.memory_space<vmem>>) target(%dma_start3A_561 : memref<10240x128xf32, #tpu.memory_space<vmem_shared>>) offsets(%arg12 : memref<64xi32, #tpu.memory_space<vmem>>) semaphore(%run_scoped3A : memref<!tpu.dma_semaphore, #tpu.memory_space<semaphore_mem>>) {add = true}
        %dma_wait3A_562 = arith.constant 0 : i32
        %dma_wait3A_563 = arith.constant 0 : i32
        %dma_wait3A_564 = tpu.memref_slice %arg20[%dma_wait3A_562, %dma_wait3A_563] : memref<10240x128xf32, #tpu.memory_space<vmem_shared>> -> memref<10240x128xf32, #tpu.memory_space<vmem_shared>>
        tpu.wait_indirect_dma semaphore(%run_scoped3A : memref<!tpu.dma_semaphore, #tpu.memory_space<semaphore_mem>>) src(%arg16 : memref<64x128xf32, #tpu.memory_space<vmem>>) dst(%dma_wait3A_564 : memref<10240x128xf32, #tpu.memory_space<vmem_shared>>)
        tpu.yield
      }) : () -> ()
      %add3A_342 = arith.constant 2 : i32
      %add3A_343 = arith.addi %add3A_150, %add3A_342 : i32
      %lt3A_344 = arith.constant 158 : i32
      %lt3A_345 = arith.cmpi slt, %add3A_343, %lt3A_344 : i32
      %convert_element_type3A = arith.extui %lt3A_345 : i1 to i32
      %cond3A = arith.constant 0 : i32
      %cond3A_346 = arith.cmpi ne, %convert_element_type3A, %cond3A : i32
      scf.if %cond3A_346 {
        %add3A_559 = arith.constant 2 : i32
        %add3A_560 = arith.addi %add3A_150, %add3A_559 : i32
        %mul3A_561 = arith.constant 2 : i32
        %mul3A_562 = arith.muli %add3A_560, %mul3A_561 : i32
        %mul3A_563 = arith.constant 64 : i32
        %mul3A_564 = arith.muli %mul3A_562, %mul3A_563 : i32
        %add3A_565 = arith.addi %mul3A_6, %mul3A_564 : i32
        "tpu.region"() ({
          %run_scoped3A = tpu.sem_alloc : memref<!tpu.dma_semaphore, #tpu.memory_space<semaphore_mem>>
          %dma_start3A_597 = tpu.memref_slice %arg2[%add3A_565] : memref<647168xi32, #tpu.memory_space<hbm>> -> memref<128xi32, #tpu.memory_space<hbm>>
          %dma_start3A_598 = tpu.memref_slice %arg2[%add3A_565] : memref<647168xi32, #tpu.memory_space<hbm>> -> memref<128xi32, #tpu.memory_space<hbm>>
          tpu.enqueue_dma source(%dma_start3A_598 : memref<128xi32, #tpu.memory_space<hbm>>) target(%arg8 : memref<128xi32, #tpu.memory_space<vmem>>) target_semaphore(%run_scoped3A : memref<!tpu.dma_semaphore, #tpu.memory_space<semaphore_mem>>)
          %dma_wait3A_599 = tpu.memref_slice %arg2[%add3A_565] : memref<647168xi32, #tpu.memory_space<hbm>> -> memref<128xi32, #tpu.memory_space<hbm>>
          %dma_wait3A_600 = tpu.memref_slice %arg2[%add3A_565] : memref<647168xi32, #tpu.memory_space<hbm>> -> memref<128xi32, #tpu.memory_space<hbm>>
          tpu.wait_dma2 semaphore(%run_scoped3A : memref<!tpu.dma_semaphore, #tpu.memory_space<semaphore_mem>>) src(%dma_wait3A_600 : memref<128xi32, #tpu.memory_space<hbm>>) dst(%arg8 : memref<128xi32, #tpu.memory_space<vmem>>)
          tpu.yield
        }) : () -> ()
        %get3A_566 = arith.constant 0 : index
        %get3A_567 = tpu.vector_load %arg8[%get3A_566] {strides = array<i32>} : memref<128xi32, #tpu.memory_space<vmem>>, vector<16xi32>,
        %and3A_568 = arith.constant 65535 : i32
        %and3A_569 = vector.broadcast %and3A_568 : i32 to vector<16xi32>
        %and3A_570 = arith.andi %get3A_567, %and3A_569 : vector<16xi32>
        %swap3A_571 = arith.constant 0 : index
        %swap3A_572 = tpu.vector_load %arg10[%swap3A_571] {strides = array<i32>} : memref<64xi32, #tpu.memory_space<vmem>>, vector<16xi32>,
        tpu.vector_store %arg10[%swap3A_571], %and3A_570 {strides = array<i32>} : memref<64xi32, #tpu.memory_space<vmem>>, vector<16xi32>,
        %get3A_573 = arith.constant 16 : index
        %get3A_574 = tpu.vector_load %arg8[%get3A_573] {strides = array<i32>} : memref<128xi32, #tpu.memory_space<vmem>>, vector<16xi32>,
        %and3A_575 = arith.constant 65535 : i32
        %and3A_576 = vector.broadcast %and3A_575 : i32 to vector<16xi32>
        %and3A_577 = arith.andi %get3A_574, %and3A_576 : vector<16xi32>
        %swap3A_578 = arith.constant 16 : index
        %swap3A_579 = tpu.vector_load %arg10[%swap3A_578] {strides = array<i32>} : memref<64xi32, #tpu.memory_space<vmem>>, vector<16xi32>,
        tpu.vector_store %arg10[%swap3A_578], %and3A_577 {strides = array<i32>} : memref<64xi32, #tpu.memory_space<vmem>>, vector<16xi32>,
        %get3A_580 = arith.constant 32 : index
        %get3A_581 = tpu.vector_load %arg8[%get3A_580] {strides = array<i32>} : memref<128xi32, #tpu.memory_space<vmem>>, vector<16xi32>,
        %and3A_582 = arith.constant 65535 : i32
        %and3A_583 = vector.broadcast %and3A_582 : i32 to vector<16xi32>
        %and3A_584 = arith.andi %get3A_581, %and3A_583 : vector<16xi32>
        %swap3A_585 = arith.constant 32 : index
        %swap3A_586 = tpu.vector_load %arg10[%swap3A_585] {strides = array<i32>} : memref<64xi32, #tpu.memory_space<vmem>>, vector<16xi32>,
        tpu.vector_store %arg10[%swap3A_585], %and3A_584 {strides = array<i32>} : memref<64xi32, #tpu.memory_space<vmem>>, vector<16xi32>,
        %get3A_587 = arith.constant 48 : index
        %get3A_588 = tpu.vector_load %arg8[%get3A_587] {strides = array<i32>} : memref<128xi32, #tpu.memory_space<vmem>>, vector<16xi32>,
        %and3A_589 = arith.constant 65535 : i32
        %and3A_590 = vector.broadcast %and3A_589 : i32 to vector<16xi32>
        %and3A_591 = arith.andi %get3A_588, %and3A_590 : vector<16xi32>
        %swap3A_592 = arith.constant 48 : index
        %swap3A_593 = tpu.vector_load %arg10[%swap3A_592] {strides = array<i32>} : memref<64xi32, #tpu.memory_space<vmem>>, vector<16xi32>,
        tpu.vector_store %arg10[%swap3A_592], %and3A_591 {strides = array<i32>} : memref<64xi32, #tpu.memory_space<vmem>>, vector<16xi32>,
        %dma_start3A_594 = arith.constant 0 : i32
        %dma_start3A_595 = arith.constant 0 : i32
        %dma_start3A_596 = tpu.memref_slice %arg5[%dma_start3A_594, %dma_start3A_595] : memref<10000x128xf32, #tpu.memory_space<hbm>> -> memref<10000x128xf32, #tpu.memory_space<hbm>>
        tpu.enqueue_indirect_dma source(%dma_start3A_596 : memref<10000x128xf32, #tpu.memory_space<hbm>>) target(%arg16 : memref<64x128xf32, #tpu.memory_space<vmem>>) offsets(%arg10 : memref<64xi32, #tpu.memory_space<vmem>>) semaphore(%arg21 : memref<!tpu.dma_semaphore, #tpu.memory_space<semaphore_mem>>)
      } else {
      }
      %mul3A_347 = arith.constant 2 : i32
      %mul3A_348 = arith.muli %scan3A_146, %mul3A_347 : i32
      %add3A_349 = arith.constant 1 : i32
      %add3A_350 = arith.addi %mul3A_348, %add3A_349 : i32
      %dma_wait3A_351 = arith.constant 0 : i32
      %dma_wait3A_352 = arith.constant 0 : i32
      %dma_wait3A_353 = tpu.memref_slice %arg5[%dma_wait3A_351, %dma_wait3A_352] : memref<10000x128xf32, #tpu.memory_space<hbm>> -> memref<10000x128xf32, #tpu.memory_space<hbm>>
      tpu.wait_indirect_dma semaphore(%arg22 : memref<!tpu.dma_semaphore, #tpu.memory_space<semaphore_mem>>) src(%dma_wait3A_353 : memref<10000x128xf32, #tpu.memory_space<hbm>>) dst(%arg17 : memref<64x128xf32, #tpu.memory_space<vmem>>)
      %get3A_354 = arith.constant 0 : index
      %get3A_355 = tpu.vector_load %arg9[%get3A_354] {strides = array<i32>} : memref<128xi32, #tpu.memory_space<vmem>>, vector<16xi32>,
      %shift_right_logical3A_356 = arith.constant 16 : i32
      %shift_right_logical3A_357 = vector.broadcast %shift_right_logical3A_356 : i32 to vector<16xi32>
      %shift_right_logical3A_358 = arith.shrui %get3A_355, %shift_right_logical3A_357 : vector<16xi32>
      %swap3A_359 = arith.constant 0 : index
      %swap3A_360 = tpu.vector_load %arg13[%swap3A_359] {strides = array<i32>} : memref<64xi32, #tpu.memory_space<vmem>>, vector<16xi32>,
      tpu.vector_store %arg13[%swap3A_359], %shift_right_logical3A_358 {strides = array<i32>} : memref<64xi32, #tpu.memory_space<vmem>>, vector<16xi32>,
      %get3A_361 = arith.constant 0 : index
      %get3A_362 = tpu.vector_load %arg11[%get3A_361] {strides = array<i32>} : memref<64xi32, #tpu.memory_space<vmem>>, vector<16xi32>,
      %gather3A_363 = tpu.vector_load_idx %arg14[%get3A_362] : memref<10000xf32, #tpu.memory_space<vmem>>[vector<16xi32>], vector<16xf32>,
      %gather3A_364 = tpu.vector_load_idx %arg15[%shift_right_logical3A_358] : memref<10000xf32, #tpu.memory_space<vmem>>[vector<16xi32>], vector<16xf32>,
      %get3A_365 = arith.constant 64 : index
      %get3A_366 = tpu.vector_load %arg9[%get3A_365] {strides = array<i32>} : memref<128xi32, #tpu.memory_space<vmem>>, vector<16xi32>,
      %bitcast3A_367 = vector.bitcast %get3A_366 : vector<16xi32> to vector<16xf32>
      %add3A_368 = arith.addf %gather3A_363, %gather3A_364 : vector<16xf32>
      %add3A_369 = arith.addf %add3A_368, %bitcast3A_367 : vector<16xf32>
      %ge3A_370 = arith.constant 0.000000e+00 : f32
      %ge3A_371 = vector.broadcast %ge3A_370 : f32 to vector<16xf32>
      %ge3A_372 = arith.cmpf oge, %add3A_369, %ge3A_371 : vector<16xf32>
      %mul3A_373 = arith.constant 0.00999999977 : f32
      %mul3A_374 = vector.broadcast %mul3A_373 : f32 to vector<16xf32>
      %mul3A_375 = arith.mulf %add3A_369, %mul3A_374 : vector<16xf32>
      %select_n3A_376 = arith.select %ge3A_372, %add3A_369, %mul3A_375 : vector<16xi1>, vector<16xf32>
      %exp3A_377 = math.exp %select_n3A_376 : vector<16xf32>
      %mul3A_378 = arith.constant 10112 : i32
      %mul3A_379 = arith.muli %add3A, %mul3A_378 : i32
      %mul3A_380 = arith.constant 64 : i32
      %mul3A_381 = arith.muli %add3A_350, %mul3A_380 : i32
      %add3A_382 = arith.addi %mul3A_379, %mul3A_381 : i32
      %add3A_383 = arith.constant 0 : i32
      %add3A_384 = arith.addi %add3A_382, %add3A_383 : i32
      %iota3A_385 = tpu.iota {dimensions = array<i32: 0>} : vector<16xi32>
      %add3A_386 = vector.broadcast %add3A_384 : i32 to vector<16xi32>
      %add3A_387 = arith.addi %add3A_386, %iota3A_385 : vector<16xi32>
      %lt3A_388 = arith.constant 320000 : i32
      %lt3A_389 = vector.broadcast %lt3A_388 : i32 to vector<16xi32>
      %lt3A_390 = arith.cmpi slt, %add3A_387, %lt3A_389 : vector<16xi32>
      %jit3A_391 = arith.constant 0.000000e+00 : f32
      %broadcast_in_dim3A_392 = vector.broadcast %jit3A_391 : f32 to vector<16xf32>
      %select_n3A_393 = arith.select %lt3A_390, %exp3A_377, %broadcast_in_dim3A_392 : vector<16xi1>, vector<16xf32>
      %swap3A_394 = arith.constant 0 : index
      %swap3A_395 = tpu.vector_load %arg18[%swap3A_394] {strides = array<i32>} : memref<64xf32, #tpu.memory_space<vmem>>, vector<16xf32>,
      tpu.vector_store %arg18[%swap3A_394], %select_n3A_393 {strides = array<i32>} : memref<64xf32, #tpu.memory_space<vmem>>, vector<16xf32>,
      %shift_right_logical3A_396 = arith.constant 7 : i32
      %shift_right_logical3A_397 = vector.broadcast %shift_right_logical3A_396 : i32 to vector<16xi32>
      %shift_right_logical3A_398 = arith.shrui %shift_right_logical3A_358, %shift_right_logical3A_397 : vector<16xi32>
      %and3A_399 = arith.constant 127 : i32
      %and3A_400 = vector.broadcast %and3A_399 : i32 to vector<16xi32>
      %and3A_401 = arith.andi %shift_right_logical3A_358, %and3A_400 : vector<16xi32>
      tpu.vector_store_idx %arg19[%shift_right_logical3A_398, %and3A_401], %select_n3A_393 {add = true} : memref<80x128xf32, #tpu.memory_space<vmem>>[vector<16xi32>, vector<16xi32>], vector<16xf32>,
      %get3A_402 = arith.constant 16 : index
      %get3A_403 = tpu.vector_load %arg9[%get3A_402] {strides = array<i32>} : memref<128xi32, #tpu.memory_space<vmem>>, vector<16xi32>,
      %shift_right_logical3A_404 = arith.constant 16 : i32
      %shift_right_logical3A_405 = vector.broadcast %shift_right_logical3A_404 : i32 to vector<16xi32>
      %shift_right_logical3A_406 = arith.shrui %get3A_403, %shift_right_logical3A_405 : vector<16xi32>
      %swap3A_407 = arith.constant 16 : index
      %swap3A_408 = tpu.vector_load %arg13[%swap3A_407] {strides = array<i32>} : memref<64xi32, #tpu.memory_space<vmem>>, vector<16xi32>,
      tpu.vector_store %arg13[%swap3A_407], %shift_right_logical3A_406 {strides = array<i32>} : memref<64xi32, #tpu.memory_space<vmem>>, vector<16xi32>,
      %get3A_409 = arith.constant 16 : index
      %get3A_410 = tpu.vector_load %arg11[%get3A_409] {strides = array<i32>} : memref<64xi32, #tpu.memory_space<vmem>>, vector<16xi32>,
      %gather3A_411 = tpu.vector_load_idx %arg14[%get3A_410] : memref<10000xf32, #tpu.memory_space<vmem>>[vector<16xi32>], vector<16xf32>,
      %gather3A_412 = tpu.vector_load_idx %arg15[%shift_right_logical3A_406] : memref<10000xf32, #tpu.memory_space<vmem>>[vector<16xi32>], vector<16xf32>,
      %get3A_413 = arith.constant 80 : index
      %get3A_414 = tpu.vector_load %arg9[%get3A_413] {strides = array<i32>} : memref<128xi32, #tpu.memory_space<vmem>>, vector<16xi32>,
      %bitcast3A_415 = vector.bitcast %get3A_414 : vector<16xi32> to vector<16xf32>
      %add3A_416 = arith.addf %gather3A_411, %gather3A_412 : vector<16xf32>
      %add3A_417 = arith.addf %add3A_416, %bitcast3A_415 : vector<16xf32>
      %ge3A_418 = arith.constant 0.000000e+00 : f32
      %ge3A_419 = vector.broadcast %ge3A_418 : f32 to vector<16xf32>
      %ge3A_420 = arith.cmpf oge, %add3A_417, %ge3A_419 : vector<16xf32>
      %mul3A_421 = arith.constant 0.00999999977 : f32
      %mul3A_422 = vector.broadcast %mul3A_421 : f32 to vector<16xf32>
      %mul3A_423 = arith.mulf %add3A_417, %mul3A_422 : vector<16xf32>
      %select_n3A_424 = arith.select %ge3A_420, %add3A_417, %mul3A_423 : vector<16xi1>, vector<16xf32>
      %exp3A_425 = math.exp %select_n3A_424 : vector<16xf32>
      %mul3A_426 = arith.constant 10112 : i32
      %mul3A_427 = arith.muli %add3A, %mul3A_426 : i32
      %mul3A_428 = arith.constant 64 : i32
      %mul3A_429 = arith.muli %add3A_350, %mul3A_428 : i32
      %add3A_430 = arith.addi %mul3A_427, %mul3A_429 : i32
      %add3A_431 = arith.constant 16 : i32
      %add3A_432 = arith.addi %add3A_430, %add3A_431 : i32
      %iota3A_433 = tpu.iota {dimensions = array<i32: 0>} : vector<16xi32>
      %add3A_434 = vector.broadcast %add3A_432 : i32 to vector<16xi32>
      %add3A_435 = arith.addi %add3A_434, %iota3A_433 : vector<16xi32>
      %lt3A_436 = arith.constant 320000 : i32
      %lt3A_437 = vector.broadcast %lt3A_436 : i32 to vector<16xi32>
      %lt3A_438 = arith.cmpi slt, %add3A_435, %lt3A_437 : vector<16xi32>
      %jit3A_439 = arith.constant 0.000000e+00 : f32
      %broadcast_in_dim3A_440 = vector.broadcast %jit3A_439 : f32 to vector<16xf32>
      %select_n3A_441 = arith.select %lt3A_438, %exp3A_425, %broadcast_in_dim3A_440 : vector<16xi1>, vector<16xf32>
      %swap3A_442 = arith.constant 16 : index
      %swap3A_443 = tpu.vector_load %arg18[%swap3A_442] {strides = array<i32>} : memref<64xf32, #tpu.memory_space<vmem>>, vector<16xf32>,
      tpu.vector_store %arg18[%swap3A_442], %select_n3A_441 {strides = array<i32>} : memref<64xf32, #tpu.memory_space<vmem>>, vector<16xf32>,
      %shift_right_logical3A_444 = arith.constant 7 : i32
      %shift_right_logical3A_445 = vector.broadcast %shift_right_logical3A_444 : i32 to vector<16xi32>
      %shift_right_logical3A_446 = arith.shrui %shift_right_logical3A_406, %shift_right_logical3A_445 : vector<16xi32>
      %and3A_447 = arith.constant 127 : i32
      %and3A_448 = vector.broadcast %and3A_447 : i32 to vector<16xi32>
      %and3A_449 = arith.andi %shift_right_logical3A_406, %and3A_448 : vector<16xi32>
      tpu.vector_store_idx %arg19[%shift_right_logical3A_446, %and3A_449], %select_n3A_441 {add = true} : memref<80x128xf32, #tpu.memory_space<vmem>>[vector<16xi32>, vector<16xi32>], vector<16xf32>,
      %get3A_450 = arith.constant 32 : index
      %get3A_451 = tpu.vector_load %arg9[%get3A_450] {strides = array<i32>} : memref<128xi32, #tpu.memory_space<vmem>>, vector<16xi32>,
      %shift_right_logical3A_452 = arith.constant 16 : i32
      %shift_right_logical3A_453 = vector.broadcast %shift_right_logical3A_452 : i32 to vector<16xi32>
      %shift_right_logical3A_454 = arith.shrui %get3A_451, %shift_right_logical3A_453 : vector<16xi32>
      %swap3A_455 = arith.constant 32 : index
      %swap3A_456 = tpu.vector_load %arg13[%swap3A_455] {strides = array<i32>} : memref<64xi32, #tpu.memory_space<vmem>>, vector<16xi32>,
      tpu.vector_store %arg13[%swap3A_455], %shift_right_logical3A_454 {strides = array<i32>} : memref<64xi32, #tpu.memory_space<vmem>>, vector<16xi32>,
      %get3A_457 = arith.constant 32 : index
      %get3A_458 = tpu.vector_load %arg11[%get3A_457] {strides = array<i32>} : memref<64xi32, #tpu.memory_space<vmem>>, vector<16xi32>,
      %gather3A_459 = tpu.vector_load_idx %arg14[%get3A_458] : memref<10000xf32, #tpu.memory_space<vmem>>[vector<16xi32>], vector<16xf32>,
      %gather3A_460 = tpu.vector_load_idx %arg15[%shift_right_logical3A_454] : memref<10000xf32, #tpu.memory_space<vmem>>[vector<16xi32>], vector<16xf32>,
      %get3A_461 = arith.constant 96 : index
      %get3A_462 = tpu.vector_load %arg9[%get3A_461] {strides = array<i32>} : memref<128xi32, #tpu.memory_space<vmem>>, vector<16xi32>,
      %bitcast3A_463 = vector.bitcast %get3A_462 : vector<16xi32> to vector<16xf32>
      %add3A_464 = arith.addf %gather3A_459, %gather3A_460 : vector<16xf32>
      %add3A_465 = arith.addf %add3A_464, %bitcast3A_463 : vector<16xf32>
      %ge3A_466 = arith.constant 0.000000e+00 : f32
      %ge3A_467 = vector.broadcast %ge3A_466 : f32 to vector<16xf32>
      %ge3A_468 = arith.cmpf oge, %add3A_465, %ge3A_467 : vector<16xf32>
      %mul3A_469 = arith.constant 0.00999999977 : f32
      %mul3A_470 = vector.broadcast %mul3A_469 : f32 to vector<16xf32>
      %mul3A_471 = arith.mulf %add3A_465, %mul3A_470 : vector<16xf32>
      %select_n3A_472 = arith.select %ge3A_468, %add3A_465, %mul3A_471 : vector<16xi1>, vector<16xf32>
      %exp3A_473 = math.exp %select_n3A_472 : vector<16xf32>
      %mul3A_474 = arith.constant 10112 : i32
      %mul3A_475 = arith.muli %add3A, %mul3A_474 : i32
      %mul3A_476 = arith.constant 64 : i32
      %mul3A_477 = arith.muli %add3A_350, %mul3A_476 : i32
      %add3A_478 = arith.addi %mul3A_475, %mul3A_477 : i32
      %add3A_479 = arith.constant 32 : i32
      %add3A_480 = arith.addi %add3A_478, %add3A_479 : i32
      %iota3A_481 = tpu.iota {dimensions = array<i32: 0>} : vector<16xi32>
      %add3A_482 = vector.broadcast %add3A_480 : i32 to vector<16xi32>
      %add3A_483 = arith.addi %add3A_482, %iota3A_481 : vector<16xi32>
      %lt3A_484 = arith.constant 320000 : i32
      %lt3A_485 = vector.broadcast %lt3A_484 : i32 to vector<16xi32>
      %lt3A_486 = arith.cmpi slt, %add3A_483, %lt3A_485 : vector<16xi32>
      %jit3A_487 = arith.constant 0.000000e+00 : f32
      %broadcast_in_dim3A_488 = vector.broadcast %jit3A_487 : f32 to vector<16xf32>
      %select_n3A_489 = arith.select %lt3A_486, %exp3A_473, %broadcast_in_dim3A_488 : vector<16xi1>, vector<16xf32>
      %swap3A_490 = arith.constant 32 : index
      %swap3A_491 = tpu.vector_load %arg18[%swap3A_490] {strides = array<i32>} : memref<64xf32, #tpu.memory_space<vmem>>, vector<16xf32>,
      tpu.vector_store %arg18[%swap3A_490], %select_n3A_489 {strides = array<i32>} : memref<64xf32, #tpu.memory_space<vmem>>, vector<16xf32>,
      %shift_right_logical3A_492 = arith.constant 7 : i32
      %shift_right_logical3A_493 = vector.broadcast %shift_right_logical3A_492 : i32 to vector<16xi32>
      %shift_right_logical3A_494 = arith.shrui %shift_right_logical3A_454, %shift_right_logical3A_493 : vector<16xi32>
      %and3A_495 = arith.constant 127 : i32
      %and3A_496 = vector.broadcast %and3A_495 : i32 to vector<16xi32>
      %and3A_497 = arith.andi %shift_right_logical3A_454, %and3A_496 : vector<16xi32>
      tpu.vector_store_idx %arg19[%shift_right_logical3A_494, %and3A_497], %select_n3A_489 {add = true} : memref<80x128xf32, #tpu.memory_space<vmem>>[vector<16xi32>, vector<16xi32>], vector<16xf32>,
      %get3A_498 = arith.constant 48 : index
      %get3A_499 = tpu.vector_load %arg9[%get3A_498] {strides = array<i32>} : memref<128xi32, #tpu.memory_space<vmem>>, vector<16xi32>,
      %shift_right_logical3A_500 = arith.constant 16 : i32
      %shift_right_logical3A_501 = vector.broadcast %shift_right_logical3A_500 : i32 to vector<16xi32>
      %shift_right_logical3A_502 = arith.shrui %get3A_499, %shift_right_logical3A_501 : vector<16xi32>
      %swap3A_503 = arith.constant 48 : index
      %swap3A_504 = tpu.vector_load %arg13[%swap3A_503] {strides = array<i32>} : memref<64xi32, #tpu.memory_space<vmem>>, vector<16xi32>,
      tpu.vector_store %arg13[%swap3A_503], %shift_right_logical3A_502 {strides = array<i32>} : memref<64xi32, #tpu.memory_space<vmem>>, vector<16xi32>,
      %get3A_505 = arith.constant 48 : index
      %get3A_506 = tpu.vector_load %arg11[%get3A_505] {strides = array<i32>} : memref<64xi32, #tpu.memory_space<vmem>>, vector<16xi32>,
      %gather3A_507 = tpu.vector_load_idx %arg14[%get3A_506] : memref<10000xf32, #tpu.memory_space<vmem>>[vector<16xi32>], vector<16xf32>,
      %gather3A_508 = tpu.vector_load_idx %arg15[%shift_right_logical3A_502] : memref<10000xf32, #tpu.memory_space<vmem>>[vector<16xi32>], vector<16xf32>,
      %get3A_509 = arith.constant 112 : index
      %get3A_510 = tpu.vector_load %arg9[%get3A_509] {strides = array<i32>} : memref<128xi32, #tpu.memory_space<vmem>>, vector<16xi32>,
      %bitcast3A_511 = vector.bitcast %get3A_510 : vector<16xi32> to vector<16xf32>
      %add3A_512 = arith.addf %gather3A_507, %gather3A_508 : vector<16xf32>
      %add3A_513 = arith.addf %add3A_512, %bitcast3A_511 : vector<16xf32>
      %ge3A_514 = arith.constant 0.000000e+00 : f32
      %ge3A_515 = vector.broadcast %ge3A_514 : f32 to vector<16xf32>
      %ge3A_516 = arith.cmpf oge, %add3A_513, %ge3A_515 : vector<16xf32>
      %mul3A_517 = arith.constant 0.00999999977 : f32
      %mul3A_518 = vector.broadcast %mul3A_517 : f32 to vector<16xf32>
      %mul3A_519 = arith.mulf %add3A_513, %mul3A_518 : vector<16xf32>
      %select_n3A_520 = arith.select %ge3A_516, %add3A_513, %mul3A_519 : vector<16xi1>, vector<16xf32>
      %exp3A_521 = math.exp %select_n3A_520 : vector<16xf32>
      %mul3A_522 = arith.constant 10112 : i32
      %mul3A_523 = arith.muli %add3A, %mul3A_522 : i32
      %mul3A_524 = arith.constant 64 : i32
      %mul3A_525 = arith.muli %add3A_350, %mul3A_524 : i32
      %add3A_526 = arith.addi %mul3A_523, %mul3A_525 : i32
      %add3A_527 = arith.constant 48 : i32
      %add3A_528 = arith.addi %add3A_526, %add3A_527 : i32
      %iota3A_529 = tpu.iota {dimensions = array<i32: 0>} : vector<16xi32>
      %add3A_530 = vector.broadcast %add3A_528 : i32 to vector<16xi32>
      %add3A_531 = arith.addi %add3A_530, %iota3A_529 : vector<16xi32>
      %lt3A_532 = arith.constant 320000 : i32
      %lt3A_533 = vector.broadcast %lt3A_532 : i32 to vector<16xi32>
      %lt3A_534 = arith.cmpi slt, %add3A_531, %lt3A_533 : vector<16xi32>
      %jit3A_535 = arith.constant 0.000000e+00 : f32
      %broadcast_in_dim3A_536 = vector.broadcast %jit3A_535 : f32 to vector<16xf32>
      %select_n3A_537 = arith.select %lt3A_534, %exp3A_521, %broadcast_in_dim3A_536 : vector<16xi1>, vector<16xf32>
      %swap3A_538 = arith.constant 48 : index
      %swap3A_539 = tpu.vector_load %arg18[%swap3A_538] {strides = array<i32>} : memref<64xf32, #tpu.memory_space<vmem>>, vector<16xf32>,
      tpu.vector_store %arg18[%swap3A_538], %select_n3A_537 {strides = array<i32>} : memref<64xf32, #tpu.memory_space<vmem>>, vector<16xf32>,
      %shift_right_logical3A_540 = arith.constant 7 : i32
      %shift_right_logical3A_541 = vector.broadcast %shift_right_logical3A_540 : i32 to vector<16xi32>
      %shift_right_logical3A_542 = arith.shrui %shift_right_logical3A_502, %shift_right_logical3A_541 : vector<16xi32>
      %and3A_543 = arith.constant 127 : i32
      %and3A_544 = vector.broadcast %and3A_543 : i32 to vector<16xi32>
      %and3A_545 = arith.andi %shift_right_logical3A_502, %and3A_544 : vector<16xi32>
      tpu.vector_store_idx %arg19[%shift_right_logical3A_542, %and3A_545], %select_n3A_537 {add = true} : memref<80x128xf32, #tpu.memory_space<vmem>>[vector<16xi32>, vector<16xi32>], vector<16xf32>,
      %scan3A_546 = arith.constant 0 : i32
      %scan3A_547 = arith.constant 0 : i32
      %scan3A_548 = arith.constant 16 : i32
      %scan3A_549 = arith.addi %scan3A_547, %scan3A_548 : i32
      %scan3A_550 = arith.constant 1 : i32
      scf.for %scan3A_559 = %scan3A_547 to %scan3A_549 step %scan3A_550  : i32 {
        %mul3A_560 = arith.constant 4 : i32
        %mul3A_561 = arith.muli %scan3A_559, %mul3A_560 : i32
        %broadcast_in_dim3A_562 = arith.constant 0 : i32
        %broadcast_in_dim3A_563 = vector.broadcast %broadcast_in_dim3A_562 : i32 to vector<16xi32>
        %add3A_564 = arith.constant 0 : i32
        %add3A_565 = arith.addi %mul3A_561, %add3A_564 : i32
        %add3A_566 = vector.broadcast %add3A_565 : i32 to vector<16xi32>
        %add3A_567 = arith.addi %broadcast_in_dim3A_563, %add3A_566 : vector<16xi32>
        %gather3A_568 = tpu.vector_load_idx %arg18[%add3A_567] : memref<64xf32, #tpu.memory_space<vmem>>[vector<16xi32>], vector<16xf32>,
        %add3A_569 = arith.constant 0 : i32
        %add3A_570 = arith.addi %mul3A_561, %add3A_569 : i32
        %get3A_571 = arith.index_cast %add3A_570 : i32 to index
        %get3A_572 = arith.constant 0 : index
        %get3A_573 = tpu.vector_load %arg17[%get3A_571, %get3A_572] {strides = array<i32>} : memref<64x128xf32, #tpu.memory_space<vmem>>, vector<16xf32>,
        %mul3A_574 = arith.mulf %get3A_573, %gather3A_568 : vector<16xf32>
        %add3A_575 = arith.constant 0 : i32
        %add3A_576 = arith.addi %mul3A_561, %add3A_575 : i32
        %swap3A_577 = arith.index_cast %add3A_576 : i32 to index
        %swap3A_578 = arith.constant 0 : index
        %swap3A_579 = tpu.vector_load %arg17[%swap3A_577, %swap3A_578] {strides = array<i32>} : memref<64x128xf32, #tpu.memory_space<vmem>>, vector<16xf32>,
        tpu.vector_store %arg17[%swap3A_577, %swap3A_578], %mul3A_574 {strides = array<i32>} : memref<64x128xf32, #tpu.memory_space<vmem>>, vector<16xf32>,
        %add3A_580 = arith.constant 0 : i32
        %add3A_581 = arith.addi %mul3A_561, %add3A_580 : i32
        %get3A_582 = arith.index_cast %add3A_581 : i32 to index
        %get3A_583 = arith.constant 16 : index
        %get3A_584 = tpu.vector_load %arg17[%get3A_582, %get3A_583] {strides = array<i32>} : memref<64x128xf32, #tpu.memory_space<vmem>>, vector<16xf32>,
        %mul3A_585 = arith.mulf %get3A_584, %gather3A_568 : vector<16xf32>
        %add3A_586 = arith.constant 0 : i32
        %add3A_587 = arith.addi %mul3A_561, %add3A_586 : i32
        %swap3A_588 = arith.index_cast %add3A_587 : i32 to index
        %swap3A_589 = arith.constant 16 : index
        %swap3A_590 = tpu.vector_load %arg17[%swap3A_588, %swap3A_589] {strides = array<i32>} : memref<64x128xf32, #tpu.memory_space<vmem>>, vector<16xf32>,
        tpu.vector_store %arg17[%swap3A_588, %swap3A_589], %mul3A_585 {strides = array<i32>} : memref<64x128xf32, #tpu.memory_space<vmem>>, vector<16xf32>,
        %add3A_591 = arith.constant 0 : i32
        %add3A_592 = arith.addi %mul3A_561, %add3A_591 : i32
        %get3A_593 = arith.index_cast %add3A_592 : i32 to index
        %get3A_594 = arith.constant 32 : index
        %get3A_595 = tpu.vector_load %arg17[%get3A_593, %get3A_594] {strides = array<i32>} : memref<64x128xf32, #tpu.memory_space<vmem>>, vector<16xf32>,
        %mul3A_596 = arith.mulf %get3A_595, %gather3A_568 : vector<16xf32>
        %add3A_597 = arith.constant 0 : i32
        %add3A_598 = arith.addi %mul3A_561, %add3A_597 : i32
        %swap3A_599 = arith.index_cast %add3A_598 : i32 to index
        %swap3A_600 = arith.constant 32 : index
        %swap3A_601 = tpu.vector_load %arg17[%swap3A_599, %swap3A_600] {strides = array<i32>} : memref<64x128xf32, #tpu.memory_space<vmem>>, vector<16xf32>,
        tpu.vector_store %arg17[%swap3A_599, %swap3A_600], %mul3A_596 {strides = array<i32>} : memref<64x128xf32, #tpu.memory_space<vmem>>, vector<16xf32>,
        %add3A_602 = arith.constant 0 : i32
        %add3A_603 = arith.addi %mul3A_561, %add3A_602 : i32
        %get3A_604 = arith.index_cast %add3A_603 : i32 to index
        %get3A_605 = arith.constant 48 : index
        %get3A_606 = tpu.vector_load %arg17[%get3A_604, %get3A_605] {strides = array<i32>} : memref<64x128xf32, #tpu.memory_space<vmem>>, vector<16xf32>,
        %mul3A_607 = arith.mulf %get3A_606, %gather3A_568 : vector<16xf32>
        %add3A_608 = arith.constant 0 : i32
        %add3A_609 = arith.addi %mul3A_561, %add3A_608 : i32
        %swap3A_610 = arith.index_cast %add3A_609 : i32 to index
        %swap3A_611 = arith.constant 48 : index
        %swap3A_612 = tpu.vector_load %arg17[%swap3A_610, %swap3A_611] {strides = array<i32>} : memref<64x128xf32, #tpu.memory_space<vmem>>, vector<16xf32>,
        tpu.vector_store %arg17[%swap3A_610, %swap3A_611], %mul3A_607 {strides = array<i32>} : memref<64x128xf32, #tpu.memory_space<vmem>>, vector<16xf32>,
        %add3A_613 = arith.constant 0 : i32
        %add3A_614 = arith.addi %mul3A_561, %add3A_613 : i32
        %get3A_615 = arith.index_cast %add3A_614 : i32 to index
        %get3A_616 = arith.constant 64 : index
        %get3A_617 = tpu.vector_load %arg17[%get3A_615, %get3A_616] {strides = array<i32>} : memref<64x128xf32, #tpu.memory_space<vmem>>, vector<16xf32>,
        %mul3A_618 = arith.mulf %get3A_617, %gather3A_568 : vector<16xf32>
        %add3A_619 = arith.constant 0 : i32
        %add3A_620 = arith.addi %mul3A_561, %add3A_619 : i32
        %swap3A_621 = arith.index_cast %add3A_620 : i32 to index
        %swap3A_622 = arith.constant 64 : index
        %swap3A_623 = tpu.vector_load %arg17[%swap3A_621, %swap3A_622] {strides = array<i32>} : memref<64x128xf32, #tpu.memory_space<vmem>>, vector<16xf32>,
        tpu.vector_store %arg17[%swap3A_621, %swap3A_622], %mul3A_618 {strides = array<i32>} : memref<64x128xf32, #tpu.memory_space<vmem>>, vector<16xf32>,
        %add3A_624 = arith.constant 0 : i32
        %add3A_625 = arith.addi %mul3A_561, %add3A_624 : i32
        %get3A_626 = arith.index_cast %add3A_625 : i32 to index
        %get3A_627 = arith.constant 80 : index
        %get3A_628 = tpu.vector_load %arg17[%get3A_626, %get3A_627] {strides = array<i32>} : memref<64x128xf32, #tpu.memory_space<vmem>>, vector<16xf32>,
        %mul3A_629 = arith.mulf %get3A_628, %gather3A_568 : vector<16xf32>
        %add3A_630 = arith.constant 0 : i32
        %add3A_631 = arith.addi %mul3A_561, %add3A_630 : i32
        %swap3A_632 = arith.index_cast %add3A_631 : i32 to index
        %swap3A_633 = arith.constant 80 : index
        %swap3A_634 = tpu.vector_load %arg17[%swap3A_632, %swap3A_633] {strides = array<i32>} : memref<64x128xf32, #tpu.memory_space<vmem>>, vector<16xf32>,
        tpu.vector_store %arg17[%swap3A_632, %swap3A_633], %mul3A_629 {strides = array<i32>} : memref<64x128xf32, #tpu.memory_space<vmem>>, vector<16xf32>,
        %add3A_635 = arith.constant 0 : i32
        %add3A_636 = arith.addi %mul3A_561, %add3A_635 : i32
        %get3A_637 = arith.index_cast %add3A_636 : i32 to index
        %get3A_638 = arith.constant 96 : index
        %get3A_639 = tpu.vector_load %arg17[%get3A_637, %get3A_638] {strides = array<i32>} : memref<64x128xf32, #tpu.memory_space<vmem>>, vector<16xf32>,
        %mul3A_640 = arith.mulf %get3A_639, %gather3A_568 : vector<16xf32>
        %add3A_641 = arith.constant 0 : i32
        %add3A_642 = arith.addi %mul3A_561, %add3A_641 : i32
        %swap3A_643 = arith.index_cast %add3A_642 : i32 to index
        %swap3A_644 = arith.constant 96 : index
        %swap3A_645 = tpu.vector_load %arg17[%swap3A_643, %swap3A_644] {strides = array<i32>} : memref<64x128xf32, #tpu.memory_space<vmem>>, vector<16xf32>,
        tpu.vector_store %arg17[%swap3A_643, %swap3A_644], %mul3A_640 {strides = array<i32>} : memref<64x128xf32, #tpu.memory_space<vmem>>, vector<16xf32>,
        %add3A_646 = arith.constant 0 : i32
        %add3A_647 = arith.addi %mul3A_561, %add3A_646 : i32
        %get3A_648 = arith.index_cast %add3A_647 : i32 to index
        %get3A_649 = arith.constant 112 : index
        %get3A_650 = tpu.vector_load %arg17[%get3A_648, %get3A_649] {strides = array<i32>} : memref<64x128xf32, #tpu.memory_space<vmem>>, vector<16xf32>,
        %mul3A_651 = arith.mulf %get3A_650, %gather3A_568 : vector<16xf32>
        %add3A_652 = arith.constant 0 : i32
        %add3A_653 = arith.addi %mul3A_561, %add3A_652 : i32
        %swap3A_654 = arith.index_cast %add3A_653 : i32 to index
        %swap3A_655 = arith.constant 112 : index
        %swap3A_656 = tpu.vector_load %arg17[%swap3A_654, %swap3A_655] {strides = array<i32>} : memref<64x128xf32, #tpu.memory_space<vmem>>, vector<16xf32>,
        tpu.vector_store %arg17[%swap3A_654, %swap3A_655], %mul3A_651 {strides = array<i32>} : memref<64x128xf32, #tpu.memory_space<vmem>>, vector<16xf32>,
        %broadcast_in_dim3A_657 = arith.constant 0 : i32
        %broadcast_in_dim3A_658 = vector.broadcast %broadcast_in_dim3A_657 : i32 to vector<16xi32>
        %add3A_659 = arith.constant 1 : i32
        %add3A_660 = arith.addi %mul3A_561, %add3A_659 : i32
        %add3A_661 = vector.broadcast %add3A_660 : i32 to vector<16xi32>
        %add3A_662 = arith.addi %broadcast_in_dim3A_658, %add3A_661 : vector<16xi32>
        %gather3A_663 = tpu.vector_load_idx %arg18[%add3A_662] : memref<64xf32, #tpu.memory_space<vmem>>[vector<16xi32>], vector<16xf32>,
        %add3A_664 = arith.constant 1 : i32
        %add3A_665 = arith.addi %mul3A_561, %add3A_664 : i32
        %get3A_666 = arith.index_cast %add3A_665 : i32 to index
        %get3A_667 = arith.constant 0 : index
        %get3A_668 = tpu.vector_load %arg17[%get3A_666, %get3A_667] {strides = array<i32>} : memref<64x128xf32, #tpu.memory_space<vmem>>, vector<16xf32>,
        %mul3A_669 = arith.mulf %get3A_668, %gather3A_663 : vector<16xf32>
        %add3A_670 = arith.constant 1 : i32
        %add3A_671 = arith.addi %mul3A_561, %add3A_670 : i32
        %swap3A_672 = arith.index_cast %add3A_671 : i32 to index
        %swap3A_673 = arith.constant 0 : index
        %swap3A_674 = tpu.vector_load %arg17[%swap3A_672, %swap3A_673] {strides = array<i32>} : memref<64x128xf32, #tpu.memory_space<vmem>>, vector<16xf32>,
        tpu.vector_store %arg17[%swap3A_672, %swap3A_673], %mul3A_669 {strides = array<i32>} : memref<64x128xf32, #tpu.memory_space<vmem>>, vector<16xf32>,
        %add3A_675 = arith.constant 1 : i32
        %add3A_676 = arith.addi %mul3A_561, %add3A_675 : i32
        %get3A_677 = arith.index_cast %add3A_676 : i32 to index
        %get3A_678 = arith.constant 16 : index
        %get3A_679 = tpu.vector_load %arg17[%get3A_677, %get3A_678] {strides = array<i32>} : memref<64x128xf32, #tpu.memory_space<vmem>>, vector<16xf32>,
        %mul3A_680 = arith.mulf %get3A_679, %gather3A_663 : vector<16xf32>
        %add3A_681 = arith.constant 1 : i32
        %add3A_682 = arith.addi %mul3A_561, %add3A_681 : i32
        %swap3A_683 = arith.index_cast %add3A_682 : i32 to index
        %swap3A_684 = arith.constant 16 : index
        %swap3A_685 = tpu.vector_load %arg17[%swap3A_683, %swap3A_684] {strides = array<i32>} : memref<64x128xf32, #tpu.memory_space<vmem>>, vector<16xf32>,
        tpu.vector_store %arg17[%swap3A_683, %swap3A_684], %mul3A_680 {strides = array<i32>} : memref<64x128xf32, #tpu.memory_space<vmem>>, vector<16xf32>,
        %add3A_686 = arith.constant 1 : i32
        %add3A_687 = arith.addi %mul3A_561, %add3A_686 : i32
        %get3A_688 = arith.index_cast %add3A_687 : i32 to index
        %get3A_689 = arith.constant 32 : index
        %get3A_690 = tpu.vector_load %arg17[%get3A_688, %get3A_689] {strides = array<i32>} : memref<64x128xf32, #tpu.memory_space<vmem>>, vector<16xf32>,
        %mul3A_691 = arith.mulf %get3A_690, %gather3A_663 : vector<16xf32>
        %add3A_692 = arith.constant 1 : i32
        %add3A_693 = arith.addi %mul3A_561, %add3A_692 : i32
        %swap3A_694 = arith.index_cast %add3A_693 : i32 to index
        %swap3A_695 = arith.constant 32 : index
        %swap3A_696 = tpu.vector_load %arg17[%swap3A_694, %swap3A_695] {strides = array<i32>} : memref<64x128xf32, #tpu.memory_space<vmem>>, vector<16xf32>,
        tpu.vector_store %arg17[%swap3A_694, %swap3A_695], %mul3A_691 {strides = array<i32>} : memref<64x128xf32, #tpu.memory_space<vmem>>, vector<16xf32>,
        %add3A_697 = arith.constant 1 : i32
        %add3A_698 = arith.addi %mul3A_561, %add3A_697 : i32
        %get3A_699 = arith.index_cast %add3A_698 : i32 to index
        %get3A_700 = arith.constant 48 : index
        %get3A_701 = tpu.vector_load %arg17[%get3A_699, %get3A_700] {strides = array<i32>} : memref<64x128xf32, #tpu.memory_space<vmem>>, vector<16xf32>,
        %mul3A_702 = arith.mulf %get3A_701, %gather3A_663 : vector<16xf32>
        %add3A_703 = arith.constant 1 : i32
        %add3A_704 = arith.addi %mul3A_561, %add3A_703 : i32
        %swap3A_705 = arith.index_cast %add3A_704 : i32 to index
        %swap3A_706 = arith.constant 48 : index
        %swap3A_707 = tpu.vector_load %arg17[%swap3A_705, %swap3A_706] {strides = array<i32>} : memref<64x128xf32, #tpu.memory_space<vmem>>, vector<16xf32>,
        tpu.vector_store %arg17[%swap3A_705, %swap3A_706], %mul3A_702 {strides = array<i32>} : memref<64x128xf32, #tpu.memory_space<vmem>>, vector<16xf32>,
        %add3A_708 = arith.constant 1 : i32
        %add3A_709 = arith.addi %mul3A_561, %add3A_708 : i32
        %get3A_710 = arith.index_cast %add3A_709 : i32 to index
        %get3A_711 = arith.constant 64 : index
        %get3A_712 = tpu.vector_load %arg17[%get3A_710, %get3A_711] {strides = array<i32>} : memref<64x128xf32, #tpu.memory_space<vmem>>, vector<16xf32>,
        %mul3A_713 = arith.mulf %get3A_712, %gather3A_663 : vector<16xf32>
        %add3A_714 = arith.constant 1 : i32
        %add3A_715 = arith.addi %mul3A_561, %add3A_714 : i32
        %swap3A_716 = arith.index_cast %add3A_715 : i32 to index
        %swap3A_717 = arith.constant 64 : index
        %swap3A_718 = tpu.vector_load %arg17[%swap3A_716, %swap3A_717] {strides = array<i32>} : memref<64x128xf32, #tpu.memory_space<vmem>>, vector<16xf32>,
        tpu.vector_store %arg17[%swap3A_716, %swap3A_717], %mul3A_713 {strides = array<i32>} : memref<64x128xf32, #tpu.memory_space<vmem>>, vector<16xf32>,
        %add3A_719 = arith.constant 1 : i32
        %add3A_720 = arith.addi %mul3A_561, %add3A_719 : i32
        %get3A_721 = arith.index_cast %add3A_720 : i32 to index
        %get3A_722 = arith.constant 80 : index
        %get3A_723 = tpu.vector_load %arg17[%get3A_721, %get3A_722] {strides = array<i32>} : memref<64x128xf32, #tpu.memory_space<vmem>>, vector<16xf32>,
        %mul3A_724 = arith.mulf %get3A_723, %gather3A_663 : vector<16xf32>
        %add3A_725 = arith.constant 1 : i32
        %add3A_726 = arith.addi %mul3A_561, %add3A_725 : i32
        %swap3A_727 = arith.index_cast %add3A_726 : i32 to index
        %swap3A_728 = arith.constant 80 : index
        %swap3A_729 = tpu.vector_load %arg17[%swap3A_727, %swap3A_728] {strides = array<i32>} : memref<64x128xf32, #tpu.memory_space<vmem>>, vector<16xf32>,
        tpu.vector_store %arg17[%swap3A_727, %swap3A_728], %mul3A_724 {strides = array<i32>} : memref<64x128xf32, #tpu.memory_space<vmem>>, vector<16xf32>,
        %add3A_730 = arith.constant 1 : i32
        %add3A_731 = arith.addi %mul3A_561, %add3A_730 : i32
        %get3A_732 = arith.index_cast %add3A_731 : i32 to index
        %get3A_733 = arith.constant 96 : index
        %get3A_734 = tpu.vector_load %arg17[%get3A_732, %get3A_733] {strides = array<i32>} : memref<64x128xf32, #tpu.memory_space<vmem>>, vector<16xf32>,
        %mul3A_735 = arith.mulf %get3A_734, %gather3A_663 : vector<16xf32>
        %add3A_736 = arith.constant 1 : i32
        %add3A_737 = arith.addi %mul3A_561, %add3A_736 : i32
        %swap3A_738 = arith.index_cast %add3A_737 : i32 to index
        %swap3A_739 = arith.constant 96 : index
        %swap3A_740 = tpu.vector_load %arg17[%swap3A_738, %swap3A_739] {strides = array<i32>} : memref<64x128xf32, #tpu.memory_space<vmem>>, vector<16xf32>,
        tpu.vector_store %arg17[%swap3A_738, %swap3A_739], %mul3A_735 {strides = array<i32>} : memref<64x128xf32, #tpu.memory_space<vmem>>, vector<16xf32>,
        %add3A_741 = arith.constant 1 : i32
        %add3A_742 = arith.addi %mul3A_561, %add3A_741 : i32
        %get3A_743 = arith.index_cast %add3A_742 : i32 to index
        %get3A_744 = arith.constant 112 : index
        %get3A_745 = tpu.vector_load %arg17[%get3A_743, %get3A_744] {strides = array<i32>} : memref<64x128xf32, #tpu.memory_space<vmem>>, vector<16xf32>,
        %mul3A_746 = arith.mulf %get3A_745, %gather3A_663 : vector<16xf32>
        %add3A_747 = arith.constant 1 : i32
        %add3A_748 = arith.addi %mul3A_561, %add3A_747 : i32
        %swap3A_749 = arith.index_cast %add3A_748 : i32 to index
        %swap3A_750 = arith.constant 112 : index
        %swap3A_751 = tpu.vector_load %arg17[%swap3A_749, %swap3A_750] {strides = array<i32>} : memref<64x128xf32, #tpu.memory_space<vmem>>, vector<16xf32>,
        tpu.vector_store %arg17[%swap3A_749, %swap3A_750], %mul3A_746 {strides = array<i32>} : memref<64x128xf32, #tpu.memory_space<vmem>>, vector<16xf32>,
        %broadcast_in_dim3A_752 = arith.constant 0 : i32
        %broadcast_in_dim3A_753 = vector.broadcast %broadcast_in_dim3A_752 : i32 to vector<16xi32>
        %add3A_754 = arith.constant 2 : i32
        %add3A_755 = arith.addi %mul3A_561, %add3A_754 : i32
        %add3A_756 = vector.broadcast %add3A_755 : i32 to vector<16xi32>
        %add3A_757 = arith.addi %broadcast_in_dim3A_753, %add3A_756 : vector<16xi32>
        %gather3A_758 = tpu.vector_load_idx %arg18[%add3A_757] : memref<64xf32, #tpu.memory_space<vmem>>[vector<16xi32>], vector<16xf32>,
        %add3A_759 = arith.constant 2 : i32
        %add3A_760 = arith.addi %mul3A_561, %add3A_759 : i32
        %get3A_761 = arith.index_cast %add3A_760 : i32 to index
        %get3A_762 = arith.constant 0 : index
        %get3A_763 = tpu.vector_load %arg17[%get3A_761, %get3A_762] {strides = array<i32>} : memref<64x128xf32, #tpu.memory_space<vmem>>, vector<16xf32>,
        %mul3A_764 = arith.mulf %get3A_763, %gather3A_758 : vector<16xf32>
        %add3A_765 = arith.constant 2 : i32
        %add3A_766 = arith.addi %mul3A_561, %add3A_765 : i32
        %swap3A_767 = arith.index_cast %add3A_766 : i32 to index
        %swap3A_768 = arith.constant 0 : index
        %swap3A_769 = tpu.vector_load %arg17[%swap3A_767, %swap3A_768] {strides = array<i32>} : memref<64x128xf32, #tpu.memory_space<vmem>>, vector<16xf32>,
        tpu.vector_store %arg17[%swap3A_767, %swap3A_768], %mul3A_764 {strides = array<i32>} : memref<64x128xf32, #tpu.memory_space<vmem>>, vector<16xf32>,
        %add3A_770 = arith.constant 2 : i32
        %add3A_771 = arith.addi %mul3A_561, %add3A_770 : i32
        %get3A_772 = arith.index_cast %add3A_771 : i32 to index
        %get3A_773 = arith.constant 16 : index
        %get3A_774 = tpu.vector_load %arg17[%get3A_772, %get3A_773] {strides = array<i32>} : memref<64x128xf32, #tpu.memory_space<vmem>>, vector<16xf32>,
        %mul3A_775 = arith.mulf %get3A_774, %gather3A_758 : vector<16xf32>
        %add3A_776 = arith.constant 2 : i32
        %add3A_777 = arith.addi %mul3A_561, %add3A_776 : i32
        %swap3A_778 = arith.index_cast %add3A_777 : i32 to index
        %swap3A_779 = arith.constant 16 : index
        %swap3A_780 = tpu.vector_load %arg17[%swap3A_778, %swap3A_779] {strides = array<i32>} : memref<64x128xf32, #tpu.memory_space<vmem>>, vector<16xf32>,
        tpu.vector_store %arg17[%swap3A_778, %swap3A_779], %mul3A_775 {strides = array<i32>} : memref<64x128xf32, #tpu.memory_space<vmem>>, vector<16xf32>,
        %add3A_781 = arith.constant 2 : i32
        %add3A_782 = arith.addi %mul3A_561, %add3A_781 : i32
        %get3A_783 = arith.index_cast %add3A_782 : i32 to index
        %get3A_784 = arith.constant 32 : index
        %get3A_785 = tpu.vector_load %arg17[%get3A_783, %get3A_784] {strides = array<i32>} : memref<64x128xf32, #tpu.memory_space<vmem>>, vector<16xf32>,
        %mul3A_786 = arith.mulf %get3A_785, %gather3A_758 : vector<16xf32>
        %add3A_787 = arith.constant 2 : i32
        %add3A_788 = arith.addi %mul3A_561, %add3A_787 : i32
        %swap3A_789 = arith.index_cast %add3A_788 : i32 to index
        %swap3A_790 = arith.constant 32 : index
        %swap3A_791 = tpu.vector_load %arg17[%swap3A_789, %swap3A_790] {strides = array<i32>} : memref<64x128xf32, #tpu.memory_space<vmem>>, vector<16xf32>,
        tpu.vector_store %arg17[%swap3A_789, %swap3A_790], %mul3A_786 {strides = array<i32>} : memref<64x128xf32, #tpu.memory_space<vmem>>, vector<16xf32>,
        %add3A_792 = arith.constant 2 : i32
        %add3A_793 = arith.addi %mul3A_561, %add3A_792 : i32
        %get3A_794 = arith.index_cast %add3A_793 : i32 to index
        %get3A_795 = arith.constant 48 : index
        %get3A_796 = tpu.vector_load %arg17[%get3A_794, %get3A_795] {strides = array<i32>} : memref<64x128xf32, #tpu.memory_space<vmem>>, vector<16xf32>,
        %mul3A_797 = arith.mulf %get3A_796, %gather3A_758 : vector<16xf32>
        %add3A_798 = arith.constant 2 : i32
        %add3A_799 = arith.addi %mul3A_561, %add3A_798 : i32
        %swap3A_800 = arith.index_cast %add3A_799 : i32 to index
        %swap3A_801 = arith.constant 48 : index
        %swap3A_802 = tpu.vector_load %arg17[%swap3A_800, %swap3A_801] {strides = array<i32>} : memref<64x128xf32, #tpu.memory_space<vmem>>, vector<16xf32>,
        tpu.vector_store %arg17[%swap3A_800, %swap3A_801], %mul3A_797 {strides = array<i32>} : memref<64x128xf32, #tpu.memory_space<vmem>>, vector<16xf32>,
        %add3A_803 = arith.constant 2 : i32
        %add3A_804 = arith.addi %mul3A_561, %add3A_803 : i32
        %get3A_805 = arith.index_cast %add3A_804 : i32 to index
        %get3A_806 = arith.constant 64 : index
        %get3A_807 = tpu.vector_load %arg17[%get3A_805, %get3A_806] {strides = array<i32>} : memref<64x128xf32, #tpu.memory_space<vmem>>, vector<16xf32>,
        %mul3A_808 = arith.mulf %get3A_807, %gather3A_758 : vector<16xf32>
        %add3A_809 = arith.constant 2 : i32
        %add3A_810 = arith.addi %mul3A_561, %add3A_809 : i32
        %swap3A_811 = arith.index_cast %add3A_810 : i32 to index
        %swap3A_812 = arith.constant 64 : index
        %swap3A_813 = tpu.vector_load %arg17[%swap3A_811, %swap3A_812] {strides = array<i32>} : memref<64x128xf32, #tpu.memory_space<vmem>>, vector<16xf32>,
        tpu.vector_store %arg17[%swap3A_811, %swap3A_812], %mul3A_808 {strides = array<i32>} : memref<64x128xf32, #tpu.memory_space<vmem>>, vector<16xf32>,
        %add3A_814 = arith.constant 2 : i32
        %add3A_815 = arith.addi %mul3A_561, %add3A_814 : i32
        %get3A_816 = arith.index_cast %add3A_815 : i32 to index
        %get3A_817 = arith.constant 80 : index
        %get3A_818 = tpu.vector_load %arg17[%get3A_816, %get3A_817] {strides = array<i32>} : memref<64x128xf32, #tpu.memory_space<vmem>>, vector<16xf32>,
        %mul3A_819 = arith.mulf %get3A_818, %gather3A_758 : vector<16xf32>
        %add3A_820 = arith.constant 2 : i32
        %add3A_821 = arith.addi %mul3A_561, %add3A_820 : i32
        %swap3A_822 = arith.index_cast %add3A_821 : i32 to index
        %swap3A_823 = arith.constant 80 : index
        %swap3A_824 = tpu.vector_load %arg17[%swap3A_822, %swap3A_823] {strides = array<i32>} : memref<64x128xf32, #tpu.memory_space<vmem>>, vector<16xf32>,
        tpu.vector_store %arg17[%swap3A_822, %swap3A_823], %mul3A_819 {strides = array<i32>} : memref<64x128xf32, #tpu.memory_space<vmem>>, vector<16xf32>,
        %add3A_825 = arith.constant 2 : i32
        %add3A_826 = arith.addi %mul3A_561, %add3A_825 : i32
        %get3A_827 = arith.index_cast %add3A_826 : i32 to index
        %get3A_828 = arith.constant 96 : index
        %get3A_829 = tpu.vector_load %arg17[%get3A_827, %get3A_828] {strides = array<i32>} : memref<64x128xf32, #tpu.memory_space<vmem>>, vector<16xf32>,
        %mul3A_830 = arith.mulf %get3A_829, %gather3A_758 : vector<16xf32>
        %add3A_831 = arith.constant 2 : i32
        %add3A_832 = arith.addi %mul3A_561, %add3A_831 : i32
        %swap3A_833 = arith.index_cast %add3A_832 : i32 to index
        %swap3A_834 = arith.constant 96 : index
        %swap3A_835 = tpu.vector_load %arg17[%swap3A_833, %swap3A_834] {strides = array<i32>} : memref<64x128xf32, #tpu.memory_space<vmem>>, vector<16xf32>,
        tpu.vector_store %arg17[%swap3A_833, %swap3A_834], %mul3A_830 {strides = array<i32>} : memref<64x128xf32, #tpu.memory_space<vmem>>, vector<16xf32>,
        %add3A_836 = arith.constant 2 : i32
        %add3A_837 = arith.addi %mul3A_561, %add3A_836 : i32
        %get3A_838 = arith.index_cast %add3A_837 : i32 to index
        %get3A_839 = arith.constant 112 : index
        %get3A_840 = tpu.vector_load %arg17[%get3A_838, %get3A_839] {strides = array<i32>} : memref<64x128xf32, #tpu.memory_space<vmem>>, vector<16xf32>,
        %mul3A_841 = arith.mulf %get3A_840, %gather3A_758 : vector<16xf32>
        %add3A_842 = arith.constant 2 : i32
        %add3A_843 = arith.addi %mul3A_561, %add3A_842 : i32
        %swap3A_844 = arith.index_cast %add3A_843 : i32 to index
        %swap3A_845 = arith.constant 112 : index
        %swap3A_846 = tpu.vector_load %arg17[%swap3A_844, %swap3A_845] {strides = array<i32>} : memref<64x128xf32, #tpu.memory_space<vmem>>, vector<16xf32>,
        tpu.vector_store %arg17[%swap3A_844, %swap3A_845], %mul3A_841 {strides = array<i32>} : memref<64x128xf32, #tpu.memory_space<vmem>>, vector<16xf32>,
        %broadcast_in_dim3A_847 = arith.constant 0 : i32
        %broadcast_in_dim3A_848 = vector.broadcast %broadcast_in_dim3A_847 : i32 to vector<16xi32>
        %add3A_849 = arith.constant 3 : i32
        %add3A_850 = arith.addi %mul3A_561, %add3A_849 : i32
        %add3A_851 = vector.broadcast %add3A_850 : i32 to vector<16xi32>
        %add3A_852 = arith.addi %broadcast_in_dim3A_848, %add3A_851 : vector<16xi32>
        %gather3A_853 = tpu.vector_load_idx %arg18[%add3A_852] : memref<64xf32, #tpu.memory_space<vmem>>[vector<16xi32>], vector<16xf32>,
        %add3A_854 = arith.constant 3 : i32
        %add3A_855 = arith.addi %mul3A_561, %add3A_854 : i32
        %get3A_856 = arith.index_cast %add3A_855 : i32 to index
        %get3A_857 = arith.constant 0 : index
        %get3A_858 = tpu.vector_load %arg17[%get3A_856, %get3A_857] {strides = array<i32>} : memref<64x128xf32, #tpu.memory_space<vmem>>, vector<16xf32>,
        %mul3A_859 = arith.mulf %get3A_858, %gather3A_853 : vector<16xf32>
        %add3A_860 = arith.constant 3 : i32
        %add3A_861 = arith.addi %mul3A_561, %add3A_860 : i32
        %swap3A_862 = arith.index_cast %add3A_861 : i32 to index
        %swap3A_863 = arith.constant 0 : index
        %swap3A_864 = tpu.vector_load %arg17[%swap3A_862, %swap3A_863] {strides = array<i32>} : memref<64x128xf32, #tpu.memory_space<vmem>>, vector<16xf32>,
        tpu.vector_store %arg17[%swap3A_862, %swap3A_863], %mul3A_859 {strides = array<i32>} : memref<64x128xf32, #tpu.memory_space<vmem>>, vector<16xf32>,
        %add3A_865 = arith.constant 3 : i32
        %add3A_866 = arith.addi %mul3A_561, %add3A_865 : i32
        %get3A_867 = arith.index_cast %add3A_866 : i32 to index
        %get3A_868 = arith.constant 16 : index
        %get3A_869 = tpu.vector_load %arg17[%get3A_867, %get3A_868] {strides = array<i32>} : memref<64x128xf32, #tpu.memory_space<vmem>>, vector<16xf32>,
        %mul3A_870 = arith.mulf %get3A_869, %gather3A_853 : vector<16xf32>
        %add3A_871 = arith.constant 3 : i32
        %add3A_872 = arith.addi %mul3A_561, %add3A_871 : i32
        %swap3A_873 = arith.index_cast %add3A_872 : i32 to index
        %swap3A_874 = arith.constant 16 : index
        %swap3A_875 = tpu.vector_load %arg17[%swap3A_873, %swap3A_874] {strides = array<i32>} : memref<64x128xf32, #tpu.memory_space<vmem>>, vector<16xf32>,
        tpu.vector_store %arg17[%swap3A_873, %swap3A_874], %mul3A_870 {strides = array<i32>} : memref<64x128xf32, #tpu.memory_space<vmem>>, vector<16xf32>,
        %add3A_876 = arith.constant 3 : i32
        %add3A_877 = arith.addi %mul3A_561, %add3A_876 : i32
        %get3A_878 = arith.index_cast %add3A_877 : i32 to index
        %get3A_879 = arith.constant 32 : index
        %get3A_880 = tpu.vector_load %arg17[%get3A_878, %get3A_879] {strides = array<i32>} : memref<64x128xf32, #tpu.memory_space<vmem>>, vector<16xf32>,
        %mul3A_881 = arith.mulf %get3A_880, %gather3A_853 : vector<16xf32>
        %add3A_882 = arith.constant 3 : i32
        %add3A_883 = arith.addi %mul3A_561, %add3A_882 : i32
        %swap3A_884 = arith.index_cast %add3A_883 : i32 to index
        %swap3A_885 = arith.constant 32 : index
        %swap3A_886 = tpu.vector_load %arg17[%swap3A_884, %swap3A_885] {strides = array<i32>} : memref<64x128xf32, #tpu.memory_space<vmem>>, vector<16xf32>,
        tpu.vector_store %arg17[%swap3A_884, %swap3A_885], %mul3A_881 {strides = array<i32>} : memref<64x128xf32, #tpu.memory_space<vmem>>, vector<16xf32>,
        %add3A_887 = arith.constant 3 : i32
        %add3A_888 = arith.addi %mul3A_561, %add3A_887 : i32
        %get3A_889 = arith.index_cast %add3A_888 : i32 to index
        %get3A_890 = arith.constant 48 : index
        %get3A_891 = tpu.vector_load %arg17[%get3A_889, %get3A_890] {strides = array<i32>} : memref<64x128xf32, #tpu.memory_space<vmem>>, vector<16xf32>,
        %mul3A_892 = arith.mulf %get3A_891, %gather3A_853 : vector<16xf32>
        %add3A_893 = arith.constant 3 : i32
        %add3A_894 = arith.addi %mul3A_561, %add3A_893 : i32
        %swap3A_895 = arith.index_cast %add3A_894 : i32 to index
        %swap3A_896 = arith.constant 48 : index
        %swap3A_897 = tpu.vector_load %arg17[%swap3A_895, %swap3A_896] {strides = array<i32>} : memref<64x128xf32, #tpu.memory_space<vmem>>, vector<16xf32>,
        tpu.vector_store %arg17[%swap3A_895, %swap3A_896], %mul3A_892 {strides = array<i32>} : memref<64x128xf32, #tpu.memory_space<vmem>>, vector<16xf32>,
        %add3A_898 = arith.constant 3 : i32
        %add3A_899 = arith.addi %mul3A_561, %add3A_898 : i32
        %get3A_900 = arith.index_cast %add3A_899 : i32 to index
        %get3A_901 = arith.constant 64 : index
        %get3A_902 = tpu.vector_load %arg17[%get3A_900, %get3A_901] {strides = array<i32>} : memref<64x128xf32, #tpu.memory_space<vmem>>, vector<16xf32>,
        %mul3A_903 = arith.mulf %get3A_902, %gather3A_853 : vector<16xf32>
        %add3A_904 = arith.constant 3 : i32
        %add3A_905 = arith.addi %mul3A_561, %add3A_904 : i32
        %swap3A_906 = arith.index_cast %add3A_905 : i32 to index
        %swap3A_907 = arith.constant 64 : index
        %swap3A_908 = tpu.vector_load %arg17[%swap3A_906, %swap3A_907] {strides = array<i32>} : memref<64x128xf32, #tpu.memory_space<vmem>>, vector<16xf32>,
        tpu.vector_store %arg17[%swap3A_906, %swap3A_907], %mul3A_903 {strides = array<i32>} : memref<64x128xf32, #tpu.memory_space<vmem>>, vector<16xf32>,
        %add3A_909 = arith.constant 3 : i32
        %add3A_910 = arith.addi %mul3A_561, %add3A_909 : i32
        %get3A_911 = arith.index_cast %add3A_910 : i32 to index
        %get3A_912 = arith.constant 80 : index
        %get3A_913 = tpu.vector_load %arg17[%get3A_911, %get3A_912] {strides = array<i32>} : memref<64x128xf32, #tpu.memory_space<vmem>>, vector<16xf32>,
        %mul3A_914 = arith.mulf %get3A_913, %gather3A_853 : vector<16xf32>
        %add3A_915 = arith.constant 3 : i32
        %add3A_916 = arith.addi %mul3A_561, %add3A_915 : i32
        %swap3A_917 = arith.index_cast %add3A_916 : i32 to index
        %swap3A_918 = arith.constant 80 : index
        %swap3A_919 = tpu.vector_load %arg17[%swap3A_917, %swap3A_918] {strides = array<i32>} : memref<64x128xf32, #tpu.memory_space<vmem>>, vector<16xf32>,
        tpu.vector_store %arg17[%swap3A_917, %swap3A_918], %mul3A_914 {strides = array<i32>} : memref<64x128xf32, #tpu.memory_space<vmem>>, vector<16xf32>,
        %add3A_920 = arith.constant 3 : i32
        %add3A_921 = arith.addi %mul3A_561, %add3A_920 : i32
        %get3A_922 = arith.index_cast %add3A_921 : i32 to index
        %get3A_923 = arith.constant 96 : index
        %get3A_924 = tpu.vector_load %arg17[%get3A_922, %get3A_923] {strides = array<i32>} : memref<64x128xf32, #tpu.memory_space<vmem>>, vector<16xf32>,
        %mul3A_925 = arith.mulf %get3A_924, %gather3A_853 : vector<16xf32>
        %add3A_926 = arith.constant 3 : i32
        %add3A_927 = arith.addi %mul3A_561, %add3A_926 : i32
        %swap3A_928 = arith.index_cast %add3A_927 : i32 to index
        %swap3A_929 = arith.constant 96 : index
        %swap3A_930 = tpu.vector_load %arg17[%swap3A_928, %swap3A_929] {strides = array<i32>} : memref<64x128xf32, #tpu.memory_space<vmem>>, vector<16xf32>,
        tpu.vector_store %arg17[%swap3A_928, %swap3A_929], %mul3A_925 {strides = array<i32>} : memref<64x128xf32, #tpu.memory_space<vmem>>, vector<16xf32>,
        %add3A_931 = arith.constant 3 : i32
        %add3A_932 = arith.addi %mul3A_561, %add3A_931 : i32
        %get3A_933 = arith.index_cast %add3A_932 : i32 to index
        %get3A_934 = arith.constant 112 : index
        %get3A_935 = tpu.vector_load %arg17[%get3A_933, %get3A_934] {strides = array<i32>} : memref<64x128xf32, #tpu.memory_space<vmem>>, vector<16xf32>,
        %mul3A_936 = arith.mulf %get3A_935, %gather3A_853 : vector<16xf32>
        %add3A_937 = arith.constant 3 : i32
        %add3A_938 = arith.addi %mul3A_561, %add3A_937 : i32
        %swap3A_939 = arith.index_cast %add3A_938 : i32 to index
        %swap3A_940 = arith.constant 112 : index
        %swap3A_941 = tpu.vector_load %arg17[%swap3A_939, %swap3A_940] {strides = array<i32>} : memref<64x128xf32, #tpu.memory_space<vmem>>, vector<16xf32>,
        tpu.vector_store %arg17[%swap3A_939, %swap3A_940], %mul3A_936 {strides = array<i32>} : memref<64x128xf32, #tpu.memory_space<vmem>>, vector<16xf32>,
      }
      %scan3A_551 = arith.constant 16 : i32
      "tpu.region"() ({
        %run_scoped3A = tpu.sem_alloc : memref<!tpu.dma_semaphore, #tpu.memory_space<semaphore_mem>>
        %dma_start3A_559 = arith.constant 0 : i32
        %dma_start3A_560 = arith.constant 0 : i32
        %dma_start3A_561 = tpu.memref_slice %arg20[%dma_start3A_559, %dma_start3A_560] : memref<10240x128xf32, #tpu.memory_space<vmem_shared>> -> memref<10240x128xf32, #tpu.memory_space<vmem_shared>>
        tpu.enqueue_indirect_dma source(%arg17 : memref<64x128xf32, #tpu.memory_space<vmem>>) target(%dma_start3A_561 : memref<10240x128xf32, #tpu.memory_space<vmem_shared>>) offsets(%arg13 : memref<64xi32, #tpu.memory_space<vmem>>) semaphore(%run_scoped3A : memref<!tpu.dma_semaphore, #tpu.memory_space<semaphore_mem>>) {add = true}
        %dma_wait3A_562 = arith.constant 0 : i32
        %dma_wait3A_563 = arith.constant 0 : i32
        %dma_wait3A_564 = tpu.memref_slice %arg20[%dma_wait3A_562, %dma_wait3A_563] : memref<10240x128xf32, #tpu.memory_space<vmem_shared>> -> memref<10240x128xf32, #tpu.memory_space<vmem_shared>>
        tpu.wait_indirect_dma semaphore(%run_scoped3A : memref<!tpu.dma_semaphore, #tpu.memory_space<semaphore_mem>>) src(%arg17 : memref<64x128xf32, #tpu.memory_space<vmem>>) dst(%dma_wait3A_564 : memref<10240x128xf32, #tpu.memory_space<vmem_shared>>)
        tpu.yield
      }) : () -> ()
      %add3A_552 = arith.constant 2 : i32
      %add3A_553 = arith.addi %add3A_350, %add3A_552 : i32
      %lt3A_554 = arith.constant 158 : i32
      %lt3A_555 = arith.cmpi slt, %add3A_553, %lt3A_554 : i32
      %convert_element_type3A_556 = arith.extui %lt3A_555 : i1 to i32
      %cond3A_557 = arith.constant 0 : i32
      %cond3A_558 = arith.cmpi ne, %convert_element_type3A_556, %cond3A_557 : i32
      scf.if %cond3A_558 {
        %add3A_559 = arith.constant 2 : i32
        %add3A_560 = arith.addi %add3A_350, %add3A_559 : i32
        %mul3A_561 = arith.constant 2 : i32
        %mul3A_562 = arith.muli %add3A_560, %mul3A_561 : i32
        %mul3A_563 = arith.constant 64 : i32
        %mul3A_564 = arith.muli %mul3A_562, %mul3A_563 : i32
        %add3A_565 = arith.addi %mul3A_6, %mul3A_564 : i32
        "tpu.region"() ({
          %run_scoped3A = tpu.sem_alloc : memref<!tpu.dma_semaphore, #tpu.memory_space<semaphore_mem>>
          %dma_start3A_597 = tpu.memref_slice %arg2[%add3A_565] : memref<647168xi32, #tpu.memory_space<hbm>> -> memref<128xi32, #tpu.memory_space<hbm>>
          %dma_start3A_598 = tpu.memref_slice %arg2[%add3A_565] : memref<647168xi32, #tpu.memory_space<hbm>> -> memref<128xi32, #tpu.memory_space<hbm>>
          tpu.enqueue_dma source(%dma_start3A_598 : memref<128xi32, #tpu.memory_space<hbm>>) target(%arg9 : memref<128xi32, #tpu.memory_space<vmem>>) target_semaphore(%run_scoped3A : memref<!tpu.dma_semaphore, #tpu.memory_space<semaphore_mem>>)
          %dma_wait3A_599 = tpu.memref_slice %arg2[%add3A_565] : memref<647168xi32, #tpu.memory_space<hbm>> -> memref<128xi32, #tpu.memory_space<hbm>>
          %dma_wait3A_600 = tpu.memref_slice %arg2[%add3A_565] : memref<647168xi32, #tpu.memory_space<hbm>> -> memref<128xi32, #tpu.memory_space<hbm>>
          tpu.wait_dma2 semaphore(%run_scoped3A : memref<!tpu.dma_semaphore, #tpu.memory_space<semaphore_mem>>) src(%dma_wait3A_600 : memref<128xi32, #tpu.memory_space<hbm>>) dst(%arg9 : memref<128xi32, #tpu.memory_space<vmem>>)
          tpu.yield
        }) : () -> ()
        %get3A_566 = arith.constant 0 : index
        %get3A_567 = tpu.vector_load %arg9[%get3A_566] {strides = array<i32>} : memref<128xi32, #tpu.memory_space<vmem>>, vector<16xi32>,
        %and3A_568 = arith.constant 65535 : i32
        %and3A_569 = vector.broadcast %and3A_568 : i32 to vector<16xi32>
        %and3A_570 = arith.andi %get3A_567, %and3A_569 : vector<16xi32>
        %swap3A_571 = arith.constant 0 : index
        %swap3A_572 = tpu.vector_load %arg11[%swap3A_571] {strides = array<i32>} : memref<64xi32, #tpu.memory_space<vmem>>, vector<16xi32>,
        tpu.vector_store %arg11[%swap3A_571], %and3A_570 {strides = array<i32>} : memref<64xi32, #tpu.memory_space<vmem>>, vector<16xi32>,
        %get3A_573 = arith.constant 16 : index
        %get3A_574 = tpu.vector_load %arg9[%get3A_573] {strides = array<i32>} : memref<128xi32, #tpu.memory_space<vmem>>, vector<16xi32>,
        %and3A_575 = arith.constant 65535 : i32
        %and3A_576 = vector.broadcast %and3A_575 : i32 to vector<16xi32>
        %and3A_577 = arith.andi %get3A_574, %and3A_576 : vector<16xi32>
        %swap3A_578 = arith.constant 16 : index
        %swap3A_579 = tpu.vector_load %arg11[%swap3A_578] {strides = array<i32>} : memref<64xi32, #tpu.memory_space<vmem>>, vector<16xi32>,
        tpu.vector_store %arg11[%swap3A_578], %and3A_577 {strides = array<i32>} : memref<64xi32, #tpu.memory_space<vmem>>, vector<16xi32>,
        %get3A_580 = arith.constant 32 : index
        %get3A_581 = tpu.vector_load %arg9[%get3A_580] {strides = array<i32>} : memref<128xi32, #tpu.memory_space<vmem>>, vector<16xi32>,
        %and3A_582 = arith.constant 65535 : i32
        %and3A_583 = vector.broadcast %and3A_582 : i32 to vector<16xi32>
        %and3A_584 = arith.andi %get3A_581, %and3A_583 : vector<16xi32>
        %swap3A_585 = arith.constant 32 : index
        %swap3A_586 = tpu.vector_load %arg11[%swap3A_585] {strides = array<i32>} : memref<64xi32, #tpu.memory_space<vmem>>, vector<16xi32>,
        tpu.vector_store %arg11[%swap3A_585], %and3A_584 {strides = array<i32>} : memref<64xi32, #tpu.memory_space<vmem>>, vector<16xi32>,
        %get3A_587 = arith.constant 48 : index
        %get3A_588 = tpu.vector_load %arg9[%get3A_587] {strides = array<i32>} : memref<128xi32, #tpu.memory_space<vmem>>, vector<16xi32>,
        %and3A_589 = arith.constant 65535 : i32
        %and3A_590 = vector.broadcast %and3A_589 : i32 to vector<16xi32>
        %and3A_591 = arith.andi %get3A_588, %and3A_590 : vector<16xi32>
        %swap3A_592 = arith.constant 48 : index
        %swap3A_593 = tpu.vector_load %arg11[%swap3A_592] {strides = array<i32>} : memref<64xi32, #tpu.memory_space<vmem>>, vector<16xi32>,
        tpu.vector_store %arg11[%swap3A_592], %and3A_591 {strides = array<i32>} : memref<64xi32, #tpu.memory_space<vmem>>, vector<16xi32>,
        %dma_start3A_594 = arith.constant 0 : i32
        %dma_start3A_595 = arith.constant 0 : i32
        %dma_start3A_596 = tpu.memref_slice %arg5[%dma_start3A_594, %dma_start3A_595] : memref<10000x128xf32, #tpu.memory_space<hbm>> -> memref<10000x128xf32, #tpu.memory_space<hbm>>
        tpu.enqueue_indirect_dma source(%dma_start3A_596 : memref<10000x128xf32, #tpu.memory_space<hbm>>) target(%arg17 : memref<64x128xf32, #tpu.memory_space<vmem>>) offsets(%arg11 : memref<64xi32, #tpu.memory_space<vmem>>) semaphore(%arg22 : memref<!tpu.dma_semaphore, #tpu.memory_space<semaphore_mem>>)
      } else {
      }
    }
    %scan3A_140 = arith.constant 79 : i32
    %barrier3A_141 = arith.constant 0 : index
    tpu.barrier barrier_id(%barrier3A_141)
    %mul3A_142 = arith.constant 640 : i32
    %mul3A_143 = arith.muli %arg1, %mul3A_142 : i32
    %mul3A_144 = arith.constant 640 : i32
    %mul3A_145 = arith.muli %arg1, %mul3A_144 : i32
    "tpu.region"() ({
      %run_scoped3A = tpu.sem_alloc : memref<!tpu.dma_semaphore, #tpu.memory_space<semaphore_mem>>
      %dma_start3A_146 = arith.constant 0 : i32
      %dma_start3A_147 = tpu.memref_slice %arg6[%arg0, %mul3A_145, %dma_start3A_146] : memref<2x10240x128xf32, #tpu.memory_space<hbm>> -> memref<1x640x128xf32, #tpu.memory_space<hbm>>
      %dma_start3A_148 = tpu.memref_squeeze %dma_start3A_147 : memref<1x640x128xf32, #tpu.memory_space<hbm>> -> memref<640x128xf32, #tpu.memory_space<hbm>>
      %dma_start3A_149 = arith.constant 0 : i32
      %dma_start3A_150 = tpu.memref_slice %arg20[%mul3A_143, %dma_start3A_149] : memref<10240x128xf32, #tpu.memory_space<vmem_shared>> -> memref<640x128xf32, #tpu.memory_space<vmem_shared>>
      tpu.enqueue_dma source(%dma_start3A_150 : memref<640x128xf32, #tpu.memory_space<vmem_shared>>) target(%dma_start3A_148 : memref<640x128xf32, #tpu.memory_space<hbm>>) target_semaphore(%run_scoped3A : memref<!tpu.dma_semaphore, #tpu.memory_space<semaphore_mem>>)
      %dma_wait3A = arith.constant 0 : i32
      %dma_wait3A_151 = tpu.memref_slice %arg6[%arg0, %mul3A_145, %dma_wait3A] : memref<2x10240x128xf32, #tpu.memory_space<hbm>> -> memref<1x640x128xf32, #tpu.memory_space<hbm>>
      %dma_wait3A_152 = tpu.memref_squeeze %dma_wait3A_151 : memref<1x640x128xf32, #tpu.memory_space<hbm>> -> memref<640x128xf32, #tpu.memory_space<hbm>>
      %dma_wait3A_153 = arith.constant 0 : i32
      %dma_wait3A_154 = tpu.memref_slice %arg20[%mul3A_143, %dma_wait3A_153] : memref<10240x128xf32, #tpu.memory_space<vmem_shared>> -> memref<640x128xf32, #tpu.memory_space<vmem_shared>>
      tpu.wait_dma2 semaphore(%run_scoped3A : memref<!tpu.dma_semaphore, #tpu.memory_space<semaphore_mem>>) src(%dma_wait3A_154 : memref<640x128xf32, #tpu.memory_space<vmem_shared>>) dst(%dma_wait3A_152 : memref<640x128xf32, #tpu.memory_space<hbm>>)
      tpu.yield
    }) : () -> ()
    "tpu.region"() ({
      %run_scoped3A = tpu.sem_alloc : memref<!tpu.dma_semaphore, #tpu.memory_space<semaphore_mem>>
      %dma_start3A_146 = arith.constant 0 : i32
      %dma_start3A_147 = arith.constant 0 : i32
      %dma_start3A_148 = tpu.memref_slice %arg7[%add3A, %dma_start3A_146, %dma_start3A_147] : memref<32x80x128xf32, #tpu.memory_space<hbm>> -> memref<1x80x128xf32, #tpu.memory_space<hbm>>
      %dma_start3A_149 = tpu.memref_squeeze %dma_start3A_148 : memref<1x80x128xf32, #tpu.memory_space<hbm>> -> memref<80x128xf32, #tpu.memory_space<hbm>>
      %dma_start3A_150 = arith.constant 0 : i32
      %dma_start3A_151 = arith.constant 0 : i32
      %dma_start3A_152 = tpu.memref_slice %arg7[%add3A, %dma_start3A_150, %dma_start3A_151] : memref<32x80x128xf32, #tpu.memory_space<hbm>> -> memref<1x80x128xf32, #tpu.memory_space<hbm>>
      %dma_start3A_153 = tpu.memref_squeeze %dma_start3A_152 : memref<1x80x128xf32, #tpu.memory_space<hbm>> -> memref<80x128xf32, #tpu.memory_space<hbm>>
      tpu.enqueue_dma source(%arg19 : memref<80x128xf32, #tpu.memory_space<vmem>>) target(%dma_start3A_153 : memref<80x128xf32, #tpu.memory_space<hbm>>) target_semaphore(%run_scoped3A : memref<!tpu.dma_semaphore, #tpu.memory_space<semaphore_mem>>)
      %dma_wait3A = arith.constant 0 : i32
      %dma_wait3A_154 = arith.constant 0 : i32
      %dma_wait3A_155 = tpu.memref_slice %arg7[%add3A, %dma_wait3A, %dma_wait3A_154] : memref<32x80x128xf32, #tpu.memory_space<hbm>> -> memref<1x80x128xf32, #tpu.memory_space<hbm>>
      %dma_wait3A_156 = tpu.memref_squeeze %dma_wait3A_155 : memref<1x80x128xf32, #tpu.memory_space<hbm>> -> memref<80x128xf32, #tpu.memory_space<hbm>>
      %dma_wait3A_157 = arith.constant 0 : i32
      %dma_wait3A_158 = arith.constant 0 : i32
      %dma_wait3A_159 = tpu.memref_slice %arg7[%add3A, %dma_wait3A_157, %dma_wait3A_158] : memref<32x80x128xf32, #tpu.memory_space<hbm>> -> memref<1x80x128xf32, #tpu.memory_space<hbm>>
      %dma_wait3A_160 = tpu.memref_squeeze %dma_wait3A_159 : memref<1x80x128xf32, #tpu.memory_space<hbm>> -> memref<80x128xf32, #tpu.memory_space<hbm>>
      tpu.wait_dma2 semaphore(%run_scoped3A : memref<!tpu.dma_semaphore, #tpu.memory_space<semaphore_mem>>) src(%arg19 : memref<80x128xf32, #tpu.memory_space<vmem>>) dst(%dma_wait3A_160 : memref<80x128xf32, #tpu.memory_space<hbm>>)
      tpu.yield
    }) : () -> ()
    return
  }
}

module attributes {stable_mosaic.version = 14 : i64} {
  func.func @_ef_body(%arg0: i32, %arg1: memref<8000x16xf32, #tpu.memory_space<vmem>>, %arg2: memref<16x8xf32, #tpu.memory_space<vmem>>, %arg3: memref<8000x8xf32, #tpu.memory_space<vmem>>) attributes {dimension_semantics = [#tpu.dimension_semantics<arbitrary>], iteration_bounds = array<i64: 40>, scalar_prefetch = 0 : i64, scratch_operands = 0 : i64, tpu.core_type = #tpu.core_type<tc>, window_params = [{transform_indices = @transform_0, window_bounds = array<i64: 8000, 16>}, {pipeline_mode = #tpu.pipeline_mode<synchronous>, transform_indices = @transform_1, window_bounds = array<i64: 16, 8>}, {transform_indices = @transform_2, window_bounds = array<i64: 8000, 8>}]} {
    %get3A = arith.constant 0 : index
    %get3A_0 = arith.constant 0 : index
    %get3A_1 = vector.load %arg1[%get3A, %get3A_0] : memref<8000x16xf32, #tpu.memory_space<vmem>>, vector<8000x16xf32>
    %get3A_2 = arith.constant 0 : index
    %get3A_3 = arith.constant 0 : index
    %get3A_4 = vector.load %arg2[%get3A_2, %get3A_3] : memref<16x8xf32, #tpu.memory_space<vmem>>, vector<16x8xf32>
    %dot_general3A = arith.constant dense<0.000000e+00> : vector<8000x8xf32>
    %dot_general3A_5 = tpu.matmul %get3A_1, %get3A_4, %dot_general3A {dimension_numbers = #tpu.dot_dimension_numbers<[1], [0], [0], [1], [0, 0, 1, 1], [], []>, transpose_lhs_hint = false} : vector<8000x16xf32>, vector<16x8xf32>, vector<8000x8xf32> -> vector<8000x8xf32>
    %swap3A = arith.constant 0 : index
    %swap3A_6 = arith.constant 0 : index
    %swap3A_7 = vector.load %arg3[%swap3A, %swap3A_6] : memref<8000x8xf32, #tpu.memory_space<vmem>>, vector<8000x8xf32>
    tpu.vector_store %arg3[%swap3A, %swap3A_6], %dot_general3A_5 {strides = array<i32>} : memref<8000x8xf32, #tpu.memory_space<vmem>>, vector<8000x8xf32>,
    return
  }
  func.func @transform_0(%arg0: i32) -> (i32, i32) {
    %c0_i32 = arith.constant 0 : i32
    %c0_i32_0 = arith.constant 0 : i32
    return %arg0, %c0_i32 : i32, i32
  }
  func.func @transform_1(%arg0: i32) -> (i32, i32) {
    %c0_i32 = arith.constant 0 : i32
    %c0_i32_0 = arith.constant 0 : i32
    %c0_i32_1 = arith.constant 0 : i32
    return %c0_i32, %c0_i32_0 : i32, i32
  }
  func.func @transform_2(%arg0: i32) -> (i32, i32) {
    %c0_i32 = arith.constant 0 : i32
    %c0_i32_0 = arith.constant 0 : i32
    return %arg0, %c0_i32 : i32, i32
  }
}

module attributes {stable_mosaic.version = 14 : i64} {
  func.func @_prep_body(%arg0: i32, %arg1: memref<1000x128xf32, #tpu.memory_space<vmem>>, %arg2: memref<128x128xf32, #tpu.memory_space<vmem>>, %arg3: memref<128x128xf32, #tpu.memory_space<vmem>>, %arg4: memref<1000x128xf32, #tpu.memory_space<vmem>>, %arg5: memref<1000x128xf32, #tpu.memory_space<vmem>>) attributes {dimension_semantics = [#tpu.dimension_semantics<arbitrary>], iteration_bounds = array<i64: 10>, scalar_prefetch = 0 : i64, scratch_operands = 0 : i64, tpu.core_type = #tpu.core_type<tc>, window_params = [{transform_indices = @transform_0, window_bounds = array<i64: 1000, 128>}, {pipeline_mode = #tpu.pipeline_mode<synchronous>, transform_indices = @transform_1, window_bounds = array<i64: 128, 128>}, {pipeline_mode = #tpu.pipeline_mode<synchronous>, transform_indices = @transform_2, window_bounds = array<i64: 128, 128>}, {transform_indices = @transform_3, window_bounds = array<i64: 1000, 128>}, {transform_indices = @transform_4, window_bounds = array<i64: 1000, 128>}]} {
    %get3A = arith.constant 0 : index
    %get3A_0 = arith.constant 0 : index
    %get3A_1 = vector.load %arg1[%get3A, %get3A_0] : memref<1000x128xf32, #tpu.memory_space<vmem>>, vector<1000x128xf32>
    %get3A_2 = arith.constant 0 : index
    %get3A_3 = arith.constant 0 : index
    %get3A_4 = vector.load %arg2[%get3A_2, %get3A_3] : memref<128x128xf32, #tpu.memory_space<vmem>>, vector<128x128xf32>
    %dot_general3A = arith.constant dense<0.000000e+00> : vector<1000x128xf32>
    %dot_general3A_5 = tpu.matmul %get3A_1, %get3A_4, %dot_general3A {dimension_numbers = #tpu.dot_dimension_numbers<[1], [0], [0], [1], [0, 0, 1, 1], [], []>, transpose_lhs_hint = false} : vector<1000x128xf32>, vector<128x128xf32>, vector<1000x128xf32> -> vector<1000x128xf32>
    %swap3A = arith.constant 0 : index
    %swap3A_6 = arith.constant 0 : index
    %swap3A_7 = vector.load %arg4[%swap3A, %swap3A_6] : memref<1000x128xf32, #tpu.memory_space<vmem>>, vector<1000x128xf32>
    tpu.vector_store %arg4[%swap3A, %swap3A_6], %dot_general3A_5 {strides = array<i32>} : memref<1000x128xf32, #tpu.memory_space<vmem>>, vector<1000x128xf32>,
    %get3A_8 = arith.constant 0 : index
    %get3A_9 = arith.constant 0 : index
    %get3A_10 = vector.load %arg3[%get3A_8, %get3A_9] : memref<128x128xf32, #tpu.memory_space<vmem>>, vector<128x128xf32>
    %dot_general3A_11 = arith.constant dense<0.000000e+00> : vector<1000x128xf32>
    %dot_general3A_12 = tpu.matmul %dot_general3A_5, %get3A_10, %dot_general3A_11 {dimension_numbers = #tpu.dot_dimension_numbers<[1], [0], [0], [1], [0, 0, 1, 1], [], []>, transpose_lhs_hint = false} : vector<1000x128xf32>, vector<128x128xf32>, vector<1000x128xf32> -> vector<1000x128xf32>
    %swap3A_13 = arith.constant 0 : index
    %swap3A_14 = arith.constant 0 : index
    %swap3A_15 = vector.load %arg5[%swap3A_13, %swap3A_14] : memref<1000x128xf32, #tpu.memory_space<vmem>>, vector<1000x128xf32>
    tpu.vector_store %arg5[%swap3A_13, %swap3A_14], %dot_general3A_12 {strides = array<i32>} : memref<1000x128xf32, #tpu.memory_space<vmem>>, vector<1000x128xf32>,
    return
  }
  func.func @transform_0(%arg0: i32) -> (i32, i32) {
    %c0_i32 = arith.constant 0 : i32
    %c0_i32_0 = arith.constant 0 : i32
    return %arg0, %c0_i32 : i32, i32
  }
  func.func @transform_1(%arg0: i32) -> (i32, i32) {
    %c0_i32 = arith.constant 0 : i32
    %c0_i32_0 = arith.constant 0 : i32
    %c0_i32_1 = arith.constant 0 : i32
    return %c0_i32, %c0_i32_0 : i32, i32
  }
  func.func @transform_2(%arg0: i32) -> (i32, i32) {
    %c0_i32 = arith.constant 0 : i32
    %c0_i32_0 = arith.constant 0 : i32
    %c0_i32_1 = arith.constant 0 : i32
    return %c0_i32, %c0_i32_0 : i32, i32
  }
  func.func @transform_3(%arg0: i32) -> (i32, i32) {
    %c0_i32 = arith.constant 0 : i32
    %c0_i32_0 = arith.constant 0 : i32
    return %arg0, %c0_i32 : i32, i32
  }
  func.func @transform_4(%arg0: i32) -> (i32, i32) {
    %c0_i32 = arith.constant 0 : i32
    %c0_i32_0 = arith.constant 0 : i32
    return %arg0, %c0_i32 : i32, i32
  }
}

module attributes {stable_mosaic.version = 14 : i64} {
  func.func @_densum_body(%arg0: i32, %arg1: memref<32x80x128xf32, #tpu.memory_space<vmem>>, %arg2: memref<80x128xf32, #tpu.memory_space<vmem>>) attributes {dimension_semantics = [#tpu.dimension_semantics<arbitrary>], iteration_bounds = array<i64: 1>, scalar_prefetch = 0 : i64, scratch_operands = 0 : i64, tpu.core_type = #tpu.core_type<tc>, window_params = [{pipeline_mode = #tpu.pipeline_mode<synchronous>, transform_indices = @transform_0, window_bounds = array<i64: 32, 80, 128>}, {pipeline_mode = #tpu.pipeline_mode<synchronous>, transform_indices = @transform_1, window_bounds = array<i64: 80, 128>}]} {
    %get3A = arith.constant 0 : index
    %get3A_0 = arith.constant 0 : index
    %get3A_1 = arith.constant 0 : index
    %get3A_2 = vector.load %arg1[%get3A, %get3A_0, %get3A_1] : memref<32x80x128xf32, #tpu.memory_space<vmem>>, vector<32x80x128xf32>
    %reduce_sum3A = arith.constant dense<0.000000e+00> : vector<80x128xf32>
    %reduce_sum3A_3 = vector.multi_reduction <add>, %get3A_2, %reduce_sum3A [0] : vector<32x80x128xf32> to vector<80x128xf32>
    %swap3A = arith.constant 0 : index
    %swap3A_4 = arith.constant 0 : index
    %swap3A_5 = vector.load %arg2[%swap3A, %swap3A_4] : memref<80x128xf32, #tpu.memory_space<vmem>>, vector<80x128xf32>
    tpu.vector_store %arg2[%swap3A, %swap3A_4], %reduce_sum3A_3 {strides = array<i32>} : memref<80x128xf32, #tpu.memory_space<vmem>>, vector<80x128xf32>,
    return
  }
  func.func @transform_0(%arg0: i32) -> (i32, i32, i32) {
    %c0_i32 = arith.constant 0 : i32
    %c0_i32_0 = arith.constant 0 : i32
    %c0_i32_1 = arith.constant 0 : i32
    %c0_i32_2 = arith.constant 0 : i32
    return %c0_i32, %c0_i32_0, %c0_i32_1 : i32, i32, i32
  }
  func.func @transform_1(%arg0: i32) -> (i32, i32) {
    %c0_i32 = arith.constant 0 : i32
    %c0_i32_0 = arith.constant 0 : i32
    %c0_i32_1 = arith.constant 0 : i32
    return %c0_i32, %c0_i32_0 : i32, i32
  }
}

module attributes {stable_mosaic.version = 14 : i64} {
  func.func @_comb_body(%arg0: i32, %arg1: memref<2x1280x128xf32, #tpu.memory_space<vmem>>, %arg2: memref<1280x1xf32, #tpu.memory_space<vmem>>, %arg3: memref<1280x128xf32, #tpu.memory_space<vmem>>) attributes {dimension_semantics = [#tpu.dimension_semantics<arbitrary>], iteration_bounds = array<i64: 8>, scalar_prefetch = 0 : i64, scratch_operands = 0 : i64, tpu.core_type = #tpu.core_type<tc>, window_params = [{transform_indices = @transform_0, window_bounds = array<i64: 2, 1280, 128>}, {transform_indices = @transform_1, window_bounds = array<i64: 1280, 1>}, {transform_indices = @transform_2, window_bounds = array<i64: 1280, 128>}]} {
    %get3A = arith.constant 0 : index
    %get3A_0 = arith.constant 0 : index
    %get3A_1 = vector.load %arg2[%get3A, %get3A_0] : memref<1280x1xf32, #tpu.memory_space<vmem>>, vector<1280x1xf32>
    %gt3A = arith.constant 0.000000e+00 : f32
    %gt3A_2 = vector.broadcast %gt3A : f32 to vector<1280x1xf32>
    %gt3A_3 = arith.cmpf ogt, %get3A_1, %gt3A_2 : vector<1280x1xf32>
    %div3A = arith.constant 1.000000e+00 : f32
    %div3A_4 = vector.broadcast %div3A : f32 to vector<1280x1xf32>
    %div3A_5 = arith.divf %div3A_4, %get3A_1 : vector<1280x1xf32>
    %jit3A = arith.constant 1.000000e+00 : f32
    %broadcast_in_dim3A = vector.broadcast %jit3A : f32 to vector<1280x1xf32>
    %select_n3A = arith.select %gt3A_3, %div3A_5, %broadcast_in_dim3A : vector<1280x1xi1>, vector<1280x1xf32>
    %get3A_6 = arith.constant 0 : index
    %get3A_7 = arith.constant 0 : index
    %get3A_8 = arith.constant 0 : index
    %get3A_9 = vector.load %arg1[%get3A_6, %get3A_7, %get3A_8] : memref<2x1280x128xf32, #tpu.memory_space<vmem>>, vector<1x1280x128xf32>
    %get3A_10 = vector.shape_cast %get3A_9 : vector<1x1280x128xf32> to vector<1280x128xf32>
    %get3A_11 = arith.constant 1 : index
    %get3A_12 = arith.constant 0 : index
    %get3A_13 = arith.constant 0 : index
    %get3A_14 = vector.load %arg1[%get3A_11, %get3A_12, %get3A_13] : memref<2x1280x128xf32, #tpu.memory_space<vmem>>, vector<1x1280x128xf32>
    %get3A_15 = vector.shape_cast %get3A_14 : vector<1x1280x128xf32> to vector<1280x128xf32>
    %add3A = arith.addf %get3A_10, %get3A_15 : vector<1280x128xf32>
    %mul3A = vector.broadcast %select_n3A : vector<1280x1xf32> to vector<1280x128xf32>
    %mul3A_16 = arith.mulf %add3A, %mul3A : vector<1280x128xf32>
    %swap3A = arith.constant 0 : index
    %swap3A_17 = arith.constant 0 : index
    %swap3A_18 = vector.load %arg3[%swap3A, %swap3A_17] : memref<1280x128xf32, #tpu.memory_space<vmem>>, vector<1280x128xf32>
    tpu.vector_store %arg3[%swap3A, %swap3A_17], %mul3A_16 {strides = array<i32>} : memref<1280x128xf32, #tpu.memory_space<vmem>>, vector<1280x128xf32>,
    return
  }
  func.func @transform_0(%arg0: i32) -> (i32, i32, i32) {
    %c0_i32 = arith.constant 0 : i32
    %c0_i32_0 = arith.constant 0 : i32
    %c0_i32_1 = arith.constant 0 : i32
    return %c0_i32, %arg0, %c0_i32_0 : i32, i32, i32
  }
  func.func @transform_1(%arg0: i32) -> (i32, i32) {
    %c0_i32 = arith.constant 0 : i32
    %c0_i32_0 = arith.constant 0 : i32
    return %arg0, %c0_i32 : i32, i32
  }
  func.func @transform_2(%arg0: i32) -> (i32, i32) {
    %c0_i32 = arith.constant 0 : i32
    %c0_i32_0 = arith.constant 0 : i32
    return %arg0, %c0_i32 : i32, i32
  }
}

</mosaic_0001>

<sc_bundles>
// kernel: kernel.7.cloned.1.call-start
scs
__scs_entry_jumppad:
0x0: {  	(pc) =	sbr.rel $0x88, $3  }
0x1: {  	(tag) =	ssettag $0x0;
	lr =	simm.s32 $0x1  }
0x2: {  	[smem:$0x3F9C] =	sst lr;
	_ =	strace $0xD0000000  }
0x3: {  	_ = 	snop  }
0x4: {  	_ = 	snop  }
0x5: {  	_ = 	snop  }
0x6: {  	_ = 	snop  }
0x7: {  	_ = 	snop  }
__scs_overlays_trampoline_lowered:
0x8: {  	[smem:$0x3FAB] =	sst s0  }
0x9: {  	[smem:$0x3FAC] =	sst s1  }
0xa: {  	[smem:$0x3FAD] =	sst s2  }
0xb: {  	[smem:$0x3FAE] =	sst s3  }
0xc: {  	[smem:$0x3FAF] =	sst s4  }
0xd: {  	[smem:$0x3FB0] =	sst s5  }
0xe: {  	[smem:$0x3FB1] =	sst s6  }
0xf: {  	[smem:$0x3FB2] =	sst s7  }
0x10: {  	[smem:$0x3FB3] =	sst s8  }
0x11: {  	[smem:$0x3FB4] =	sst s9;
	s0 =	simm.s32 @!p0 $0x0  }
0x12: {  	s1 =	sld [smem:$0x3F9A];
	s0 =	simm.s32 @p0 $0x1  }
0x13: {  	[smem:$0x3FB5] =	sst s0;
	s0 =	simm.s32 @!p1 $0x0  }
0x14: {  	s2 =	sld [smem:$0x3F99];
	s0 =	simm.s32 @p1 $0x1  }
0x15: {  	[smem:$0x3FB6] =	sst s0;
	s0 =	simm.s32 @!p2 $0x0  }
0x16: {  	s3 =	sld [smem:$0x3FDB];
	s0 =	simm.s32 @p2 $0x1  }
0x17: {  	s4 =	simm.s32 $0x1BF5;
	[smem:$0x3FB8] =	sst s0  }
0x18: {  	s0 =	sld [smem:$0x3F9B];
	_ =	swait.ge [sflag:s4], $0x0  }
0x19: {  	s7 =	sld [smem:$0x3F9C]  }
0x1a: {  	s8 =	sadd.s32 $0xFFFFE003, lr  }
0x1b: {  	s9 =	sadd.s32 $0xFFFFFEF7, lr;
	s5 =	simm.s32 $0xFFFFFFFF;
	p2 =	slt.u32 s8, $0xFFFFF086  }
0x1c: {  	p1 =	slt.u32 s9, $0xF7A;
	s5 =	simm.s32 @!p2 $0x0  }
0x1d: {  	s5 =	simm.s32 @p1 $0x1;
	p0 =	seq.s32 s7, s2  }
0x1e: {  	s7 =	smul.u32 @!p0 $0xF7A, s2;
	p2 =	seq.s32 @!p0 s5, $0x0  }
0x1f: {  	s9 =	smul.u32 $0xF7A, s1;
	s8 =	simm.s32 @!p0 $0x1BF5;
	p2 =	por !p2, p0  }
0x20: {  	[sflag:s8] =	ssyncset.s32 @!p0 $0xFFFFF086;
	s6 =	sadd.s32 @!p0 s3, s7;
	s7 =	simm.s32 @!p0 $0x108  }
0x21: {  	s3 =	sadd.s32 s3, s9;
	s6 =	sadd.s32 @!p0 $0x88, s6;
	s7 =	simm.s32 @p2 $0x1082  }
0x22: {  	[simem:s7], [sflag:s8] =	dma.local @!p0 [hbm:s6], $0xF7A  }
0x23: {  	s9 =	sor.u32 $0xD0000000, s2;
	s6 =	simm.s32 $0x108;
	_ =	swait.ge @!p0 [sflag:s8], $0x0  }
0x24: {  	s3 =	sadd.s32 $0x88, s3;
	s6 =	simm.s32 @!p1 $0x1082;
	[sflag:s4] =	ssyncset.s32 $0xFFFFF086  }
0x25: {  	[simem:s6], [sflag:s4] =	dma.local [hbm:s3], $0xF7A  }
0x26: {  	[smem:$0x3F9C] =	sst s1;
	(tag) =	ssettag s2;
	_ =	strace s9  }
0x27: {  	s1 =	sld [smem:$0x3FAC]  }
0x28: {  	s2 =	sld [smem:$0x3FAD]  }
0x29: {  	s4 =	sld [smem:$0x3FAF]  }
0x2a: {  	p0 =	seq.s32 s5, $0x0;
	s5 =	sld [smem:$0x3FB0]  }
0x2b: {  	s6 =	sld [smem:$0x3FB1]  }
0x2c: {  	s7 =	sld [smem:$0x3FB2]  }
0x2d: {  	s3 =	simm.s32 $0x108;
	s8 =	sld [smem:$0x3FB3]  }
0x2e: {  	s3 =	simm.s32 @!p0 $0x1082;
	s9 =	sld [smem:$0x3FB4]  }
0x2f: {  	lr =	sadd.s32 s0, s3;
	s0 =	sld [smem:$0x3FAB]  }
0x30: {  	s3 =	sld [smem:$0x3FAE]  }
0x31: {  	[smem:$0x3FB7] =	sst s10  }
0x32: {  	s10 =	sld [smem:$0x3FB5];
	_ =	sdelay $0x3  }
0x33: {  	p0 =	seq.s32 s10, $0x1;
	s10 =	sld [smem:$0x3FB7];
	_ =	sdelay $0x3  }
0x34: {  	[smem:$0x3FB7] =	sst s10  }
0x35: {  	s10 =	sld [smem:$0x3FB6];
	_ =	sdelay $0x3  }
0x36: {  	p1 =	seq.s32 s10, $0x1;
	s10 =	sld [smem:$0x3FB7];
	_ =	sdelay $0x3  }
0x37: {  	[smem:$0x3FB7] =	sst s10  }
0x38: {  	s10 =	sld [smem:$0x3FB8]  }
0x39: {  	_ = 	snop;
	(pc) =	sbr.ind lr, $3  }
0x3a: {  	_ = 	snop  }
0x3b: {  	_ = 	snop  }
0x3c: {  	p2 =	seq.s32 s10, $0x1;
	s10 =	sld [smem:$0x3FB7]  }
0x3d: {  	_ =	shalt  }
0x3e: {  	_ =	shalt  }
0x3f: {  	_ =	shalt  }
0x40: {  	_ =	shalt  }
0x41: {  	_ =	shalt  }
0x42: {  	_ =	shalt  }
0x43: {  	_ =	shalt  }
0x44: {  	_ =	shalt  }
0x45: {  	_ =	shalt  }
0x46: {  	_ =	shalt  }
0x47: {  	_ =	shalt  }
0x48: {  	_ =	shalt  }
0x49: {  	_ =	shalt  }
0x4a: {  	_ =	shalt  }
0x4b: {  	_ =	shalt  }
0x4c: {  	_ =	shalt  }
0x4d: {  	_ =	shalt  }
0x4e: {  	_ =	shalt  }
0x4f: {  	_ =	shalt  }
0x50: {  	_ =	shalt  }
0x51: {  	_ =	shalt  }
0x52: {  	_ =	shalt  }
0x53: {  	_ =	shalt  }
0x54: {  	_ =	shalt  }
0x55: {  	_ =	shalt  }
0x56: {  	_ =	shalt  }
0x57: {  	_ =	shalt  }
0x58: {  	_ =	shalt  }
0x59: {  	_ =	shalt  }
0x5a: {  	_ =	shalt  }
0x5b: {  	_ =	shalt  }
0x5c: {  	_ =	shalt  }
0x5d: {  	_ =	shalt  }
0x5e: {  	_ =	shalt  }
0x5f: {  	_ =	shalt  }
0x60: {  	_ =	shalt  }
0x61: {  	_ =	shalt  }
0x62: {  	_ =	shalt  }
0x63: {  	_ =	shalt  }
0x64: {  	_ =	shalt  }
0x65: {  	_ =	shalt  }
0x66: {  	_ =	shalt  }
0x67: {  	_ =	shalt  }
0x68: {  	_ =	shalt  }
0x69: {  	_ =	shalt  }
0x6a: {  	_ =	shalt  }
0x6b: {  	_ =	shalt  }
0x6c: {  	_ =	shalt  }
0x6d: {  	_ =	shalt  }
0x6e: {  	_ =	shalt  }
0x6f: {  	_ =	shalt  }
0x70: {  	_ =	shalt  }
0x71: {  	_ =	shalt  }
0x72: {  	_ =	shalt  }
0x73: {  	_ =	shalt  }
0x74: {  	_ =	shalt  }
0x75: {  	_ =	shalt  }
0x76: {  	_ =	shalt  }
0x77: {  	_ =	shalt  }
0x78: {  	_ =	shalt  }
0x79: {  	_ =	shalt  }
0x7a: {  	_ =	shalt  }
0x7b: {  	_ =	shalt  }
0x7c: {  	_ =	shalt  }
0x7d: {  	_ =	shalt  }
0x7e: {  	_ =	shalt  }
0x7f: {  	_ =	shalt  }
0x80: {  	_ =	shalt  }
0x81: {  	_ =	shalt  }
0x82: {  	_ =	shalt  }
0x83: {  	_ =	shalt  }
0x84: {  	_ =	shalt  }
0x85: {  	_ =	shalt  }
0x86: {  	_ =	shalt  }
0x87: {  	_ =	shalt  }
.Lfunc_end0:
.L_simem_size_0:
called_computation_lowered:
.L_overlay_start_0:
0x88: {  	s2 =	sld [smem:$0x3FD9]  }
0x89: {  	s3 =	sld [smem:$0x3FFE];
	_ =	sdelay $0x1  }
0x8a: {  	s1 =	srdreg.scid  }
0x8b: {  	s0 =	sand.u32 $0x1, s1  }
0x8c: {  	s17 =	sshll.u32 s0, $0xA;
	s2 =	sadd.s32 s3, s2  }
0x8d: {  	s2 =	sadd.s32 s2, s17  }
0x8e: {  	[smem:$0x3FC3] =	sst s2  }
0x8f: {  	_ = 	snop  }
0x90: {  	s2 =	sld [smem:$0x3FD0];
	(tm) =	ssettm $0x1  }
0x91: {  	s18 =	sld [smem:$0x3FFB];
	_ =	sdelay $0x3  }
0x92: {  	_ =	strace s18  }
0x93: {  	s3 =	sld [smem:$0x3FFC];
	_ =	sdelay $0x3  }
0x94: {  	_ =	strace s3  }
0x95: {  	s3 =	sld [smem:$0x3FFD];
	_ =	sdelay $0x3  }
0x96: {  	_ =	strace s3  }
0x97: {  	_ =	strace $0x8FFFFFFF  }
0x98: {  	s19 =	sld [smem:$0x3FDB];
	_ =	sdelay $0x1  }
0x99: {  	s4 =	simm.s32 $_scs_section_size  }
0x9a: {  	s5 =	simm.s32 $_size__tile_overlayer_lowered;
	s6 =	simm.s32 $_tile_overlayer_lowered  }
0x9b: {  	s22 =	simm.s32 $0x1BFF;
	s21 =	sshll.u32 s6, $0x1;
	s3 =	sadd.s32 s4, s19  }
0x9c: {  	s7 =	simm.s32 $0x0;
	s20 =	sshll.u32 s5, $0x1;
	s5 =	sadd.s32 s21, s3  }
0x9d: {  	[timem:s7], [sflag:s22] =	dma.local [hbm:s5], s20  }
0x9e: {  	_ =	swait.ge [sflag:s22], s20  }
0x9f: {  	s4 =	ssub.s32 $0x0, s20;
	[sflag:s22] =	ssyncset.done $0x0  }
0xa0: {  	[sflag:s22] =	ssyncadd.s32 s4;
	_ =	sdelay $0x1  }
0xa1: {  	s23 =	simm.s32 $0x1B8B  }
0xa2: {  	_ =	swait.ge [sflag:s23], $0x1  }
0xa3: {  	[sflag:s23] =	ssyncset.done $0x0  }
0xa4: {  	s25 =	simm.s32 $0x1B8E;
	s24 =	sld [smem:$0x3FFE];
	[sflag:s23] =	ssyncadd.s32 $0xFFFFFFFF  }
0xa5: {  	s26 =	simm.s32 $execute0_lowered;
	[smem:$0x3FD2] =	sst s25  }
0xa6: {  	s5 =	sshll.u32 s26, $0x1;
	_ =	strace $0x80000046;
	[dreg:$0x1] =	wrdreg $0xFFFFFFFF  }
0xa7: {  	s28 =	simm.s32 $_size_execute0_lowered;
	s3 =	sadd.s32 s3, s5;
	[dreg:$0x0] =	wrdreg $0x0  }
0xa8: {  	s5 =	sshll.u32 s28, $0x1;
	[dreg:$0x2] =	wrdreg s3  }
0xa9: {  	[dreg:$0x3] =	wrdreg s5  }
0xaa: {  	[dreg:$0x4] =	wrdreg $0xC0  }
0xab: {  	_ =	task [dreg:s7], $0x5FFFF  }
0xac: {  	[dreg:$0x1] =	wrdreg $0xFFFFFFFF  }
0xad: {  	[dreg:$0x0] =	wrdreg $0x60  }
0xae: {  	[dreg:$0x2] =	wrdreg s24  }
0xaf: {  	[dreg:$0x3] =	wrdreg s2  }
0xb0: {  	[dreg:$0x4] =	wrdreg $0xBA800  }
0xb1: {  	[dreg:$0x5] =	wrdreg $0x9  }
0xb2: {  	_ =	task.clear_ibuf [dreg:s7], $0x6FFFF;
	_ =	strace $0x90000046  }
0xb3: {  	s29 =	simm.s32 $0x9;
	_ =	strace $0x80000048  }
0xb4: {  	_ =	swait.ge [sflag:s29], $0x1  }
0xb5: {  	[sflag:s29] =	ssyncadd.s32 $0xFFFFFFFF  }
0xb6: {  	_ =	strace $0x90000048  }
0xb7: {  	_ =	sfence  }
0xb8: {  	s30 =	sld [smem:$0x0];
	_ =	sdelay $0x2  }
0xb9: {  	s31 =	sshll.u32 s1, $0xD;
	s1 =	sshrl.u32 s1, $0x2  }
0xba: {  	s3 =	sand.u32 $0x4000, s31;
	s1 =	sadd.s32 s1, s30  }
0xbb: {  	s0 =	sor.u32 s3, s0;
	s1 =	sshll.u32 s1, $0x11  }
0xbc: {  	s0 =	sor.u32 s1, s0  }
0xbd: {  	s0 =	sadd.s32 $0x8F2B, s0  }
0xbe: {  	[sflag:s0] =	ssyncadd.remote.s32 $0x1  }
0xbf: {  	_ =	sfence.sel $0xFFFF  }
0xc0: {  	[dreg:$0x0] =	wrdreg $0xFFFFFFFF;
	(pc) =	sbr.abs _section_cstart, $3  }
0xc1: {  	[dreg:$0x1] =	wrdreg $0xFFFFFFFF  }
0xc2: {  	_ =	task.clear_ibuf [dreg:s7], $0x2FFFF;
	_ =	strace $0x9FFFFFFF  }
0xc3: {  	(tm) =	ssettm $0x7FFFFFFF  }
tec
execute0_lowered:
.L_overlay_start_1:
0x0: {  	(tag) =	ssettag $0x1  }
0x1: {  	s0 =	rddreg [dreg:$0x0]  }
0x2: {  	s1 =	rddreg [dreg:$0x1]  }
0x3: {  	s2 =	rddreg [dreg:$0x2];
	s4 =	simm.s32 $0x0  }
0x4: {  	s3 =	srdreg.scid;
	s9 =	stileid.u32;
	s28 =	simm.s32 $0x3  }
0x5: {  	s29 =	simm.s32 $0x300;
	s30 =	simm.s32 $0x2A80;
	s31 =	simm.s32 $0x40  }
0x6: {  	[smem:$0x7FF] =	sst s4;
	s3 =	sand.u32 $0x1, s3;
	s7 =	smul.u32 $0x14000, s9  }
0x7: {  	s5 =	sadd.s32 $0x400, s0;
	s8 =	sadd.s32 $0x14600, s0;
	s11 =	smul.u32 $0x50000, s9  }
0x8: {  	s12 =	sadd.s32 $0x14000, s0;
	_ =	strace $0x80000047;
	[dreg:$0x4] =	wrdreg s8  }
0x9: {  	s6 =	smul.u32 $0x140000, s3;
	s25 =	sshll.u32 s3, $0x4;
	[dreg:$0x5] =	wrdreg s12  }
0xa: {  	s3 =	ssub.s32 $0x2, s3;
	s12 =	simm.s32 $0x2;
	s26 =	sor.u32 s9, s25  }
0xb: {  	s8 =	sshrl.u32 s11, $0x2;
	s14 =	sshrl.u32 s3, $0x1;
	s9 =	simm.s32 $0x9280  }
0xc: {  	s11 =	simm.s32 $0x200;
	s6 =	sadd.s32 s7, s6;
	s17 =	sadd.s32 s8, s2  }
0xd: {  	s13 =	smul.u32 $0x500, s26;
	s8 =	sadd.s32 $0x2000, s17;
	[dreg:$0x6] =	wrdreg s17  }
0xe: {  	s3 =	ssub.s32 s3, s14;
	s16 =	sadd.s32 $0x4000, s17;
	[dreg:$0x7] =	wrdreg s8  }
0xf: {  	s15 =	smul.u32 $0x4F00, s26;
	s18 =	sadd.s32 $0x6000, s17;
	[dreg:$0x8] =	wrdreg s16  }
0x10: {  	s7 =	simm.s32 $0x1;
	s19 =	sadd.s32 $0x8000, s17;
	[dreg:$0x9] =	wrdreg s18  }
0x11: {  	s14 =	simm.s32 $0x0;
	s20 =	sadd.s32 $0xA000, s17;
	[dreg:$0xa] =	wrdreg s19  }
0x12: {  	s6 =	sshrl.u32 s6, $0x3;
	s21 =	sadd.s32 $0xC000, s17;
	[dreg:$0xb] =	wrdreg s20  }
0x13: {  	s22 =	sadd.s32 $0xE000, s17;
	s23 =	sadd.s32 $0x10000, s17;
	[dreg:$0xc] =	wrdreg s21  }
0x14: {  	s25 =	sadd.s32 $0x12000, s17;
	s6 =	sadd.s32 s6, s0;
	[dreg:$0xd] =	wrdreg s22  }
0x15: {  	s0 =	sadd.s32 s13, s0;
	s10 =	sshrl.u32 s15, $0x3;
	[dreg:$0xe] =	wrdreg s23  }
0x16: {  	[dreg:$0x10] =	wrdreg s25;
	s20 =	smul.u32 $0x2780, s26;
	s21 =	sadd.s32 $0x100, s15  }
0x17: {  	s22 =	sadd.s32 $0x180, s15;
	s26 =	smax.u32 s3, $0x1;
	s3 =	simm.s32 $0x180  }
.Ltmp0:
0x18: {  	s24 =	sadd.s32 s5, s10;
	[dreg:$0x14] =	wrdreg s26;
	(pc) =	sbr.rel .LBB2_1-.Ltmp0, $4  }
0x19: {  	s13 =	simm.s32 $0x280;
	s6 =	sadd.s32 $0x1EC00, s6;
	[dreg:$0xf] =	wrdreg s24  }
0x1a: {  	s0 =	sadd.s32 $0x14C00, s0;
	s26 =	simm.s32 $0x5200;
	[dreg:$0x12] =	wrdreg s6  }
0x1b: {  	s10 =	simm.s32 $0x9200;
	s8 =	sadd.s32 $0x10, s24;
	[dreg:$0x13] =	wrdreg s0  }
0x1c: {  	v0 =	vimm.f32 $0.0e+00;
	s0 =	simm.s32 $0x80;
	s6 =	simm.s32 $0x7200;
	[dreg:$0x11] =	wrdreg s8  }
.LBB2_12:
0x1d: {  	s8 =	stileid.u32;
	[bflag:$0x0] =	sbarrier.arrive $0xFFFF  }
0x1e: {  	s8 =	sshll.u32 s8, $0x6;
	s17 =	rddreg [dreg:$0x6]  }
0x1f: {  	s16 =	rddreg [dreg:$0x12];
	s8 =	sor.u32 $0x1C03, s8;
	s15 =	sshrl.u32 s17, $0x3  }
0x20: {  	[hbm:s16], [sflag:s8] =	dma.local [spmem:s15], $0x2800  }
0x21: {  	_ =	swait.ge [sflag:s28], $0x2800  }
0x22: {  	[sflag:s28] =	ssyncset.done $0x0  }
0x23: {  	s24 =	rddreg [dreg:$0x13];
	[sflag:s28] =	ssyncadd.s32 $0xFFFFD800  }
0x24: {  	[hbm4b:s24+s4] =	stream.linear.scatter [tilespmem:s9], [sflag:$0x3], $0x2800, $0x38;
	[tilespmem:$0x1FA80] =	vst v63  }
0x25: {  	_ =	swait.ge [sflag:s28], $0x2800  }
0x26: {  	s14 =	sadd.s32 $0x1, s14;
	s25 =	rddreg [dreg:$0x14]  }
0x27: {  	p0 =	sne.s32 s14, s25  }
.Ltmp1:
0x28: {  	_ = 	snop;
	(pc) =	sbr.rel @!p0 .LBB2_13-.Ltmp1, $3  }
0x29: {  	_ =	sdelay $0x1  }
0x2a: {  	[sflag:s28] =	ssyncset.done $0x0  }
0x2b: {  	[sflag:s28] =	ssyncadd.s32 $0xFFFFD800  }
.LBB2_1:
0x2c: {  	s15 =	simm.s32 $0x0;
	s16 =	simm.s32 $0x200  }
.LBB2_2:
0x2d: {  	p0 =	sne.s32 s16, $0x7E00;
	[tilespmem:s15+$0x5270] =	vst v0  }
0x2e: {  	[tilespmem:s15+$0x5200] =	vst v0  }
0x2f: {  	[tilespmem:s15+$0x5210] =	vst v0  }
.Ltmp2:
0x30: {  	[tilespmem:s15+$0x5220] =	vst v0;
	(pc) =	sbr.rel @p0 .LBB2_2-.Ltmp2, $4  }
0x31: {  	[tilespmem:s15+$0x5230] =	vst v0  }
0x32: {  	[tilespmem:s15+$0x5240] =	vst v0  }
0x33: {  	[tilespmem:s15+$0x5250] =	vst v0  }
0x34: {  	[tilespmem:s15+$0x5260] =	vst v0;
	s15 =	sshra.s32 s16, $0x2;
	s16 =	sadd.s32 $0x200, s16  }
0x35: {  	[tilespmem:s15+$0x5270] =	vst v0  }
0x36: {  	[tilespmem:s15+$0x5200] =	vst v0  }
0x37: {  	[tilespmem:s15+$0x5210] =	vst v0  }
0x38: {  	[tilespmem:s15+$0x5220] =	vst v0  }
0x39: {  	[tilespmem:s15+$0x5230] =	vst v0  }
0x3a: {  	[tilespmem:s15+$0x5240] =	vst v0  }
0x3b: {  	[tilespmem:s15+$0x5250] =	vst v0  }
0x3c: {  	[tilespmem:s15+$0x5260] =	vst v0;
	s15 =	simm.s32 $0x0;
	s16 =	simm.s32 $0x200  }
.LBB2_4:
0x3d: {  	p0 =	sne.s32 s16, $0x9E00;
	[tilespmem:s15+$0x92F0] =	vst v0  }
0x3e: {  	[tilespmem:s15+$0x9280] =	vst v0  }
0x3f: {  	[tilespmem:s15+$0x9290] =	vst v0  }
.Ltmp3:
0x40: {  	[tilespmem:s15+$0x92A0] =	vst v0;
	(pc) =	sbr.rel @p0 .LBB2_4-.Ltmp3, $4  }
0x41: {  	[tilespmem:s15+$0x92B0] =	vst v0  }
0x42: {  	[tilespmem:s15+$0x92C0] =	vst v0  }
0x43: {  	[tilespmem:s15+$0x92D0] =	vst v0  }
0x44: {  	[tilespmem:s15+$0x92E0] =	vst v0;
	s15 =	sshra.s32 s16, $0x2;
	s16 =	sadd.s32 $0x200, s16  }
0x45: {  	[tilespmem:s15+$0x92F0] =	vst v0  }
0x46: {  	[tilespmem:s15+$0x9280] =	vst v0  }
0x47: {  	[tilespmem:s15+$0x9290] =	vst v0  }
0x48: {  	[tilespmem:s15+$0x92A0] =	vst v0  }
0x49: {  	[tilespmem:s15+$0x92B0] =	vst v0  }
0x4a: {  	[tilespmem:s15+$0x92C0] =	vst v0  }
0x4b: {  	[tilespmem:s15+$0x92D0] =	vst v0  }
0x4c: {  	[tilespmem:s15+$0x92E0] =	vst v0  }
0x4d: {  	[tilespmem:$0x9200] =	vst v0  }
0x4e: {  	[tilespmem:$0x9210] =	vst v0  }
0x4f: {  	[tilespmem:$0x9220] =	vst v0  }
0x50: {  	[tilespmem:$0x9230] =	vst v0  }
0x51: {  	[spmem:s17] =	stream.linear.scatter [tilespmem:s26], [sflag:$0x3], $0x2000, $0x38;
	[tilespmem:$0x1FA80] =	vst v63  }
0x52: {  	_ =	swait.ge [sflag:s28], $0x2000  }
0x53: {  	[sflag:s28] =	ssyncset.done $0x0  }
0x54: {  	s8 =	rddreg [dreg:$0x7];
	[sflag:s28] =	ssyncadd.s32 $0xFFFFE000  }
0x55: {  	[spmem:s8] =	stream.linear.scatter [tilespmem:s26], [sflag:$0x3], $0x2000, $0x38;
	[tilespmem:$0x1FA80] =	vst v63  }
0x56: {  	_ =	swait.ge [sflag:s28], $0x2000  }
0x57: {  	[sflag:s28] =	ssyncset.done $0x0  }
0x58: {  	s18 =	rddreg [dreg:$0x8];
	[sflag:s28] =	ssyncadd.s32 $0xFFFFE000  }
0x59: {  	[spmem:s18] =	stream.linear.scatter [tilespmem:s26], [sflag:$0x3], $0x2000, $0x38;
	[tilespmem:$0x1FA80] =	vst v63  }
0x5a: {  	_ =	swait.ge [sflag:s28], $0x2000  }
0x5b: {  	[sflag:s28] =	ssyncset.done $0x0  }
0x5c: {  	s19 =	rddreg [dreg:$0x9];
	[sflag:s28] =	ssyncadd.s32 $0xFFFFE000  }
0x5d: {  	[spmem:s19] =	stream.linear.scatter [tilespmem:s26], [sflag:$0x3], $0x2000, $0x38;
	[tilespmem:$0x1FA80] =	vst v63  }
0x5e: {  	_ =	swait.ge [sflag:s28], $0x2000  }
0x5f: {  	[sflag:s28] =	ssyncset.done $0x0  }
0x60: {  	s23 =	rddreg [dreg:$0xa];
	[sflag:s28] =	ssyncadd.s32 $0xFFFFE000  }
0x61: {  	[spmem:s23] =	stream.linear.scatter [tilespmem:s26], [sflag:$0x3], $0x2000, $0x38;
	[tilespmem:$0x1FA80] =	vst v63  }
0x62: {  	_ =	swait.ge [sflag:s28], $0x2000  }
0x63: {  	[sflag:s28] =	ssyncset.done $0x0  }
0x64: {  	s24 =	rddreg [dreg:$0xb];
	[sflag:s28] =	ssyncadd.s32 $0xFFFFE000  }
0x65: {  	[spmem:s24] =	stream.linear.scatter [tilespmem:s26], [sflag:$0x3], $0x2000, $0x38;
	[tilespmem:$0x1FA80] =	vst v63  }
0x66: {  	_ =	swait.ge [sflag:s28], $0x2000  }
0x67: {  	[sflag:s28] =	ssyncset.done $0x0  }
0x68: {  	s25 =	rddreg [dreg:$0xc];
	[sflag:s28] =	ssyncadd.s32 $0xFFFFE000  }
0x69: {  	[spmem:s25] =	stream.linear.scatter [tilespmem:s26], [sflag:$0x3], $0x2000, $0x38;
	[tilespmem:$0x1FA80] =	vst v63  }
0x6a: {  	_ =	swait.ge [sflag:s28], $0x2000  }
0x6b: {  	[sflag:s28] =	ssyncset.done $0x0  }
0x6c: {  	s15 =	rddreg [dreg:$0xd];
	[sflag:s28] =	ssyncadd.s32 $0xFFFFE000  }
0x6d: {  	[spmem:s15] =	stream.linear.scatter [tilespmem:s26], [sflag:$0x3], $0x2000, $0x38;
	[tilespmem:$0x1FA80] =	vst v63  }
0x6e: {  	_ =	swait.ge [sflag:s28], $0x2000  }
0x6f: {  	[sflag:s28] =	ssyncset.done $0x0  }
0x70: {  	s16 =	rddreg [dreg:$0xe];
	[sflag:s28] =	ssyncadd.s32 $0xFFFFE000  }
0x71: {  	[spmem:s16] =	stream.linear.scatter [tilespmem:s26], [sflag:$0x3], $0x2000, $0x38;
	[tilespmem:$0x1FA80] =	vst v63  }
0x72: {  	_ =	swait.ge [sflag:s28], $0x2000  }
0x73: {  	[sflag:s28] =	ssyncset.done $0x0  }
0x74: {  	s17 =	rddreg [dreg:$0x10];
	[sflag:s28] =	ssyncadd.s32 $0xFFFFE000  }
0x75: {  	[spmem:s17] =	stream.linear.scatter [tilespmem:s26], [sflag:$0x3], $0x2000, $0x38;
	[tilespmem:$0x1FA80] =	vst v63  }
0x76: {  	_ =	swait.ge [sflag:s28], $0x2000  }
0x77: {  	[sflag:s28] =	ssyncset.done $0x0  }
0x78: {  	[sflag:s28] =	ssyncadd.s32 $0xFFFFE000  }
0x79: {  	[bflag:$0x0] =	sbarrier.arrive $0xFFFF  }
0x7a: {  	s15 =	simm.s32 $0x0;
	s18 =	rddreg [dreg:$0x4]  }
0x7b: {  	[tilespmem:s29], [sflag:$0x3] =	stream.linear.gather [hbm4b:s18+s15], $0x2780, $0x38;
	[tilespmem:$0x1FA80] =	vst v63  }
0x7c: {  	_ =	swait.ge [sflag:s28], $0x2780  }
0x7d: {  	[sflag:s28] =	ssyncset.done $0x0  }
0x7e: {  	s19 =	rddreg [dreg:$0x5];
	[sflag:s28] =	ssyncadd.s32 $0xFFFFD880  }
0x7f: {  	[tilespmem:s30], [sflag:$0x3] =	stream.linear.gather [hbm4b:s19+s15], $0x2780, $0x38;
	[tilespmem:$0x1FA80] =	vst v63  }
0x80: {  	_ =	swait.ge [sflag:s28], $0x2780  }
0x81: {  	[sflag:s28] =	ssyncset.done $0x0  }
0x82: {  	s23 =	rddreg [dreg:$0xf];
	[sflag:s28] =	ssyncadd.s32 $0xFFFFD880  }
0x83: {  	[tilespmem:s15], [sflag:$0x3] =	stream.linear.gather [hbm4b:s23+s15], $0x80, $0x38;
	[tilespmem:$0x1FA80] =	vst v63  }
0x84: {  	_ =	swait.ge [sflag:s28], $0x80  }
0x85: {  	[sflag:s28] =	ssyncset.done $0x0  }
0x86: {  	[sflag:s28] =	ssyncadd.s32 $0xFFFFFF80  }
0x87: {  	v1 =	vld [tilespmem:$0x0]  }
0x88: {  	v2 =	vld [tilespmem:$0x10]  }
0x89: {  	v3 =	vld [tilespmem:$0x20]  }
0x8a: {  	v4 =	vld [tilespmem:$0x30];
	_ =	sdelay $0x1  }
0x8b: {  	v1 =	vand.u32 $0xFFFF, v1  }
0x8c: {  	[tilespmem:$0x100] =	vst v1;
	v1 =	vand.u32 $0xFFFF, v2  }
0x8d: {  	[tilespmem:$0x110] =	vst v1;
	v1 =	vand.u32 $0xFFFF, v3  }
0x8e: {  	[tilespmem:$0x120] =	vst v1;
	v1 =	vand.u32 $0xFFFF, v4  }
0x8f: {  	s24 =	simm.s32 $0x100;
	[tilespmem:$0x130] =	vst v1  }
0x90: {  	[tilespmem:s26], [sflag:$0x1] =	stream.indirect.gather [hbm4b:s1+s31], $0x80, s24, s31, $0xb8;
	[tilespmem:$0x1FA80] =	vst v63  }
0x91: {  	s25 =	rddreg [dreg:$0x11]  }
0x92: {  	[tilespmem:s0], [sflag:$0x3] =	stream.linear.gather [hbm4b:s25+s15], $0x80, $0x38;
	[tilespmem:$0x1FA80] =	vst v63  }
0x93: {  	_ =	swait.ge [sflag:s28], $0x80  }
0x94: {  	[sflag:s28] =	ssyncset.done $0x0  }
0x95: {  	[sflag:s28] =	ssyncadd.s32 $0xFFFFFF80  }
0x96: {  	v1 =	vld [tilespmem:$0x80]  }
0x97: {  	v2 =	vld [tilespmem:$0x90]  }
0x98: {  	v3 =	vld [tilespmem:$0xA0]  }
0x99: {  	v63 =	vld [tilespmem:$0xB0];
	_ =	sdelay $0x1  }
0x9a: {  	v1 =	vand.u32 $0xFFFF, v1  }
0x9b: {  	[tilespmem:$0x180] =	vst v1;
	v1 =	vand.u32 $0xFFFF, v2  }
0x9c: {  	[tilespmem:$0x190] =	vst v1;
	v1 =	vand.u32 $0xFFFF, v3  }
0x9d: {  	[tilespmem:$0x1A0] =	vst v1;
	v1 =	vand.u32 $0xFFFF, v63  }
0x9e: {  	s16 =	simm.s32 $0x0;
	[tilespmem:$0x1B0] =	vst v1  }
0x9f: {  	[tilespmem:s6], [sflag:$0x2] =	stream.indirect.gather [hbm4b:s1+s31], $0x80, s3, s31, $0xb8;
	[tilespmem:$0x1FA80] =	vst v63  }
.LBB2_6:
0xa0: {  	_ =	swait.ge [sflag:s7], $0x2000  }
0xa1: {  	[sflag:s7] =	ssyncset.done $0x0  }
0xa2: {  	[sflag:s7] =	ssyncadd.s32 $0xFFFFE000  }
0xa3: {  	v1 =	vld [tilespmem:$0x0]  }
0xa4: {  	v2 =	vld [tilespmem:$0x100];
	_ =	sdelay $0x3  }
0xa5: {  	v1 =	vshrl.u32 v1, $0x10;
	_ =	sdelay $0x2  }
0xa6: {  	[tilespmem:$0x200] =	vst v1  }
0xa7: {  	v2 =	vld.idx.msk [tilespmem:v2+s29+$0x0], $0xffff  }
0xa8: {  	v3 =	vld.idx.msk [tilespmem:v1+s30+$0x0], $0xffff;
	_ =	sdelay $0x1  }
0xa9: {  	v4 =	vld [tilespmem:$0x40];
	_ =	sdelay $0x2  }
0xaa: {  	v2 =	vadd.f32 v3, v2;
	_ =	sdelay $0x1  }
0xab: {  	v2 =	vadd.f32 v4, v2;
	_ =	sdelay $0x1  }
0xac: {  	v3 =	vmul.f32 $9.999999770e-03, v2  }
0xad: {  	vm0 =	vge.f32 v2, $0.0e+00  }
0xae: {  	v2 =	vsel vm0, v2, v3  }
0xaf: {  	v2 =	vmul.f32 $1.442695020e+00, v2;
	_ =	sdelay $0x1  }
0xb0: {  	(erf) = vpow2.f32 v2;
	_ =	sdelay $0x6  }
0xb1: {  	s19 =	sshll.u32 s16, $0x7  }
0xb2: {  	s18 =	sadd.s32 s20, s19  }
0xb3: {  	p0 =	slt.u32 s18, $0x4E200;
	v2 =	vpop (erf)  }
0xb4: {  	v2 =	vpsel !p0, $0x0, v2  }
0xb5: {  	[tilespmem:$0x9200] =	vst v2  }
0xb6: {  	[tilespmem:v1+s9+$0x0] =	vst.idx.add.f32.msk $0xffff, v2  }
0xb7: {  	v1 =	vld [tilespmem:$0x10]  }
0xb8: {  	v2 =	vld [tilespmem:$0x110];
	_ =	sdelay $0x3  }
0xb9: {  	v1 =	vshrl.u32 v1, $0x10;
	_ =	sdelay $0x2  }
0xba: {  	[tilespmem:$0x210] =	vst v1  }
0xbb: {  	v2 =	vld.idx.msk [tilespmem:v2+s29+$0x0], $0xffff  }
0xbc: {  	v3 =	vld.idx.msk [tilespmem:v1+s30+$0x0], $0xffff;
	_ =	sdelay $0x1  }
0xbd: {  	v4 =	vld [tilespmem:$0x50];
	_ =	sdelay $0x2  }
0xbe: {  	v2 =	vadd.f32 v3, v2;
	_ =	sdelay $0x1  }
0xbf: {  	v2 =	vadd.f32 v4, v2;
	_ =	sdelay $0x1  }
0xc0: {  	v3 =	vmul.f32 $9.999999770e-03, v2  }
0xc1: {  	vm13 =	vge.f32 v2, $0.0e+00  }
0xc2: {  	v2 =	vsel vm13, v2, v3  }
0xc3: {  	v2 =	vmul.f32 $1.442695020e+00, v2;
	_ =	sdelay $0x1  }
0xc4: {  	(erf) = vpow2.f32 v2;
	_ =	sdelay $0x7  }
0xc5: {  	s23 =	sor.u32 $0x10, s18  }
0xc6: {  	p4 =	slt.u32 s23, $0x4E200;
	v2 =	vpop (erf)  }
0xc7: {  	v2 =	vpsel !p4, $0x0, v2  }
0xc8: {  	[tilespmem:$0x9210] =	vst v2  }
0xc9: {  	[tilespmem:v1+s9+$0x0] =	vst.idx.add.f32.msk $0xffff, v2  }
0xca: {  	v1 =	vld [tilespmem:$0x20]  }
0xcb: {  	v2 =	vld [tilespmem:$0x120];
	_ =	sdelay $0x3  }
0xcc: {  	v1 =	vshrl.u32 v1, $0x10;
	_ =	sdelay $0x2  }
0xcd: {  	[tilespmem:$0x220] =	vst v1  }
0xce: {  	v2 =	vld.idx.msk [tilespmem:v2+s29+$0x0], $0xffff  }
0xcf: {  	v3 =	vld.idx.msk [tilespmem:v1+s30+$0x0], $0xffff;
	_ =	sdelay $0x1  }
0xd0: {  	v4 =	vld [tilespmem:$0x60];
	_ =	sdelay $0x2  }
0xd1: {  	v2 =	vadd.f32 v3, v2;
	_ =	sdelay $0x1  }
0xd2: {  	v2 =	vadd.f32 v4, v2;
	_ =	sdelay $0x1  }
0xd3: {  	v3 =	vmul.f32 $9.999999770e-03, v2  }
0xd4: {  	vm14 =	vge.f32 v2, $0.0e+00  }
0xd5: {  	v2 =	vsel vm14, v2, v3  }
0xd6: {  	v2 =	vmul.f32 $1.442695020e+00, v2;
	_ =	sdelay $0x1  }
0xd7: {  	(erf) = vpow2.f32 v2;
	_ =	sdelay $0x7  }
0xd8: {  	s17 =	sor.u32 $0x20, s18  }
0xd9: {  	p5 =	slt.u32 s17, $0x4E200;
	v2 =	vpop (erf)  }
0xda: {  	v2 =	vpsel !p5, $0x0, v2  }
0xdb: {  	[tilespmem:$0x9220] =	vst v2  }
0xdc: {  	[tilespmem:v1+s9+$0x0] =	vst.idx.add.f32.msk $0xffff, v2  }
0xdd: {  	v1 =	vld [tilespmem:$0x30]  }
0xde: {  	v2 =	vld [tilespmem:$0x130];
	_ =	sdelay $0x3  }
0xdf: {  	v1 =	vshrl.u32 v1, $0x10;
	_ =	sdelay $0x2  }
0xe0: {  	[tilespmem:$0x230] =	vst v1  }
0xe1: {  	v2 =	vld.idx.msk [tilespmem:v2+s29+$0x0], $0xffff  }
0xe2: {  	v3 =	vld.idx.msk [tilespmem:v1+s30+$0x0], $0xffff;
	_ =	sdelay $0x1  }
0xe3: {  	v4 =	vld [tilespmem:$0x70];
	_ =	sdelay $0x2  }
0xe4: {  	v2 =	vadd.f32 v3, v2;
	_ =	sdelay $0x1  }
0xe5: {  	v2 =	vadd.f32 v4, v2;
	_ =	sdelay $0x1  }
0xe6: {  	v3 =	vmul.f32 $9.999999770e-03, v2  }
0xe7: {  	vm15 =	vge.f32 v2, $0.0e+00  }
0xe8: {  	v2 =	vsel vm15, v2, v3  }
0xe9: {  	v2 =	vmul.f32 $1.442695020e+00, v2;
	_ =	sdelay $0x1  }
0xea: {  	(erf) = vpow2.f32 v2;
	_ =	sdelay $0x5  }
0xeb: {  	v2 =	vmov s15  }
0xec: {  	v2 =	vand.u32 $0xFFFFFFFC, v2  }
0xed: {  	s18 =	sor.u32 $0x30, s18;
	v2 =	vbroadcast v2, $0x0  }
0xee: {  	p6 =	slt.u32 s18, $0x4E200;
	v3 =	vpop (erf)  }
0xef: {  	v3 =	vpsel !p6, $0x0, v3  }
0xf0: {  	[tilespmem:$0x9230] =	vst v3  }
0xf1: {  	s18 =	simm.s32 $0x5300;
	[tilespmem:v1+s9+$0x0] =	vst.idx.add.f32.msk $0xffff, v3  }
0xf2: {  	v1 =	vld [tilespmem:s18+$0xFFFFFF70]  }
0xf3: {  	v2 =	vld.idx.msk [tilespmem:v2+s10+$0x0], $0xffff  }
0xf4: {  	v3 =	vld [tilespmem:s18+$0xFFFFFF00]  }
0xf5: {  	v4 =	vld [tilespmem:s18+$0xFFFFFF20]  }
0xf6: {  	v5 =	vld [tilespmem:s18+$0xFFFFFF50]  }
0xf7: {  	v6 =	vld [tilespmem:s18+$0xFFFFFF40]  }
0xf8: {  	v7 =	vld [tilespmem:s18+$0xFFFFFF60];
	v1 =	vmul.f32 v1, v2  }
0xf9: {  	s24 =	simm.s32 $0x1;
	v8 =	vld [tilespmem:s18+$0xFFFFFF30];
	v3 =	vmul.f32 v3, v2  }
0xfa: {  	v9 =	vld [tilespmem:s18+$0xFFFFFF10];
	v4 =	vmul.f32 v4, v2;
	[tilespmem:s18+$0xFFFFFF70] =	vst v1;
	v1 =	vmov s24  }
0xfb: {  	v5 =	vmul.f32 v5, v2;
	[tilespmem:s18+$0xFFFFFF00] =	vst v3;
	v1 =	vand.u32 $0xFFFFFFFD, v1  }
0xfc: {  	v3 =	vmul.f32 v6, v2;
	[tilespmem:s18+$0xFFFFFF20] =	vst v4;
	v1 =	vbroadcast v1, $0x0  }
0xfd: {  	v4 =	vmul.f32 v7, v2;
	[tilespmem:s18+$0xFFFFFF50] =	vst v5  }
0xfe: {  	v5 =	vmul.f32 v8, v2;
	[tilespmem:s18+$0xFFFFFF40] =	vst v3  }
0xff: {  	v2 =	vmul.f32 v9, v2;
	[tilespmem:s18+$0xFFFFFF60] =	vst v4  }
0x100: {  	v6 =	vld [tilespmem:s18+$0xFFFFFFC0];
	[tilespmem:s18+$0xFFFFFF30] =	vst v5  }
0x101: {  	[tilespmem:s18+$0xFFFFFF10] =	vst v2;
	v2 =	vld [tilespmem:s18+$0xFFFFFF90]  }
0x102: {  	v3 =	vld.idx.msk [tilespmem:v1+s10+$0x0], $0xffff  }
0x103: {  	v1 =	vld [tilespmem:s18+$0xFFFFFFA0]  }
0x104: {  	v4 =	vld [tilespmem:s18+$0xFFFFFF80]  }
0x105: {  	v5 =	vld [tilespmem:s18+$0xFFFFFFB0]  }
0x106: {  	v7 =	vld [tilespmem:s18+$0xFFFFFFD0]  }
0x107: {  	v8 =	vld [tilespmem:s18+$0xFFFFFFF0];
	v2 =	vmul.f32 v2, v3  }
0x108: {  	s25 =	simm.s32 $0x2;
	v1 =	vmul.f32 v1, v3  }
0x109: {  	v63 =	vld [tilespmem:s18+$0xFFFFFFE0];
	v4 =	vmul.f32 v4, v3;
	[tilespmem:s18+$0xFFFFFF90] =	vst v2;
	v2 =	vmov s25  }
0x10a: {  	v5 =	vmul.f32 v5, v3;
	[tilespmem:s18+$0xFFFFFFA0] =	vst v1;
	v1 =	vand.u32 $0xFFFFFFFE, v2  }
0x10b: {  	[tilespmem:s18+$0xFFFFFF80] =	vst v4;
	v4 =	vmul.f32 v7, v3;
	v7 =	vld [tilespmem:s18+$0x0];
	v10 =	vbroadcast v1, $0x0  }
0x10c: {  	[tilespmem:s18+$0xFFFFFFB0] =	vst v5;
	v5 =	vmul.f32 v8, v3;
	v2 =	vmul.f32 v6, v3;
	v6 =	vld [tilespmem:s18+$0x60]  }
0x10d: {  	v1 =	vld [tilespmem:s18+$0x20];
	[tilespmem:s18+$0xFFFFFFD0] =	vst v4  }
0x10e: {  	v3 =	vmul.f32 v63, v3;
	[tilespmem:s18+$0xFFFFFFF0] =	vst v5;
	v4 =	vld [tilespmem:s18+$0x40]  }
0x10f: {  	v5 =	vld [tilespmem:s18+$0x10];
	[tilespmem:s18+$0xFFFFFFC0] =	vst v2  }
0x110: {  	v2 =	vld [tilespmem:s18+$0x30];
	[tilespmem:s18+$0xFFFFFFE0] =	vst v3  }
0x111: {  	s23 =	simm.s32 $0x0;
	s24 =	simm.s32 $0x4;
	s25 =	simm.s32 $0x5300;
	v3 =	vld.idx.msk [tilespmem:v10+s10+$0x0], $0xffff  }
.LBB2_7:
0x112: {  	p0 =	sne.s32 s24, $0x3C  }
0x113: {  	v8 =	vld [tilespmem:s18+$0x50];
	s25 =	sadd.s32 $0x200, s25;
	s17 =	smov.u32 s24;
	s24 =	sadd.s32 $0x4, s24  }
0x114: {  	v9 =	vld [tilespmem:s18+$0x70];
	_ =	sdelay $0x1  }
0x115: {  	v6 =	vmul.f32 v6, v3;
	v7 =	vmul.f32 v7, v3  }
0x116: {  	v4 =	vmul.f32 v4, v3;
	v5 =	vmul.f32 v5, v3  }
0x117: {  	v1 =	vmul.f32 v1, v3;
	v2 =	vmul.f32 v2, v3;
	[tilespmem:s18+$0x60] =	vst v6  }
0x118: {  	[tilespmem:s18+$0x40] =	vst v4;
	v4 =	vmul.f32 v8, v3;
	v3 =	vmul.f32 v9, v3  }
0x119: {  	s8 =	sadd.s32 $0x3, s23;
	s23 =	smov.u32 s17;
	[tilespmem:s18+$0x20] =	vst v1;
	v6 =	vld [tilespmem:s18+$0x80]  }
0x11a: {  	v1 =	vld [tilespmem:s25+$0x20];
	[tilespmem:s18+$0x0] =	vst v7;
	v7 =	vmov s8  }
0x11b: {  	[tilespmem:s18+$0x50] =	vst v4;
	v4 =	vld [tilespmem:s18+$0xE0]  }
0x11c: {  	[tilespmem:s18+$0x30] =	vst v2;
	v8 =	vld [tilespmem:s18+$0xC0]  }
0x11d: {  	v2 =	vld [tilespmem:s25+$0x30];
	[tilespmem:s18+$0x10] =	vst v5  }
0x11e: {  	[tilespmem:s18+$0x70] =	vst v3;
	v3 =	vld [tilespmem:s18+$0xA0]  }
0x11f: {  	v5 =	vld.idx.msk [tilespmem:v7+s10+$0x0], $0xffff  }
0x120: {  	v7 =	vld [tilespmem:s18+$0x90]  }
0x121: {  	v9 =	vld [tilespmem:s18+$0xB0]  }
0x122: {  	v10 =	vld [tilespmem:s18+$0xD0]  }
0x123: {  	v11 =	vld [tilespmem:s18+$0xF0];
	_ =	sdelay $0x1  }
0x124: {  	v6 =	vmul.f32 v6, v5;
	v7 =	vmul.f32 v7, v5  }
0x125: {  	v3 =	vmul.f32 v3, v5;
	v9 =	vmul.f32 v9, v5  }
0x126: {  	v12 =	vmov s23;
	[tilespmem:s18+$0x80] =	vst v6;
	v6 =	vmul.f32 v8, v5;
	v8 =	vmul.f32 v10, v5  }
0x127: {  	v10 =	vand.u32 $0xFFFFFFFC, v12;
	[tilespmem:s18+$0xA0] =	vst v3;
	v3 =	vmul.f32 v4, v5;
	v4 =	vmul.f32 v11, v5  }
0x128: {  	v5 =	vbroadcast v10, $0x0;
	[tilespmem:s18+$0xC0] =	vst v6  }
0x129: {  	[tilespmem:s18+$0xF0] =	vst v4  }
0x12a: {  	v4 =	vld [tilespmem:s25+$0xFFFFFF40];
	[tilespmem:s18+$0xE0] =	vst v3  }
0x12b: {  	v3 =	vld [tilespmem:s25+$0xFFFFFF50];
	[tilespmem:s18+$0x90] =	vst v7  }
0x12c: {  	v6 =	vld [tilespmem:s25+$0xFFFFFF60];
	[tilespmem:s18+$0xB0] =	vst v9  }
0x12d: {  	v7 =	vld [tilespmem:s25+$0xFFFFFF70];
	[tilespmem:s18+$0xD0] =	vst v8;
	s18 =	smov.u32 s25  }
0x12e: {  	v5 =	vld.idx.msk [tilespmem:v5+s10+$0x0], $0xffff  }
0x12f: {  	v8 =	vld [tilespmem:s25+$0xFFFFFF00]  }
0x130: {  	v9 =	vld [tilespmem:s25+$0xFFFFFF20]  }
0x131: {  	v10 =	vld [tilespmem:s25+$0xFFFFFF10]  }
0x132: {  	v11 =	vld [tilespmem:s25+$0xFFFFFF30];
	_ =	sdelay $0x1  }
0x133: {  	v7 =	vmul.f32 v7, v5;
	v8 =	vmul.f32 v8, v5  }
0x134: {  	s8 =	sadd.s32 $0x1, s23;
	v6 =	vmul.f32 v6, v5;
	v9 =	vmul.f32 v9, v5  }
0x135: {  	v3 =	vmul.f32 v3, v5;
	v10 =	vmul.f32 v10, v5;
	[tilespmem:s25+$0xFFFFFF70] =	vst v7;
	v7 =	vmov s8  }
0x136: {  	v4 =	vmul.f32 v4, v5;
	[tilespmem:s25+$0xFFFFFF00] =	vst v8;
	v8 =	vmul.f32 v11, v5;
	v5 =	vand.u32 $0xFFFFFFFD, v7  }
0x137: {  	[tilespmem:s25+$0xFFFFFF20] =	vst v9;
	v5 =	vbroadcast v5, $0x0  }
0x138: {  	[tilespmem:s25+$0xFFFFFF50] =	vst v3  }
0x139: {  	[tilespmem:s25+$0xFFFFFF40] =	vst v4;
	v3 =	vld [tilespmem:s25+$0xFFFFFFF0]  }
0x13a: {  	[tilespmem:s25+$0xFFFFFF60] =	vst v6;
	v4 =	vld [tilespmem:s25+$0xFFFFFFC0]  }
0x13b: {  	[tilespmem:s25+$0xFFFFFF30] =	vst v8;
	v6 =	vld [tilespmem:s25+$0xFFFFFFD0]  }
0x13c: {  	[tilespmem:s25+$0xFFFFFF10] =	vst v10;
	v7 =	vld [tilespmem:s25+$0xFFFFFF90]  }
0x13d: {  	v5 =	vld.idx.msk [tilespmem:v5+s10+$0x0], $0xffff  }
0x13e: {  	v8 =	vld [tilespmem:s25+$0xFFFFFF80]  }
0x13f: {  	v9 =	vld [tilespmem:s25+$0xFFFFFFA0]  }
0x140: {  	v10 =	vld [tilespmem:s25+$0xFFFFFFB0]  }
0x141: {  	v11 =	vld [tilespmem:s25+$0xFFFFFFE0];
	_ =	sdelay $0x1  }
0x142: {  	v7 =	vmul.f32 v7, v5;
	v8 =	vmul.f32 v8, v5  }
0x143: {  	s8 =	sadd.s32 $0x2, s23;
	v6 =	vmul.f32 v6, v5;
	v9 =	vmul.f32 v9, v5  }
0x144: {  	v4 =	vmul.f32 v4, v5;
	[tilespmem:s25+$0xFFFFFF90] =	vst v7;
	v7 =	vmul.f32 v10, v5;
	v10 =	vmov s8  }
0x145: {  	v3 =	vmul.f32 v3, v5;
	[tilespmem:s25+$0xFFFFFFA0] =	vst v9;
	v9 =	vmul.f32 v11, v5;
	v5 =	vand.u32 $0xFFFFFFFE, v10  }
0x146: {  	[tilespmem:s25+$0xFFFFFF80] =	vst v8;
	v5 =	vbroadcast v5, $0x0  }
0x147: {  	[tilespmem:s25+$0xFFFFFFB0] =	vst v7  }
0x148: {  	[tilespmem:s25+$0xFFFFFFC0] =	vst v4  }
0x149: {  	[tilespmem:s25+$0xFFFFFFD0] =	vst v6  }
.Ltmp4:
0x14a: {  	[tilespmem:s25+$0xFFFFFFF0] =	vst v3;
	v4 =	vld [tilespmem:s25+$0x40];
	(pc) =	sbr.rel @p0 .LBB2_7-.Ltmp4, $4  }
0x14b: {  	[tilespmem:s25+$0xFFFFFFE0] =	vst v9;
	v6 =	vld [tilespmem:s25+$0x60]  }
0x14c: {  	v3 =	vld.idx.msk [tilespmem:v5+s10+$0x0], $0xffff  }
0x14d: {  	v7 =	vld [tilespmem:s25+$0x0]  }
0x14e: {  	v5 =	vld [tilespmem:s25+$0x10]  }
0x14f: {  	_ =	sdelay $0x1  }
0x150: {  	v6 =	vmul.f32 v6, v3  }
0x151: {  	v8 =	vld [tilespmem:s18+$0x50];
	v4 =	vmul.f32 v4, v3  }
0x152: {  	v9 =	vld [tilespmem:s18+$0x70];
	v1 =	vmul.f32 v1, v3;
	[tilespmem:s18+$0x60] =	vst v6  }
0x153: {  	v6 =	vmul.f32 v7, v3;
	[tilespmem:s18+$0x40] =	vst v4  }
0x154: {  	s8 =	sadd.s32 $0x3, s23;
	[tilespmem:s18+$0x20] =	vst v1;
	v1 =	vmul.f32 v2, v3  }
0x155: {  	v5 =	vmul.f32 v5, v3;
	[tilespmem:s18+$0x0] =	vst v6;
	v6 =	vmov s8  }
0x156: {  	v4 =	vmul.f32 v8, v3;
	[tilespmem:s18+$0x30] =	vst v1  }
0x157: {  	v3 =	vmul.f32 v9, v3;
	[tilespmem:s18+$0x10] =	vst v5  }
0x158: {  	[tilespmem:s18+$0x50] =	vst v4  }
0x159: {  	v2 =	vld [tilespmem:s18+$0x80];
	[tilespmem:s18+$0x70] =	vst v3  }
0x15a: {  	v1 =	vld.idx.msk [tilespmem:v6+s10+$0x0], $0xffff  }
0x15b: {  	v3 =	vld [tilespmem:s18+$0xA0]  }
0x15c: {  	v4 =	vld [tilespmem:s18+$0xC0]  }
0x15d: {  	v5 =	vld [tilespmem:s18+$0xF0]  }
0x15e: {  	v6 =	vld [tilespmem:s18+$0xE0]  }
0x15f: {  	v7 =	vld [tilespmem:s18+$0x90];
	v2 =	vmul.f32 v2, v1  }
0x160: {  	v8 =	vld [tilespmem:s18+$0xB0];
	v3 =	vmul.f32 v3, v1  }
0x161: {  	v61 =	vld [tilespmem:s18+$0xD0];
	[tilespmem:s18+$0x80] =	vst v2;
	v2 =	vmul.f32 v4, v1  }
0x162: {  	[tilespmem:s18+$0xA0] =	vst v3;
	v3 =	vmul.f32 v5, v1  }
0x163: {  	v4 =	vmul.f32 v6, v1;
	[tilespmem:s18+$0xC0] =	vst v2  }
0x164: {  	v2 =	vmul.f32 v7, v1;
	[tilespmem:s18+$0xF0] =	vst v3  }
0x165: {  	v3 =	vmul.f32 v8, v1;
	[tilespmem:s18+$0xE0] =	vst v4  }
0x166: {  	v1 =	vmul.f32 v61, v1;
	[tilespmem:s18+$0x90] =	vst v2  }
0x167: {  	[tilespmem:s18+$0xB0] =	vst v3  }
0x168: {  	p0 =	seq.s32 s16, $0x4E;
	[tilespmem:s18+$0xD0] =	vst v1;
	s18 =	sshll.u32 s16, $0x8  }
0x169: {  	[spmem:s2] =	stream.indirect.scatter.add.f32 [tilespmem:s26], [sflag:$0x3], $0x80, s11, s31, $0xb8;
	[tilespmem:$0x1FA80] =	vst v63  }
0x16a: {  	s8 =	sadd.s32 @!p0 s18, s21;
	_ =	swait.ge [sflag:s28], $0x2000  }
0x16b: {  	s8 =	sshrl.u32 @!p0 s8, $0x3;
	[sflag:s28] =	ssyncset.done $0x0  }
0x16c: {  	s17 =	simm.s32 @!p0 $0x0;
	s8 =	sadd.s32 @!p0 s5, s8;
	[sflag:s28] =	ssyncadd.s32 $0xFFFFE000  }
0x16d: {  	[tilespmem:s17], [sflag:$0x3] =	stream.linear.gather @!p0 [hbm4b:s8+s17], $0x80, $0x38;
	[tilespmem:$0x1FA80] =	vst v63  }
0x16e: {  	s8 =	simm.s32 @!p0 $0x3  }
0x16f: {  	_ =	swait.ge @!p0 [sflag:s8], $0x80  }
0x170: {  	[sflag:s8] =	ssyncset.done @!p0 $0x0  }
0x171: {  	[sflag:s8] =	ssyncadd.s32 @!p0 $0xFFFFFF80  }
0x172: {  	v1 =	vld @!p0 [tilespmem:$0x0]  }
0x173: {  	v2 =	vld @!p0 [tilespmem:$0x10]  }
0x174: {  	v3 =	vld @!p0 [tilespmem:$0x20]  }
0x175: {  	v4 =	vld @!p0 [tilespmem:$0x30];
	_ =	sdelay $0x1  }
0x176: {  	v1 =	vand.u32 @!p0 $0xFFFF, v1  }
0x177: {  	[tilespmem:$0x100] =	vst @!p0 v1;
	v1 =	vand.u32 @!p0 $0xFFFF, v2  }
0x178: {  	[tilespmem:$0x110] =	vst @!p0 v1;
	v1 =	vand.u32 @!p0 $0xFFFF, v3  }
0x179: {  	[tilespmem:$0x120] =	vst @!p0 v1;
	v1 =	vand.u32 @!p0 $0xFFFF, v4  }
0x17a: {  	s23 =	simm.s32 @!p0 $0x5200;
	s17 =	simm.s32 @!p0 $0x100;
	s8 =	simm.s32 @!p0 $0x40;
	[tilespmem:$0x130] =	vst @!p0 v1  }
0x17b: {  	[tilespmem:s23], [sflag:$0x1] =	stream.indirect.gather @!p0 [hbm4b:s1+s8], $0x80, s17, s8, $0xb8;
	[tilespmem:$0x1FA80] =	vst v63  }
0x17c: {  	_ =	swait.ge [sflag:s12], $0x2000  }
0x17d: {  	[sflag:s12] =	ssyncset.done $0x0  }
0x17e: {  	[sflag:s12] =	ssyncadd.s32 $0xFFFFE000  }
0x17f: {  	v1 =	vld [tilespmem:$0x80]  }
0x180: {  	v2 =	vld [tilespmem:$0x180];
	_ =	sdelay $0x3  }
0x181: {  	v1 =	vshrl.u32 v1, $0x10;
	_ =	sdelay $0x2  }
0x182: {  	[tilespmem:$0x280] =	vst v1  }
0x183: {  	v2 =	vld.idx.msk [tilespmem:v2+s29+$0x0], $0xffff  }
0x184: {  	v3 =	vld.idx.msk [tilespmem:v1+s30+$0x0], $0xffff;
	_ =	sdelay $0x1  }
0x185: {  	v4 =	vld [tilespmem:$0xC0];
	_ =	sdelay $0x2  }
0x186: {  	v2 =	vadd.f32 v3, v2;
	_ =	sdelay $0x1  }
0x187: {  	v2 =	vadd.f32 v4, v2;
	_ =	sdelay $0x1  }
0x188: {  	v3 =	vmul.f32 $9.999999770e-03, v2  }
0x189: {  	vm0 =	vge.f32 v2, $0.0e+00  }
0x18a: {  	v2 =	vsel vm0, v2, v3  }
0x18b: {  	v2 =	vmul.f32 $1.442695020e+00, v2;
	_ =	sdelay $0x1  }
0x18c: {  	(erf) = vpow2.f32 v2;
	_ =	sdelay $0x6  }
0x18d: {  	s19 =	sadd.s32 s19, s20  }
0x18e: {  	s24 =	sadd.s32 $0x40, s19  }
0x18f: {  	p1 =	slt.u32 s24, $0x4E200;
	v2 =	vpop (erf)  }
0x190: {  	v2 =	vpsel !p1, $0x0, v2  }
0x191: {  	[tilespmem:$0x9200] =	vst v2  }
0x192: {  	[tilespmem:v1+s9+$0x0] =	vst.idx.add.f32.msk $0xffff, v2  }
0x193: {  	v1 =	vld [tilespmem:$0x90]  }
0x194: {  	v2 =	vld [tilespmem:$0x190];
	_ =	sdelay $0x3  }
0x195: {  	v1 =	vshrl.u32 v1, $0x10;
	_ =	sdelay $0x2  }
0x196: {  	[tilespmem:$0x290] =	vst v1  }
0x197: {  	v2 =	vld.idx.msk [tilespmem:v2+s29+$0x0], $0xffff  }
0x198: {  	v3 =	vld.idx.msk [tilespmem:v1+s30+$0x0], $0xffff;
	_ =	sdelay $0x1  }
0x199: {  	v4 =	vld [tilespmem:$0xD0];
	_ =	sdelay $0x2  }
0x19a: {  	v2 =	vadd.f32 v3, v2;
	_ =	sdelay $0x1  }
0x19b: {  	v2 =	vadd.f32 v4, v2;
	_ =	sdelay $0x1  }
0x19c: {  	v3 =	vmul.f32 $9.999999770e-03, v2  }
0x19d: {  	vm13 =	vge.f32 v2, $0.0e+00  }
0x19e: {  	v2 =	vsel vm13, v2, v3  }
0x19f: {  	v2 =	vmul.f32 $1.442695020e+00, v2;
	_ =	sdelay $0x1  }
0x1a0: {  	(erf) = vpow2.f32 v2;
	_ =	sdelay $0x7  }
0x1a1: {  	s25 =	sadd.s32 $0x50, s19  }
0x1a2: {  	p4 =	slt.u32 s25, $0x4E200;
	v2 =	vpop (erf)  }
0x1a3: {  	v2 =	vpsel !p4, $0x0, v2  }
0x1a4: {  	[tilespmem:$0x9210] =	vst v2  }
0x1a5: {  	[tilespmem:v1+s9+$0x0] =	vst.idx.add.f32.msk $0xffff, v2  }
0x1a6: {  	v1 =	vld [tilespmem:$0xA0]  }
0x1a7: {  	v2 =	vld [tilespmem:$0x1A0];
	_ =	sdelay $0x3  }
0x1a8: {  	v1 =	vshrl.u32 v1, $0x10;
	_ =	sdelay $0x2  }
0x1a9: {  	[tilespmem:$0x2A0] =	vst v1  }
0x1aa: {  	v2 =	vld.idx.msk [tilespmem:v2+s29+$0x0], $0xffff  }
0x1ab: {  	v3 =	vld.idx.msk [tilespmem:v1+s30+$0x0], $0xffff;
	_ =	sdelay $0x1  }
0x1ac: {  	v4 =	vld [tilespmem:$0xE0];
	_ =	sdelay $0x2  }
0x1ad: {  	v2 =	vadd.f32 v3, v2;
	_ =	sdelay $0x1  }
0x1ae: {  	v2 =	vadd.f32 v4, v2;
	_ =	sdelay $0x1  }
0x1af: {  	v3 =	vmul.f32 $9.999999770e-03, v2  }
0x1b0: {  	vm14 =	vge.f32 v2, $0.0e+00  }
0x1b1: {  	v2 =	vsel vm14, v2, v3  }
0x1b2: {  	v2 =	vmul.f32 $1.442695020e+00, v2;
	_ =	sdelay $0x1  }
0x1b3: {  	(erf) = vpow2.f32 v2;
	_ =	sdelay $0x7  }
0x1b4: {  	s17 =	sadd.s32 $0x60, s19  }
0x1b5: {  	p5 =	slt.u32 s17, $0x4E200;
	v2 =	vpop (erf)  }
0x1b6: {  	v2 =	vpsel !p5, $0x0, v2  }
0x1b7: {  	[tilespmem:$0x9220] =	vst v2  }
0x1b8: {  	[tilespmem:v1+s9+$0x0] =	vst.idx.add.f32.msk $0xffff, v2  }
0x1b9: {  	v1 =	vld [tilespmem:$0xB0]  }
0x1ba: {  	v2 =	vld [tilespmem:$0x1B0];
	_ =	sdelay $0x3  }
0x1bb: {  	v1 =	vshrl.u32 v1, $0x10;
	_ =	sdelay $0x2  }
0x1bc: {  	[tilespmem:$0x2B0] =	vst v1  }
0x1bd: {  	v2 =	vld.idx.msk [tilespmem:v2+s29+$0x0], $0xffff  }
0x1be: {  	v3 =	vld.idx.msk [tilespmem:v1+s30+$0x0], $0xffff;
	_ =	sdelay $0x1  }
0x1bf: {  	v4 =	vld [tilespmem:$0xF0];
	_ =	sdelay $0x2  }
0x1c0: {  	v2 =	vadd.f32 v3, v2;
	_ =	sdelay $0x1  }
0x1c1: {  	v2 =	vadd.f32 v4, v2;
	_ =	sdelay $0x1  }
0x1c2: {  	v3 =	vmul.f32 $9.999999770e-03, v2  }
0x1c3: {  	vm15 =	vge.f32 v2, $0.0e+00  }
0x1c4: {  	v2 =	vsel vm15, v2, v3  }
0x1c5: {  	v2 =	vmul.f32 $1.442695020e+00, v2;
	_ =	sdelay $0x1  }
0x1c6: {  	(erf) = vpow2.f32 v2;
	_ =	sdelay $0x4  }
0x1c7: {  	s23 =	simm.s32 $0x0  }
0x1c8: {  	v2 =	vmov s23  }
0x1c9: {  	v2 =	vand.u32 $0xFFFFFFFC, v2  }
0x1ca: {  	s19 =	sadd.s32 $0x70, s19;
	v2 =	vbroadcast v2, $0x0  }
0x1cb: {  	p6 =	slt.u32 s19, $0x4E200;
	v3 =	vpop (erf)  }
0x1cc: {  	v3 =	vpsel !p6, $0x0, v3  }
0x1cd: {  	[tilespmem:$0x9230] =	vst v3  }
0x1ce: {  	s19 =	simm.s32 $0x7300;
	[tilespmem:v1+s9+$0x0] =	vst.idx.add.f32.msk $0xffff, v3  }
0x1cf: {  	v1 =	vld [tilespmem:s19+$0xFFFFFF70]  }
0x1d0: {  	v2 =	vld.idx.msk [tilespmem:v2+s10+$0x0], $0xffff  }
0x1d1: {  	v3 =	vld [tilespmem:s19+$0xFFFFFF00]  }
0x1d2: {  	v4 =	vld [tilespmem:s19+$0xFFFFFF20]  }
0x1d3: {  	v5 =	vld [tilespmem:s19+$0xFFFFFF50]  }
0x1d4: {  	v6 =	vld [tilespmem:s19+$0xFFFFFF40]  }
0x1d5: {  	v7 =	vld [tilespmem:s19+$0xFFFFFF60];
	v1 =	vmul.f32 v1, v2  }
0x1d6: {  	s24 =	simm.s32 $0x1;
	v8 =	vld [tilespmem:s19+$0xFFFFFF30];
	v3 =	vmul.f32 v3, v2  }
0x1d7: {  	v62 =	vld [tilespmem:s19+$0xFFFFFF10];
	v4 =	vmul.f32 v4, v2;
	[tilespmem:s19+$0xFFFFFF70] =	vst v1;
	v1 =	vmov s24  }
0x1d8: {  	v5 =	vmul.f32 v5, v2;
	[tilespmem:s19+$0xFFFFFF00] =	vst v3;
	v1 =	vand.u32 $0xFFFFFFFD, v1  }
0x1d9: {  	v3 =	vmul.f32 v6, v2;
	[tilespmem:s19+$0xFFFFFF20] =	vst v4;
	v1 =	vbroadcast v1, $0x0  }
0x1da: {  	v4 =	vmul.f32 v7, v2;
	[tilespmem:s19+$0xFFFFFF50] =	vst v5  }
0x1db: {  	v5 =	vmul.f32 v8, v2;
	[tilespmem:s19+$0xFFFFFF40] =	vst v3  }
0x1dc: {  	v2 =	vmul.f32 v62, v2;
	[tilespmem:s19+$0xFFFFFF60] =	vst v4  }
0x1dd: {  	v6 =	vld [tilespmem:s19+$0xFFFFFFC0];
	[tilespmem:s19+$0xFFFFFF30] =	vst v5  }
0x1de: {  	[tilespmem:s19+$0xFFFFFF10] =	vst v2;
	v2 =	vld [tilespmem:s19+$0xFFFFFF90]  }
0x1df: {  	v3 =	vld.idx.msk [tilespmem:v1+s10+$0x0], $0xffff  }
0x1e0: {  	v1 =	vld [tilespmem:s19+$0xFFFFFFA0]  }
0x1e1: {  	v4 =	vld [tilespmem:s19+$0xFFFFFF80]  }
0x1e2: {  	v5 =	vld [tilespmem:s19+$0xFFFFFFB0]  }
0x1e3: {  	v7 =	vld [tilespmem:s19+$0xFFFFFFD0]  }
0x1e4: {  	v8 =	vld [tilespmem:s19+$0xFFFFFFF0];
	v2 =	vmul.f32 v2, v3  }
0x1e5: {  	s25 =	simm.s32 $0x2;
	v1 =	vmul.f32 v1, v3  }
0x1e6: {  	v63 =	vld [tilespmem:s19+$0xFFFFFFE0];
	v4 =	vmul.f32 v4, v3;
	[tilespmem:s19+$0xFFFFFF90] =	vst v2;
	v2 =	vmov s25  }
0x1e7: {  	v5 =	vmul.f32 v5, v3;
	[tilespmem:s19+$0xFFFFFFA0] =	vst v1;
	v1 =	vand.u32 $0xFFFFFFFE, v2  }
0x1e8: {  	[tilespmem:s19+$0xFFFFFF80] =	vst v4;
	v4 =	vmul.f32 v7, v3;
	v7 =	vld [tilespmem:s19+$0x0];
	v10 =	vbroadcast v1, $0x0  }
0x1e9: {  	[tilespmem:s19+$0xFFFFFFB0] =	vst v5;
	v5 =	vmul.f32 v8, v3;
	v2 =	vmul.f32 v6, v3;
	v6 =	vld [tilespmem:s19+$0x60]  }
0x1ea: {  	v1 =	vld [tilespmem:s19+$0x20];
	[tilespmem:s19+$0xFFFFFFD0] =	vst v4  }
0x1eb: {  	v3 =	vmul.f32 v63, v3;
	[tilespmem:s19+$0xFFFFFFF0] =	vst v5;
	v4 =	vld [tilespmem:s19+$0x40]  }
0x1ec: {  	v5 =	vld [tilespmem:s19+$0x10];
	[tilespmem:s19+$0xFFFFFFC0] =	vst v2  }
0x1ed: {  	v2 =	vld [tilespmem:s19+$0x30];
	[tilespmem:s19+$0xFFFFFFE0] =	vst v3  }
0x1ee: {  	s24 =	simm.s32 $0x4;
	s25 =	simm.s32 $0x7300;
	v3 =	vld.idx.msk [tilespmem:v10+s10+$0x0], $0xffff  }
.LBB2_9:
0x1ef: {  	p1 =	sne.s32 s24, $0x3C  }
0x1f0: {  	v8 =	vld [tilespmem:s19+$0x50];
	s25 =	sadd.s32 $0x200, s25;
	s8 =	smov.u32 s24;
	s24 =	sadd.s32 $0x4, s24  }
0x1f1: {  	v9 =	vld [tilespmem:s19+$0x70];
	_ =	sdelay $0x1  }
0x1f2: {  	v6 =	vmul.f32 v6, v3;
	v7 =	vmul.f32 v7, v3  }
0x1f3: {  	v4 =	vmul.f32 v4, v3;
	v5 =	vmul.f32 v5, v3  }
0x1f4: {  	v1 =	vmul.f32 v1, v3;
	v2 =	vmul.f32 v2, v3;
	[tilespmem:s19+$0x60] =	vst v6  }
0x1f5: {  	[tilespmem:s19+$0x40] =	vst v4;
	v4 =	vmul.f32 v8, v3;
	v3 =	vmul.f32 v9, v3  }
0x1f6: {  	s17 =	sadd.s32 $0x3, s23;
	s23 =	smov.u32 s8;
	[tilespmem:s19+$0x20] =	vst v1;
	v6 =	vld [tilespmem:s19+$0x80]  }
0x1f7: {  	v1 =	vld [tilespmem:s25+$0x20];
	[tilespmem:s19+$0x0] =	vst v7;
	v7 =	vmov s17  }
0x1f8: {  	[tilespmem:s19+$0x50] =	vst v4;
	v4 =	vld [tilespmem:s19+$0xE0]  }
0x1f9: {  	[tilespmem:s19+$0x30] =	vst v2;
	v8 =	vld [tilespmem:s19+$0xC0]  }
0x1fa: {  	v2 =	vld [tilespmem:s25+$0x30];
	[tilespmem:s19+$0x10] =	vst v5  }
0x1fb: {  	[tilespmem:s19+$0x70] =	vst v3;
	v3 =	vld [tilespmem:s19+$0xA0]  }
0x1fc: {  	v5 =	vld.idx.msk [tilespmem:v7+s10+$0x0], $0xffff  }
0x1fd: {  	v7 =	vld [tilespmem:s19+$0x90]  }
0x1fe: {  	v9 =	vld [tilespmem:s19+$0xB0]  }
0x1ff: {  	v10 =	vld [tilespmem:s19+$0xD0]  }
0x200: {  	v11 =	vld [tilespmem:s19+$0xF0];
	_ =	sdelay $0x1  }
0x201: {  	v6 =	vmul.f32 v6, v5;
	v7 =	vmul.f32 v7, v5  }
0x202: {  	v3 =	vmul.f32 v3, v5;
	v9 =	vmul.f32 v9, v5  }
0x203: {  	v12 =	vmov s23;
	[tilespmem:s19+$0x80] =	vst v6;
	v6 =	vmul.f32 v8, v5;
	v8 =	vmul.f32 v10, v5  }
0x204: {  	v10 =	vand.u32 $0xFFFFFFFC, v12;
	[tilespmem:s19+$0xA0] =	vst v3;
	v3 =	vmul.f32 v4, v5;
	v4 =	vmul.f32 v11, v5  }
0x205: {  	v5 =	vbroadcast v10, $0x0;
	[tilespmem:s19+$0xC0] =	vst v6  }
0x206: {  	[tilespmem:s19+$0xF0] =	vst v4  }
0x207: {  	v4 =	vld [tilespmem:s25+$0xFFFFFF40];
	[tilespmem:s19+$0xE0] =	vst v3  }
0x208: {  	v3 =	vld [tilespmem:s25+$0xFFFFFF50];
	[tilespmem:s19+$0x90] =	vst v7  }
0x209: {  	v6 =	vld [tilespmem:s25+$0xFFFFFF60];
	[tilespmem:s19+$0xB0] =	vst v9  }
0x20a: {  	v7 =	vld [tilespmem:s25+$0xFFFFFF70];
	[tilespmem:s19+$0xD0] =	vst v8;
	s19 =	smov.u32 s25  }
0x20b: {  	v5 =	vld.idx.msk [tilespmem:v5+s10+$0x0], $0xffff  }
0x20c: {  	v8 =	vld [tilespmem:s25+$0xFFFFFF00]  }
0x20d: {  	v9 =	vld [tilespmem:s25+$0xFFFFFF20]  }
0x20e: {  	v10 =	vld [tilespmem:s25+$0xFFFFFF10]  }
0x20f: {  	v11 =	vld [tilespmem:s25+$0xFFFFFF30];
	_ =	sdelay $0x1  }
0x210: {  	v7 =	vmul.f32 v7, v5;
	v8 =	vmul.f32 v8, v5  }
0x211: {  	s8 =	sadd.s32 $0x1, s23;
	v6 =	vmul.f32 v6, v5;
	v9 =	vmul.f32 v9, v5  }
0x212: {  	v3 =	vmul.f32 v3, v5;
	v10 =	vmul.f32 v10, v5;
	[tilespmem:s25+$0xFFFFFF70] =	vst v7;
	v7 =	vmov s8  }
0x213: {  	v4 =	vmul.f32 v4, v5;
	[tilespmem:s25+$0xFFFFFF00] =	vst v8;
	v8 =	vmul.f32 v11, v5;
	v5 =	vand.u32 $0xFFFFFFFD, v7  }
0x214: {  	[tilespmem:s25+$0xFFFFFF20] =	vst v9;
	v5 =	vbroadcast v5, $0x0  }
0x215: {  	[tilespmem:s25+$0xFFFFFF50] =	vst v3  }
0x216: {  	[tilespmem:s25+$0xFFFFFF40] =	vst v4;
	v3 =	vld [tilespmem:s25+$0xFFFFFFF0]  }
0x217: {  	[tilespmem:s25+$0xFFFFFF60] =	vst v6;
	v4 =	vld [tilespmem:s25+$0xFFFFFFC0]  }
0x218: {  	[tilespmem:s25+$0xFFFFFF30] =	vst v8;
	v6 =	vld [tilespmem:s25+$0xFFFFFFD0]  }
0x219: {  	[tilespmem:s25+$0xFFFFFF10] =	vst v10;
	v7 =	vld [tilespmem:s25+$0xFFFFFF90]  }
0x21a: {  	v5 =	vld.idx.msk [tilespmem:v5+s10+$0x0], $0xffff  }
0x21b: {  	v8 =	vld [tilespmem:s25+$0xFFFFFF80]  }
0x21c: {  	v9 =	vld [tilespmem:s25+$0xFFFFFFA0]  }
0x21d: {  	v10 =	vld [tilespmem:s25+$0xFFFFFFB0]  }
0x21e: {  	v11 =	vld [tilespmem:s25+$0xFFFFFFE0];
	_ =	sdelay $0x1  }
0x21f: {  	v7 =	vmul.f32 v7, v5;
	v8 =	vmul.f32 v8, v5  }
0x220: {  	s8 =	sadd.s32 $0x2, s23;
	v6 =	vmul.f32 v6, v5;
	v9 =	vmul.f32 v9, v5  }
0x221: {  	v4 =	vmul.f32 v4, v5;
	[tilespmem:s25+$0xFFFFFF90] =	vst v7;
	v7 =	vmul.f32 v10, v5;
	v10 =	vmov s8  }
0x222: {  	v3 =	vmul.f32 v3, v5;
	[tilespmem:s25+$0xFFFFFFA0] =	vst v9;
	v9 =	vmul.f32 v11, v5;
	v5 =	vand.u32 $0xFFFFFFFE, v10  }
0x223: {  	[tilespmem:s25+$0xFFFFFF80] =	vst v8;
	v5 =	vbroadcast v5, $0x0  }
0x224: {  	[tilespmem:s25+$0xFFFFFFB0] =	vst v7  }
0x225: {  	[tilespmem:s25+$0xFFFFFFC0] =	vst v4  }
0x226: {  	[tilespmem:s25+$0xFFFFFFD0] =	vst v6  }
.Ltmp5:
0x227: {  	[tilespmem:s25+$0xFFFFFFF0] =	vst v3;
	v4 =	vld [tilespmem:s25+$0x40];
	(pc) =	sbr.rel @p1 .LBB2_9-.Ltmp5, $4  }
0x228: {  	[tilespmem:s25+$0xFFFFFFE0] =	vst v9;
	v6 =	vld [tilespmem:s25+$0x60]  }
0x229: {  	v3 =	vld.idx.msk [tilespmem:v5+s10+$0x0], $0xffff  }
0x22a: {  	v7 =	vld [tilespmem:s25+$0x0]  }
0x22b: {  	v5 =	vld [tilespmem:s25+$0x10]  }
0x22c: {  	_ =	sdelay $0x1  }
0x22d: {  	v6 =	vmul.f32 v6, v3  }
0x22e: {  	v8 =	vld [tilespmem:s19+$0x50];
	v4 =	vmul.f32 v4, v3  }
0x22f: {  	v9 =	vld [tilespmem:s19+$0x70];
	v1 =	vmul.f32 v1, v3;
	[tilespmem:s19+$0x60] =	vst v6  }
0x230: {  	v54 =	vmul.f32 v7, v3;
	[tilespmem:s19+$0x40] =	vst v4  }
0x231: {  	s8 =	sadd.s32 $0x3, s23;
	[tilespmem:s19+$0x20] =	vst v1;
	v1 =	vmul.f32 v2, v3  }
0x232: {  	v56 =	vmov s8;
	v5 =	vmul.f32 v5, v3;
	[tilespmem:s19+$0x0] =	vst v54  }
0x233: {  	v55 =	vmul.f32 v8, v3;
	[tilespmem:s19+$0x30] =	vst v1  }
0x234: {  	v3 =	vmul.f32 v9, v3;
	[tilespmem:s19+$0x10] =	vst v5  }
0x235: {  	[tilespmem:s19+$0x50] =	vst v55  }
0x236: {  	v2 =	vld [tilespmem:s19+$0x80];
	[tilespmem:s19+$0x70] =	vst v3  }
0x237: {  	v1 =	vld.idx.msk [tilespmem:v56+s10+$0x0], $0xffff  }
0x238: {  	v3 =	vld [tilespmem:s19+$0xA0]  }
0x239: {  	v59 =	vld [tilespmem:s19+$0xE0]  }
0x23a: {  	v57 =	vld [tilespmem:s19+$0xC0]  }
0x23b: {  	v58 =	vld [tilespmem:s19+$0xF0]  }
0x23c: {  	v60 =	vld [tilespmem:s19+$0x90];
	v2 =	vmul.f32 v2, v1  }
0x23d: {  	v61 =	vld [tilespmem:s19+$0xB0];
	v3 =	vmul.f32 v3, v1  }
0x23e: {  	v62 =	vld [tilespmem:s19+$0xD0];
	v63 =	vmul.f32 v59, v1;
	[tilespmem:s19+$0x80] =	vst v2  }
0x23f: {  	v2 =	vmul.f32 v57, v1;
	[tilespmem:s19+$0xA0] =	vst v3  }
0x240: {  	v3 =	vmul.f32 v58, v1;
	[tilespmem:s19+$0xE0] =	vst v63  }
0x241: {  	[tilespmem:s19+$0xC0] =	vst v2;
	v2 =	vmul.f32 v60, v1  }
0x242: {  	[tilespmem:s19+$0xF0] =	vst v3;
	v3 =	vmul.f32 v61, v1  }
0x243: {  	v1 =	vmul.f32 v62, v1;
	[tilespmem:s19+$0x90] =	vst v2  }
0x244: {  	[tilespmem:s19+$0xB0] =	vst v3  }
.Ltmp6:
0x245: {  	[tilespmem:s19+$0xD0] =	vst v1;
	(pc) =	sbr.rel @p0 .LBB2_12-.Ltmp6, $4  }
0x246: {  	[spmem:s2] =	stream.indirect.scatter.add.f32 [tilespmem:s6], [sflag:$0x3], $0x80, s13, s31, $0xb8;
	[tilespmem:$0x1FA80] =	vst v63  }
0x247: {  	_ =	swait.ge [sflag:s28], $0x2000  }
0x248: {  	[sflag:s28] =	ssyncset.done $0x0  }
0x249: {  	[sflag:s28] =	ssyncadd.s32 $0xFFFFE000  }
0x24a: {  	s8 =	sadd.s32 s18, s22  }
0x24b: {  	s8 =	sshrl.u32 s8, $0x3  }
0x24c: {  	s8 =	sadd.s32 s5, s8  }
0x24d: {  	[tilespmem:s0], [sflag:$0x3] =	stream.linear.gather [hbm4b:s8+s4], $0x80, $0x38;
	[tilespmem:$0x1FA80] =	vst v63  }
0x24e: {  	_ =	swait.ge [sflag:s28], $0x80  }
0x24f: {  	[sflag:s28] =	ssyncset.done $0x0  }
0x250: {  	[sflag:s28] =	ssyncadd.s32 $0xFFFFFF80  }
0x251: {  	v1 =	vld [tilespmem:$0x80]  }
0x252: {  	v2 =	vld [tilespmem:$0x90]  }
0x253: {  	v3 =	vld [tilespmem:$0xA0]  }
0x254: {  	v4 =	vld [tilespmem:$0xB0];
	_ =	sdelay $0x1  }
0x255: {  	v1 =	vand.u32 $0xFFFF, v1  }
.Ltmp7:
0x256: {  	[tilespmem:$0x180] =	vst v1;
	v1 =	vand.u32 $0xFFFF, v2;
	(pc) =	sbr.rel .LBB2_6-.Ltmp7, $4  }
0x257: {  	[tilespmem:$0x190] =	vst v1;
	v1 =	vand.u32 $0xFFFF, v3  }
0x258: {  	[tilespmem:$0x1A0] =	vst v1;
	v1 =	vand.u32 $0xFFFF, v4  }
0x259: {  	s16 =	sadd.s32 $0x1, s16;
	[tilespmem:$0x1B0] =	vst v1  }
0x25a: {  	[tilespmem:s6], [sflag:$0x2] =	stream.indirect.gather [hbm4b:s1+s31], $0x80, s3, s31, $0xb8;
	[tilespmem:$0x1FA80] =	vst v63  }
.LBB2_13:
0x25b: {  	_ =	sfence.sel $0x180000  }
0x25c: {  	[bflag:$0x0] =	sbarrier.arrive $0xFFFF  }
0x25d: {  	_ =	strace $0x90000047  }
0x25e: {  	s0 =	stileid.u32;
	[bflag:$0x2] =	sbarrier.arrive $0xFFFF  }
0x25f: {  	p0 =	sne.s32 s0, $0x0;
	s0 =	rddreg [dreg:$0x3]  }
0x260: {  	s0 =	sadd.s32 @!p0 $0x100000, s0  }
0x261: {  	[sflag:s0] =	ssyncadd.tile.s32 @!p0 $0x1;
	_ =	shalt  }
.Lfunc_end2:
_tile_overlayer_lowered:
.L_overlay_start_2:
0x262: {  	(tag) =	ssettag $0x2  }
0x263: {  	s0 =	rddreg [dreg:$0x0];
	s2 =	stileid.u32  }
0x264: {  	s1 =	rddreg [dreg:$0x1];
	p0 =	sne.s32 s2, $0x0  }
0x265: {  	s3 =	rddreg [dreg:$0x2];
	[bflag:$0x3] =	sbarrier.arrive $0xFFFF;
	s2 =	simm.s32 @!p0 $0x1C03  }
0x266: {  	[timem:s3], [sflag:s2] =	dma.local @!p0 [hbm:s0], s1  }
0x267: {  	s0 =	simm.s32 @!p0 $0x3  }
0x268: {  	_ =	swait.ge @!p0 [sflag:s0], s1  }
0x269: {  	s1 =	ssub.s32 @!p0 $0x0, s1;
	[sflag:s0] =	ssyncset.done @!p0 $0x0  }
0x26a: {  	[sflag:s0] =	ssyncadd.s32 @!p0 s1  }
0x26b: {  	[bflag:$0x3] =	sbarrier.arrive $0xFFFF  }
0x26c: {  	_ =	shalt  }

</sc_bundles>
